<compile_context>
chip_gen: v7x
topology: tpu7x:2x2x1
jax: 0.10.2.dev20260603
libtpu: 0.0.44.dev20260713+nightly
codegen_flags: <defaults>
</compile_context>

<pallas_src>
import functools

import jax
import jax.numpy as jnp
from jax import lax
from jax.experimental import pallas as pl
from jax.experimental.pallas import tpu as pltpu
from jax.experimental.pallas import tpu_sc as plsc

N_NODES = 10000
N_EDGES = 320000
D_FEAT = 128
L1 = 64
L2 = 32

NC = 2
NS = 16
NW = NC * NS
N_PAD = 10240
N_PER_W = N_EDGES // NW
PADT = 240
W_EDGES = N_PER_W + PADT
_DEG_W = 8

_SC_PARAMS = pltpu.CompilerParams(use_tc_tiling_on_sc=False)


def _mesh():
    return plsc.VectorSubcoreMesh(core_axis_name="c", subcore_axis_name="s",
                                  num_cores=NC, num_subcores=NS)


def _stage_indices(ei_hbm, row, idx_v, base):
    pltpu.sync_copy(ei_hbm.at[row].at[pl.ds(base, N_PER_W)],
                    idx_v.at[pl.ds(0, N_PER_W)])
    for t in range(PADT // 16):
        idx_v[pl.ds(N_PER_W + 16 * t, 16)] = (
            lax.iota(jnp.int32, 16) + (N_NODES + 16 * t))



def _make_agg(d, chunk, nbuf):
    kb = W_EDGES // chunk
    stripe = N_PAD // NS

    @functools.partial(
        pl.kernel,
        out_type=jax.ShapeDtypeStruct((NC, N_PAD, d), jnp.float32),
        mesh=_mesh(),
        scratch_types=[
            pltpu.VMEM((W_EDGES,), jnp.int32),
            pltpu.VMEM((W_EDGES,), jnp.int32),
            pltpu.VMEM((nbuf, chunk, d), jnp.float32),
            pltpu.VMEM_SHARED((N_PAD, d), jnp.float32),
            pltpu.SemaphoreType.DMA((nbuf,)),
        ],
        compiler_params=_SC_PARAMS,
    )
    def agg(table_hbm, ei_hbm, zeros_hbm, out_hbm,
            src_v, dst_v, rows_v, acc_sh, sems):
        c = lax.axis_index("c")
        s = lax.axis_index("s")
        base = (c * NS + s) * N_PER_W
        _stage_indices(ei_hbm, 0, src_v, base)
        _stage_indices(ei_hbm, 1, dst_v, base)
        pltpu.sync_copy(zeros_hbm.at[pl.ds(s * stripe, stripe)],
                        acc_sh.at[pl.ds(s * stripe, stripe)])
        plsc.subcore_barrier()

        def start_gather(j, b):
            pltpu.async_copy(
                table_hbm.at[src_v.at[pl.ds(j * chunk, chunk)]],
                rows_v.at[b], sems.at[b])

        for b in range(nbuf - 1):
            start_gather(b, b)

        def body(j, carry):
            b = lax.rem(j, nbuf)
            f = j + nbuf - 1

            @pl.when(f < kb)
            def _():
                start_gather(f, lax.rem(f, nbuf))

            pltpu.make_async_copy(
                table_hbm.at[src_v.at[pl.ds(j * chunk, chunk)]],
                rows_v.at[b], sems.at[b]).wait()
            pltpu.sync_copy(rows_v.at[b],
                            acc_sh.at[dst_v.at[pl.ds(j * chunk, chunk)]],
                            add=True)
            return carry

        lax.fori_loop(0, kb, body, 0)
        plsc.subcore_barrier()
        pltpu.sync_copy(acc_sh.at[pl.ds(s * stripe, stripe)],
                        out_hbm.at[c].at[pl.ds(s * stripe, stripe)])

    return agg


def _make_deg(chunk):
    kb = W_EDGES // chunk
    stripe = N_PAD // NS

    @functools.partial(
        pl.kernel,
        out_type=jax.ShapeDtypeStruct((NC, N_PAD, _DEG_W), jnp.float32),
        mesh=_mesh(),
        scratch_types=[
            pltpu.VMEM((W_EDGES,), jnp.int32),
            pltpu.VMEM((chunk, _DEG_W), jnp.float32),
            pltpu.VMEM_SHARED((N_PAD, _DEG_W), jnp.float32),
            pltpu.SemaphoreType.DMA,
        ],
        compiler_params=_SC_PARAMS,
    )
    def deg(ei_hbm, ones_hbm, zeros_hbm, out_hbm, dst_v, ones_v, acc_sh, sem):
        c = lax.axis_index("c")
        s = lax.axis_index("s")
        base = (c * NS + s) * N_PER_W
        _stage_indices(ei_hbm, 1, dst_v, base)
        pltpu.sync_copy(ones_hbm, ones_v)
        pltpu.sync_copy(zeros_hbm.at[pl.ds(s * stripe, stripe)],
                        acc_sh.at[pl.ds(s * stripe, stripe)])
        plsc.subcore_barrier()

        def fire(j, carry):
            pltpu.async_copy(
                ones_v, acc_sh.at[dst_v.at[pl.ds(j * chunk, chunk)]],
                sem, add=True)
            return carry

        def drain(j, carry):
            pltpu.make_async_copy(
                ones_v, acc_sh.at[dst_v.at[pl.ds(j * chunk, chunk)]],
                sem).wait()
            return carry

        lax.fori_loop(0, kb, fire, 0)
        lax.fori_loop(0, kb, drain, 0)
        plsc.subcore_barrier()
        pltpu.sync_copy(acc_sh.at[pl.ds(s * stripe, stripe)],
                        out_hbm.at[c].at[pl.ds(s * stripe, stripe)])

    return deg


@functools.lru_cache(maxsize=None)
def _agg_fn(d, chunk, nbuf):
    return _make_agg(d, chunk, nbuf)


@functools.lru_cache(maxsize=None)
def _deg_fn(chunk):
    return _make_deg(chunk)


def _agg_deg(*a):
    return _deg_fn(1024)(*a)


def _agg64(*a):
    return _agg_fn(L1, 512, 2)(*a)


def _agg32(*a):
    return _agg_fn(L2, 1024, 2)(*a)



_BLK = 2048
_GRID = N_PAD // _BLK


def _dinv_of(deg):
    return lax.rsqrt(deg[0])[:, None]


def _mm_body(x_ref, w_ref, out_ref):
    out_ref[...] = jnp.dot(x_ref[...], w_ref[...],
                           preferred_element_type=jnp.float32)


def _scale_body(h_ref, degp_ref, out_ref):
    out_ref[...] = _dinv_of(degp_ref[...]) * h_ref[...]


def _k2_body(p_ref, degp_ref, g1_ref, b_ref, w_ref, out_ref):
    dinv = _dinv_of(degp_ref[...])
    a = jnp.maximum(dinv * (p_ref[0] + p_ref[1] + g1_ref[...]) + b_ref[...],
                    0.0)
    out_ref[...] = dinv * jnp.dot(a, w_ref[...],
                                  preferred_element_type=jnp.float32)


def _k3_body(q_ref, degp_ref, g2_ref, b_ref, w_ref, b3_ref, out_ref):
    dinv = _dinv_of(degp_ref[...])
    a = jnp.maximum(dinv * (q_ref[0] + q_ref[1] + g2_ref[...]) + b_ref[...],
                    0.0)
    out_ref[...] = jnp.dot(a, w_ref[...],
                           preferred_element_type=jnp.float32) + b3_ref[...]


def _tc_matmul(x, w):
    return pl.pallas_call(
        _mm_body,
        grid=(_GRID,),
        in_specs=[
            pl.BlockSpec((_BLK, D_FEAT), lambda i: (i, 0)),
            pl.BlockSpec((D_FEAT, L1), lambda i: (0, 0)),
        ],
        out_specs=pl.BlockSpec((_BLK, L1), lambda i: (i, 0)),
        out_shape=jax.ShapeDtypeStruct((N_PAD, L1), jnp.float32),
    )(x, w)


def _tc_scale(h, degp):
    return pl.pallas_call(
        _scale_body,
        grid=(_GRID,),
        in_specs=[
            pl.BlockSpec((_BLK, L1), lambda i: (i, 0)),
            pl.BlockSpec((1, _BLK), lambda i: (0, i)),
        ],
        out_specs=pl.BlockSpec((_BLK, L1), lambda i: (i, 0)),
        out_shape=jax.ShapeDtypeStruct((N_PAD, L1), jnp.float32),
    )(h, degp)


def _tc_layer2(p, degp, g1, b1, w2):
    return pl.pallas_call(
        _k2_body,
        grid=(_GRID,),
        in_specs=[
            pl.BlockSpec((NC, _BLK, L1), lambda i: (0, i, 0)),
            pl.BlockSpec((1, _BLK), lambda i: (0, i)),
            pl.BlockSpec((_BLK, L1), lambda i: (i, 0)),
            pl.BlockSpec((1, L1), lambda i: (0, 0)),
            pl.BlockSpec((L1, L2), lambda i: (0, 0)),
        ],
        out_specs=pl.BlockSpec((_BLK, L2), lambda i: (i, 0)),
        out_shape=jax.ShapeDtypeStruct((N_PAD, L2), jnp.float32),
    )(p, degp, g1, b1, w2)


def _tc_head(q, degp, g2, b2, w3, b3):
    return pl.pallas_call(
        _k3_body,
        grid=(_GRID,),
        in_specs=[
            pl.BlockSpec((NC, _BLK, L2), lambda i: (0, i, 0)),
            pl.BlockSpec((1, _BLK), lambda i: (0, i)),
            pl.BlockSpec((_BLK, L2), lambda i: (i, 0)),
            pl.BlockSpec((1, L2), lambda i: (0, 0)),
            pl.BlockSpec((L2, 1), lambda i: (0, 0)),
            pl.BlockSpec((1, 1), lambda i: (0, 0)),
        ],
        out_specs=pl.BlockSpec((_BLK, 1), lambda i: (i, 0)),
        out_shape=jax.ShapeDtypeStruct((N_PAD, 1), jnp.float32),
    )(q, degp, g2, b2, w3, b3)



def kernel(x, edge_index, W1, b1, W2, b2, W3, b3):
    ei = edge_index.astype(jnp.int32)

    x_pad = jnp.pad(x, ((0, N_PAD - N_NODES), (0, 0)))
    ones16 = jnp.ones((1024, _DEG_W), jnp.float32)
    zeros16 = jnp.zeros((N_PAD, _DEG_W), jnp.float32)
    zeros64 = jnp.zeros((N_PAD, L1), jnp.float32)
    zeros32 = jnp.zeros((N_PAD, L2), jnp.float32)

    dp = _agg_deg(ei, ones16, zeros16)
    h1 = _tc_matmul(x_pad, W1)
    degp = (dp[0, :, 0] + dp[1, :, 0] + 1.0)[None, :]

    g1 = _tc_scale(h1, degp)
    p = _agg64(g1, ei, zeros64)
    g2 = _tc_layer2(p, degp, g1, b1.reshape(1, L1), W2)
    q = _agg32(g2, ei, zeros32)
    out = _tc_head(q, degp, g2, b2.reshape(1, L2), W3, b3.reshape(1, 1))
    return out[:N_NODES]

# --- scband reference (transcript-rebuilt; emitter-appended) ---
"""Pipeline reference for scband-just-graph-structure-geometric-16192026706672 (READ-ONLY COPY).

The authoritative reference and input builder live on the scoring server;
editing this copy changes nothing except your own understanding.
"""

import jax, jax.numpy as jnp
import numpy as np

N_NODES = 10000
N_EDGES = 320000
D_FEAT = 128
L1 = 64
L2 = 32


def setup_inputs(seed: int = 0) -> dict:
    key = jax.random.key(seed)
    ks = jax.random.split(key, 9)
    x = jax.random.normal(ks[0], (N_NODES, D_FEAT), dtype=jnp.float32)
    edge_index = jax.random.randint(ks[1], (2, N_EDGES), 0, N_NODES, dtype=jnp.int64)
    # GCNConv layer 1 params (Glorot-ish init)
    W1 = jax.random.normal(ks[2], (D_FEAT, L1), dtype=jnp.float32) * (1.0 / np.sqrt(D_FEAT))
    b1 = jnp.zeros((L1,), dtype=jnp.float32)
    W2 = jax.random.normal(ks[3], (L1, L2), dtype=jnp.float32) * (1.0 / np.sqrt(L1))
    b2 = jnp.zeros((L2,), dtype=jnp.float32)
    W3 = jax.random.normal(ks[4], (L2, 1), dtype=jnp.float32) * (1.0 / np.sqrt(L2))
    b3 = jnp.zeros((1,), dtype=jnp.float32)
    return {"x": x, "edge_index": edge_index, "W1": W1, "b1": b1, "W2": W2, "b2": b2, "W3": W3, "b3": b3}


def gcn_conv(x, edge_index, W, b):
    # GCNConv: out = D^{-1/2} (A + I) D^{-1/2} X W + b  (add_self_loops=True, normalize=True)
    num_nodes = x.shape[0]
    loop = jnp.arange(num_nodes, dtype=edge_index.dtype)
    src = jnp.concatenate([edge_index[0], loop])
    dst = jnp.concatenate([edge_index[1], loop])
    ones = jnp.ones_like(dst, dtype=x.dtype)
    deg = jax.ops.segment_sum(ones, dst, num_segments=num_nodes)
    deg_inv_sqrt = jnp.where(deg > 0, deg ** -0.5, 0.0)
    norm = deg_inv_sqrt[src] * deg_inv_sqrt[dst]
    h = x @ W
    msg = h[src] * norm[:, None]
    out = jax.ops.segment_sum(msg, dst, num_segments=num_nodes)
    return out + b


def reference(x, edge_index, W1, b1, W2, b2, W3, b3):
    # activation_func = 'relu'; dropout is identity in eval mode
    h = jax.nn.relu(gcn_conv(x, edge_index, W1, b1))
    h = jax.nn.relu(gcn_conv(h, edge_index, W2, b2))
    out = h @ W3 + b3
    return out


if False:  # reference __main__ guard neutralized (emitter)
    inp = setup_inputs()
    out = reference(**inp)
    print(out.shape)

if __name__ == "__main__":
    import jax
    _d = setup_inputs()
    print(jax.jit(kernel)(*tuple(_d.values())))

</pallas_src>

<mosaic_0001>
#map = affine_map<(d0, d1) -> (0, 0)>
#map1 = affine_map<(d0, d1) -> (0, 0, 0)>
module attributes {stable_mosaic.version = 14 : i64} {
  func.func @deg(%arg0: i32, %arg1: i32, %arg2: memref<2x320000xi32, #tpu.memory_space<hbm>>, %arg3: memref<1024x8xf32, #tpu.memory_space<hbm>>, %arg4: memref<10240x8xf32, #tpu.memory_space<hbm>>, %arg5: memref<2x10240x8xf32, #tpu.memory_space<hbm>>, %arg6: memref<10240xi32, #tpu.memory_space<vmem>>, %arg7: memref<1024x8xf32, #tpu.memory_space<vmem>>, %arg8: memref<10240x8xf32, #tpu.memory_space<vmem_shared>>, %arg9: memref<!tpu.dma_semaphore, #tpu.memory_space<semaphore_mem>>) attributes {dimension_semantics = [#tpu.dimension_semantics<core_parallel>, #tpu.dimension_semantics<subcore_parallel>], iteration_bounds = array<i64: 2, 16>, scalar_prefetch = 0 : i64, scratch_operands = 4 : i64, tpu.core_type = #tpu.core_type<sc_vector_subcore>, window_params = [{transform_indices = #map}, {transform_indices = #map}, {transform_indices = #map}, {transform_indices = #map1}]} {
    %mul3A = arith.constant 16 : i32
    %mul3A_0 = arith.muli %arg0, %mul3A : i32
    %add3A = arith.addi %mul3A_0, %arg1 : i32
    %mul3A_1 = arith.constant 10000 : i32
    %mul3A_2 = arith.muli %add3A, %mul3A_1 : i32
    %run_scoped3A = arith.constant 1 : i32
    "tpu.region"() ({
      %run_scoped3A_141 = tpu.sem_alloc : memref<!tpu.dma_semaphore, #tpu.memory_space<semaphore_mem>>
      %dma_start3A = arith.constant 0 : i32
      %dma_start3A_142 = tpu.memref_slice %arg6[%dma_start3A] : memref<10240xi32, #tpu.memory_space<vmem>> -> memref<10000xi32, #tpu.memory_space<vmem>>
      %dma_start3A_143 = arith.constant 0 : i32
      %dma_start3A_144 = tpu.memref_slice %arg2[%run_scoped3A, %dma_start3A_143] : memref<2x320000xi32, #tpu.memory_space<hbm>> -> memref<1x320000xi32, #tpu.memory_space<hbm>>
      %dma_start3A_145 = tpu.memref_squeeze %dma_start3A_144 : memref<1x320000xi32, #tpu.memory_space<hbm>> -> memref<320000xi32, #tpu.memory_space<hbm>>
      %dma_start3A_146 = tpu.memref_slice %dma_start3A_145[%mul3A_2] : memref<320000xi32, #tpu.memory_space<hbm>> -> memref<10000xi32, #tpu.memory_space<hbm>>
      %dma_start3A_147 = arith.constant 0 : i32
      %dma_start3A_148 = tpu.memref_slice %arg6[%dma_start3A_147] : memref<10240xi32, #tpu.memory_space<vmem>> -> memref<10000xi32, #tpu.memory_space<vmem>>
      %dma_start3A_149 = arith.constant 0 : i32
      %dma_start3A_150 = tpu.memref_slice %arg2[%run_scoped3A, %dma_start3A_149] : memref<2x320000xi32, #tpu.memory_space<hbm>> -> memref<1x320000xi32, #tpu.memory_space<hbm>>
      %dma_start3A_151 = tpu.memref_squeeze %dma_start3A_150 : memref<1x320000xi32, #tpu.memory_space<hbm>> -> memref<320000xi32, #tpu.memory_space<hbm>>
      %dma_start3A_152 = tpu.memref_slice %dma_start3A_151[%mul3A_2] : memref<320000xi32, #tpu.memory_space<hbm>> -> memref<10000xi32, #tpu.memory_space<hbm>>
      tpu.enqueue_dma source(%dma_start3A_152 : memref<10000xi32, #tpu.memory_space<hbm>>) target(%dma_start3A_148 : memref<10000xi32, #tpu.memory_space<vmem>>) target_semaphore(%run_scoped3A_141 : memref<!tpu.dma_semaphore, #tpu.memory_space<semaphore_mem>>)
      %dma_wait3A = arith.constant 0 : i32
      %dma_wait3A_153 = tpu.memref_slice %arg6[%dma_wait3A] : memref<10240xi32, #tpu.memory_space<vmem>> -> memref<10000xi32, #tpu.memory_space<vmem>>
      %dma_wait3A_154 = arith.constant 0 : i32
      %dma_wait3A_155 = tpu.memref_slice %arg2[%run_scoped3A, %dma_wait3A_154] : memref<2x320000xi32, #tpu.memory_space<hbm>> -> memref<1x320000xi32, #tpu.memory_space<hbm>>
      %dma_wait3A_156 = tpu.memref_squeeze %dma_wait3A_155 : memref<1x320000xi32, #tpu.memory_space<hbm>> -> memref<320000xi32, #tpu.memory_space<hbm>>
      %dma_wait3A_157 = tpu.memref_slice %dma_wait3A_156[%mul3A_2] : memref<320000xi32, #tpu.memory_space<hbm>> -> memref<10000xi32, #tpu.memory_space<hbm>>
      %dma_wait3A_158 = arith.constant 0 : i32
      %dma_wait3A_159 = tpu.memref_slice %arg6[%dma_wait3A_158] : memref<10240xi32, #tpu.memory_space<vmem>> -> memref<10000xi32, #tpu.memory_space<vmem>>
      %dma_wait3A_160 = arith.constant 0 : i32
      %dma_wait3A_161 = tpu.memref_slice %arg2[%run_scoped3A, %dma_wait3A_160] : memref<2x320000xi32, #tpu.memory_space<hbm>> -> memref<1x320000xi32, #tpu.memory_space<hbm>>
      %dma_wait3A_162 = tpu.memref_squeeze %dma_wait3A_161 : memref<1x320000xi32, #tpu.memory_space<hbm>> -> memref<320000xi32, #tpu.memory_space<hbm>>
      %dma_wait3A_163 = tpu.memref_slice %dma_wait3A_162[%mul3A_2] : memref<320000xi32, #tpu.memory_space<hbm>> -> memref<10000xi32, #tpu.memory_space<hbm>>
      tpu.wait_dma2 semaphore(%run_scoped3A_141 : memref<!tpu.dma_semaphore, #tpu.memory_space<semaphore_mem>>) src(%dma_wait3A_163 : memref<10000xi32, #tpu.memory_space<hbm>>) dst(%dma_wait3A_159 : memref<10000xi32, #tpu.memory_space<vmem>>)
      tpu.yield
    }) : () -> ()
    %iota3A = tpu.iota {dimensions = array<i32: 0>} : vector<16xi32>
    %add3A_3 = arith.constant 10000 : i32
    %add3A_4 = vector.broadcast %add3A_3 : i32 to vector<16xi32>
    %add3A_5 = arith.addi %iota3A, %add3A_4 : vector<16xi32>
    %swap3A = arith.constant 10000 : index
    %swap3A_6 = tpu.vector_load %arg6[%swap3A] {strides = array<i32>} : memref<10240xi32, #tpu.memory_space<vmem>>, vector<16xi32>,
    %swap3A_7 = vector.shape_cast %swap3A_6 : vector<16xi32> to vector<16xi32>
    %swap3A_8 = vector.shape_cast %add3A_5 : vector<16xi32> to vector<16xi32>
    tpu.vector_store %arg6[%swap3A], %swap3A_8 {strides = array<i32>} : memref<10240xi32, #tpu.memory_space<vmem>>, vector<16xi32>,
    %iota3A_9 = tpu.iota {dimensions = array<i32: 0>} : vector<16xi32>
    %add3A_10 = arith.constant 10016 : i32
    %add3A_11 = vector.broadcast %add3A_10 : i32 to vector<16xi32>
    %add3A_12 = arith.addi %iota3A_9, %add3A_11 : vector<16xi32>
    %swap3A_13 = arith.constant 10016 : index
    %swap3A_14 = tpu.vector_load %arg6[%swap3A_13] {strides = array<i32>} : memref<10240xi32, #tpu.memory_space<vmem>>, vector<16xi32>,
    %swap3A_15 = vector.shape_cast %swap3A_14 : vector<16xi32> to vector<16xi32>
    %swap3A_16 = vector.shape_cast %add3A_12 : vector<16xi32> to vector<16xi32>
    tpu.vector_store %arg6[%swap3A_13], %swap3A_16 {strides = array<i32>} : memref<10240xi32, #tpu.memory_space<vmem>>, vector<16xi32>,
    %iota3A_17 = tpu.iota {dimensions = array<i32: 0>} : vector<16xi32>
    %add3A_18 = arith.constant 10032 : i32
    %add3A_19 = vector.broadcast %add3A_18 : i32 to vector<16xi32>
    %add3A_20 = arith.addi %iota3A_17, %add3A_19 : vector<16xi32>
    %swap3A_21 = arith.constant 10032 : index
    %swap3A_22 = tpu.vector_load %arg6[%swap3A_21] {strides = array<i32>} : memref<10240xi32, #tpu.memory_space<vmem>>, vector<16xi32>,
    %swap3A_23 = vector.shape_cast %swap3A_22 : vector<16xi32> to vector<16xi32>
    %swap3A_24 = vector.shape_cast %add3A_20 : vector<16xi32> to vector<16xi32>
    tpu.vector_store %arg6[%swap3A_21], %swap3A_24 {strides = array<i32>} : memref<10240xi32, #tpu.memory_space<vmem>>, vector<16xi32>,
    %iota3A_25 = tpu.iota {dimensions = array<i32: 0>} : vector<16xi32>
    %add3A_26 = arith.constant 10048 : i32
    %add3A_27 = vector.broadcast %add3A_26 : i32 to vector<16xi32>
    %add3A_28 = arith.addi %iota3A_25, %add3A_27 : vector<16xi32>
    %swap3A_29 = arith.constant 10048 : index
    %swap3A_30 = tpu.vector_load %arg6[%swap3A_29] {strides = array<i32>} : memref<10240xi32, #tpu.memory_space<vmem>>, vector<16xi32>,
    %swap3A_31 = vector.shape_cast %swap3A_30 : vector<16xi32> to vector<16xi32>
    %swap3A_32 = vector.shape_cast %add3A_28 : vector<16xi32> to vector<16xi32>
    tpu.vector_store %arg6[%swap3A_29], %swap3A_32 {strides = array<i32>} : memref<10240xi32, #tpu.memory_space<vmem>>, vector<16xi32>,
    %iota3A_33 = tpu.iota {dimensions = array<i32: 0>} : vector<16xi32>
    %add3A_34 = arith.constant 10064 : i32
    %add3A_35 = vector.broadcast %add3A_34 : i32 to vector<16xi32>
    %add3A_36 = arith.addi %iota3A_33, %add3A_35 : vector<16xi32>
    %swap3A_37 = arith.constant 10064 : index
    %swap3A_38 = tpu.vector_load %arg6[%swap3A_37] {strides = array<i32>} : memref<10240xi32, #tpu.memory_space<vmem>>, vector<16xi32>,
    %swap3A_39 = vector.shape_cast %swap3A_38 : vector<16xi32> to vector<16xi32>
    %swap3A_40 = vector.shape_cast %add3A_36 : vector<16xi32> to vector<16xi32>
    tpu.vector_store %arg6[%swap3A_37], %swap3A_40 {strides = array<i32>} : memref<10240xi32, #tpu.memory_space<vmem>>, vector<16xi32>,
    %iota3A_41 = tpu.iota {dimensions = array<i32: 0>} : vector<16xi32>
    %add3A_42 = arith.constant 10080 : i32
    %add3A_43 = vector.broadcast %add3A_42 : i32 to vector<16xi32>
    %add3A_44 = arith.addi %iota3A_41, %add3A_43 : vector<16xi32>
    %swap3A_45 = arith.constant 10080 : index
    %swap3A_46 = tpu.vector_load %arg6[%swap3A_45] {strides = array<i32>} : memref<10240xi32, #tpu.memory_space<vmem>>, vector<16xi32>,
    %swap3A_47 = vector.shape_cast %swap3A_46 : vector<16xi32> to vector<16xi32>
    %swap3A_48 = vector.shape_cast %add3A_44 : vector<16xi32> to vector<16xi32>
    tpu.vector_store %arg6[%swap3A_45], %swap3A_48 {strides = array<i32>} : memref<10240xi32, #tpu.memory_space<vmem>>, vector<16xi32>,
    %iota3A_49 = tpu.iota {dimensions = array<i32: 0>} : vector<16xi32>
    %add3A_50 = arith.constant 10096 : i32
    %add3A_51 = vector.broadcast %add3A_50 : i32 to vector<16xi32>
    %add3A_52 = arith.addi %iota3A_49, %add3A_51 : vector<16xi32>
    %swap3A_53 = arith.constant 10096 : index
    %swap3A_54 = tpu.vector_load %arg6[%swap3A_53] {strides = array<i32>} : memref<10240xi32, #tpu.memory_space<vmem>>, vector<16xi32>,
    %swap3A_55 = vector.shape_cast %swap3A_54 : vector<16xi32> to vector<16xi32>
    %swap3A_56 = vector.shape_cast %add3A_52 : vector<16xi32> to vector<16xi32>
    tpu.vector_store %arg6[%swap3A_53], %swap3A_56 {strides = array<i32>} : memref<10240xi32, #tpu.memory_space<vmem>>, vector<16xi32>,
    %iota3A_57 = tpu.iota {dimensions = array<i32: 0>} : vector<16xi32>
    %add3A_58 = arith.constant 10112 : i32
    %add3A_59 = vector.broadcast %add3A_58 : i32 to vector<16xi32>
    %add3A_60 = arith.addi %iota3A_57, %add3A_59 : vector<16xi32>
    %swap3A_61 = arith.constant 10112 : index
    %swap3A_62 = tpu.vector_load %arg6[%swap3A_61] {strides = array<i32>} : memref<10240xi32, #tpu.memory_space<vmem>>, vector<16xi32>,
    %swap3A_63 = vector.shape_cast %swap3A_62 : vector<16xi32> to vector<16xi32>
    %swap3A_64 = vector.shape_cast %add3A_60 : vector<16xi32> to vector<16xi32>
    tpu.vector_store %arg6[%swap3A_61], %swap3A_64 {strides = array<i32>} : memref<10240xi32, #tpu.memory_space<vmem>>, vector<16xi32>,
    %iota3A_65 = tpu.iota {dimensions = array<i32: 0>} : vector<16xi32>
    %add3A_66 = arith.constant 10128 : i32
    %add3A_67 = vector.broadcast %add3A_66 : i32 to vector<16xi32>
    %add3A_68 = arith.addi %iota3A_65, %add3A_67 : vector<16xi32>
    %swap3A_69 = arith.constant 10128 : index
    %swap3A_70 = tpu.vector_load %arg6[%swap3A_69] {strides = array<i32>} : memref<10240xi32, #tpu.memory_space<vmem>>, vector<16xi32>,
    %swap3A_71 = vector.shape_cast %swap3A_70 : vector<16xi32> to vector<16xi32>
    %swap3A_72 = vector.shape_cast %add3A_68 : vector<16xi32> to vector<16xi32>
    tpu.vector_store %arg6[%swap3A_69], %swap3A_72 {strides = array<i32>} : memref<10240xi32, #tpu.memory_space<vmem>>, vector<16xi32>,
    %iota3A_73 = tpu.iota {dimensions = array<i32: 0>} : vector<16xi32>
    %add3A_74 = arith.constant 10144 : i32
    %add3A_75 = vector.broadcast %add3A_74 : i32 to vector<16xi32>
    %add3A_76 = arith.addi %iota3A_73, %add3A_75 : vector<16xi32>
    %swap3A_77 = arith.constant 10144 : index
    %swap3A_78 = tpu.vector_load %arg6[%swap3A_77] {strides = array<i32>} : memref<10240xi32, #tpu.memory_space<vmem>>, vector<16xi32>,
    %swap3A_79 = vector.shape_cast %swap3A_78 : vector<16xi32> to vector<16xi32>
    %swap3A_80 = vector.shape_cast %add3A_76 : vector<16xi32> to vector<16xi32>
    tpu.vector_store %arg6[%swap3A_77], %swap3A_80 {strides = array<i32>} : memref<10240xi32, #tpu.memory_space<vmem>>, vector<16xi32>,
    %iota3A_81 = tpu.iota {dimensions = array<i32: 0>} : vector<16xi32>
    %add3A_82 = arith.constant 10160 : i32
    %add3A_83 = vector.broadcast %add3A_82 : i32 to vector<16xi32>
    %add3A_84 = arith.addi %iota3A_81, %add3A_83 : vector<16xi32>
    %swap3A_85 = arith.constant 10160 : index
    %swap3A_86 = tpu.vector_load %arg6[%swap3A_85] {strides = array<i32>} : memref<10240xi32, #tpu.memory_space<vmem>>, vector<16xi32>,
    %swap3A_87 = vector.shape_cast %swap3A_86 : vector<16xi32> to vector<16xi32>
    %swap3A_88 = vector.shape_cast %add3A_84 : vector<16xi32> to vector<16xi32>
    tpu.vector_store %arg6[%swap3A_85], %swap3A_88 {strides = array<i32>} : memref<10240xi32, #tpu.memory_space<vmem>>, vector<16xi32>,
    %iota3A_89 = tpu.iota {dimensions = array<i32: 0>} : vector<16xi32>
    %add3A_90 = arith.constant 10176 : i32
    %add3A_91 = vector.broadcast %add3A_90 : i32 to vector<16xi32>
    %add3A_92 = arith.addi %iota3A_89, %add3A_91 : vector<16xi32>
    %swap3A_93 = arith.constant 10176 : index
    %swap3A_94 = tpu.vector_load %arg6[%swap3A_93] {strides = array<i32>} : memref<10240xi32, #tpu.memory_space<vmem>>, vector<16xi32>,
    %swap3A_95 = vector.shape_cast %swap3A_94 : vector<16xi32> to vector<16xi32>
    %swap3A_96 = vector.shape_cast %add3A_92 : vector<16xi32> to vector<16xi32>
    tpu.vector_store %arg6[%swap3A_93], %swap3A_96 {strides = array<i32>} : memref<10240xi32, #tpu.memory_space<vmem>>, vector<16xi32>,
    %iota3A_97 = tpu.iota {dimensions = array<i32: 0>} : vector<16xi32>
    %add3A_98 = arith.constant 10192 : i32
    %add3A_99 = vector.broadcast %add3A_98 : i32 to vector<16xi32>
    %add3A_100 = arith.addi %iota3A_97, %add3A_99 : vector<16xi32>
    %swap3A_101 = arith.constant 10192 : index
    %swap3A_102 = tpu.vector_load %arg6[%swap3A_101] {strides = array<i32>} : memref<10240xi32, #tpu.memory_space<vmem>>, vector<16xi32>,
    %swap3A_103 = vector.shape_cast %swap3A_102 : vector<16xi32> to vector<16xi32>
    %swap3A_104 = vector.shape_cast %add3A_100 : vector<16xi32> to vector<16xi32>
    tpu.vector_store %arg6[%swap3A_101], %swap3A_104 {strides = array<i32>} : memref<10240xi32, #tpu.memory_space<vmem>>, vector<16xi32>,
    %iota3A_105 = tpu.iota {dimensions = array<i32: 0>} : vector<16xi32>
    %add3A_106 = arith.constant 10208 : i32
    %add3A_107 = vector.broadcast %add3A_106 : i32 to vector<16xi32>
    %add3A_108 = arith.addi %iota3A_105, %add3A_107 : vector<16xi32>
    %swap3A_109 = arith.constant 10208 : index
    %swap3A_110 = tpu.vector_load %arg6[%swap3A_109] {strides = array<i32>} : memref<10240xi32, #tpu.memory_space<vmem>>, vector<16xi32>,
    %swap3A_111 = vector.shape_cast %swap3A_110 : vector<16xi32> to vector<16xi32>
    %swap3A_112 = vector.shape_cast %add3A_108 : vector<16xi32> to vector<16xi32>
    tpu.vector_store %arg6[%swap3A_109], %swap3A_112 {strides = array<i32>} : memref<10240xi32, #tpu.memory_space<vmem>>, vector<16xi32>,
    %iota3A_113 = tpu.iota {dimensions = array<i32: 0>} : vector<16xi32>
    %add3A_114 = arith.constant 10224 : i32
    %add3A_115 = vector.broadcast %add3A_114 : i32 to vector<16xi32>
    %add3A_116 = arith.addi %iota3A_113, %add3A_115 : vector<16xi32>
    %swap3A_117 = arith.constant 10224 : index
    %swap3A_118 = tpu.vector_load %arg6[%swap3A_117] {strides = array<i32>} : memref<10240xi32, #tpu.memory_space<vmem>>, vector<16xi32>,
    %swap3A_119 = vector.shape_cast %swap3A_118 : vector<16xi32> to vector<16xi32>
    %swap3A_120 = vector.shape_cast %add3A_116 : vector<16xi32> to vector<16xi32>
    tpu.vector_store %arg6[%swap3A_117], %swap3A_120 {strides = array<i32>} : memref<10240xi32, #tpu.memory_space<vmem>>, vector<16xi32>,
    "tpu.region"() ({
      %run_scoped3A_141 = tpu.sem_alloc : memref<!tpu.dma_semaphore, #tpu.memory_space<semaphore_mem>>
      tpu.enqueue_dma source(%arg3 : memref<1024x8xf32, #tpu.memory_space<hbm>>) target(%arg7 : memref<1024x8xf32, #tpu.memory_space<vmem>>) target_semaphore(%run_scoped3A_141 : memref<!tpu.dma_semaphore, #tpu.memory_space<semaphore_mem>>)
      tpu.wait_dma2 semaphore(%run_scoped3A_141 : memref<!tpu.dma_semaphore, #tpu.memory_space<semaphore_mem>>) src(%arg3 : memref<1024x8xf32, #tpu.memory_space<hbm>>) dst(%arg7 : memref<1024x8xf32, #tpu.memory_space<vmem>>)
      tpu.yield
    }) : () -> ()
    %mul3A_121 = arith.constant 640 : i32
    %mul3A_122 = arith.muli %arg1, %mul3A_121 : i32
    %mul3A_123 = arith.constant 640 : i32
    %mul3A_124 = arith.muli %arg1, %mul3A_123 : i32
    "tpu.region"() ({
      %run_scoped3A_141 = tpu.sem_alloc : memref<!tpu.dma_semaphore, #tpu.memory_space<semaphore_mem>>
      %dma_start3A = arith.constant 0 : i32
      %dma_start3A_142 = tpu.memref_slice %arg8[%mul3A_124, %dma_start3A] : memref<10240x8xf32, #tpu.memory_space<vmem_shared>> -> memref<640x8xf32, #tpu.memory_space<vmem_shared>>
      %dma_start3A_143 = arith.constant 0 : i32
      %dma_start3A_144 = tpu.memref_slice %arg4[%mul3A_122, %dma_start3A_143] : memref<10240x8xf32, #tpu.memory_space<hbm>> -> memref<640x8xf32, #tpu.memory_space<hbm>>
      tpu.enqueue_dma source(%dma_start3A_144 : memref<640x8xf32, #tpu.memory_space<hbm>>) target(%dma_start3A_142 : memref<640x8xf32, #tpu.memory_space<vmem_shared>>) target_semaphore(%run_scoped3A_141 : memref<!tpu.dma_semaphore, #tpu.memory_space<semaphore_mem>>)
      %dma_wait3A = arith.constant 0 : i32
      %dma_wait3A_145 = tpu.memref_slice %arg8[%mul3A_124, %dma_wait3A] : memref<10240x8xf32, #tpu.memory_space<vmem_shared>> -> memref<640x8xf32, #tpu.memory_space<vmem_shared>>
      %dma_wait3A_146 = arith.constant 0 : i32
      %dma_wait3A_147 = tpu.memref_slice %arg4[%mul3A_122, %dma_wait3A_146] : memref<10240x8xf32, #tpu.memory_space<hbm>> -> memref<640x8xf32, #tpu.memory_space<hbm>>
      tpu.wait_dma2 semaphore(%run_scoped3A_141 : memref<!tpu.dma_semaphore, #tpu.memory_space<semaphore_mem>>) src(%dma_wait3A_147 : memref<640x8xf32, #tpu.memory_space<hbm>>) dst(%dma_wait3A_145 : memref<640x8xf32, #tpu.memory_space<vmem_shared>>)
      tpu.yield
    }) : () -> ()
    %barrier3A = arith.constant 0 : index
    tpu.barrier barrier_id(%barrier3A)
    %scan3A = arith.constant 0 : i32
    %scan3A_125 = arith.constant 0 : i32
    %scan3A_126 = arith.constant 10 : i32
    %scan3A_127 = arith.addi %scan3A_125, %scan3A_126 : i32
    %scan3A_128 = arith.constant 1 : i32
    scf.for %scan3A_141 = %scan3A_125 to %scan3A_127 step %scan3A_128  : i32 {
      %mul3A_142 = arith.constant 1024 : i32
      %mul3A_143 = arith.muli %scan3A_141, %mul3A_142 : i32
      %dma_start3A = tpu.memref_slice %arg6[%mul3A_143] : memref<10240xi32, #tpu.memory_space<vmem>> -> memref<1024xi32, #tpu.memory_space<vmem>>
      %dma_start3A_144 = arith.constant 0 : i32
      %dma_start3A_145 = arith.constant 0 : i32
      %dma_start3A_146 = tpu.memref_slice %arg8[%dma_start3A_144, %dma_start3A_145] : memref<10240x8xf32, #tpu.memory_space<vmem_shared>> -> memref<10240x8xf32, #tpu.memory_space<vmem_shared>>
      tpu.enqueue_indirect_dma source(%arg7 : memref<1024x8xf32, #tpu.memory_space<vmem>>) target(%dma_start3A_146 : memref<10240x8xf32, #tpu.memory_space<vmem_shared>>) offsets(%dma_start3A : memref<1024xi32, #tpu.memory_space<vmem>>) semaphore(%arg9 : memref<!tpu.dma_semaphore, #tpu.memory_space<semaphore_mem>>) {add = true}
    }
    %scan3A_129 = arith.constant 10 : i32
    %scan3A_130 = arith.constant 0 : i32
    %scan3A_131 = arith.constant 0 : i32
    %scan3A_132 = arith.constant 10 : i32
    %scan3A_133 = arith.addi %scan3A_131, %scan3A_132 : i32
    %scan3A_134 = arith.constant 1 : i32
    scf.for %scan3A_141 = %scan3A_131 to %scan3A_133 step %scan3A_134  : i32 {
      %mul3A_142 = arith.constant 1024 : i32
      %mul3A_143 = arith.muli %scan3A_141, %mul3A_142 : i32
      %dma_wait3A = tpu.memref_slice %arg6[%mul3A_143] : memref<10240xi32, #tpu.memory_space<vmem>> -> memref<1024xi32, #tpu.memory_space<vmem>>
      %dma_wait3A_144 = arith.constant 0 : i32
      %dma_wait3A_145 = arith.constant 0 : i32
      %dma_wait3A_146 = tpu.memref_slice %arg8[%dma_wait3A_144, %dma_wait3A_145] : memref<10240x8xf32, #tpu.memory_space<vmem_shared>> -> memref<10240x8xf32, #tpu.memory_space<vmem_shared>>
      tpu.wait_indirect_dma semaphore(%arg9 : memref<!tpu.dma_semaphore, #tpu.memory_space<semaphore_mem>>) src(%arg7 : memref<1024x8xf32, #tpu.memory_space<vmem>>) dst(%dma_wait3A_146 : memref<10240x8xf32, #tpu.memory_space<vmem_shared>>)
    }
    %scan3A_135 = arith.constant 10 : i32
    %barrier3A_136 = arith.constant 0 : index
    tpu.barrier barrier_id(%barrier3A_136)
    %mul3A_137 = arith.constant 640 : i32
    %mul3A_138 = arith.muli %arg1, %mul3A_137 : i32
    %mul3A_139 = arith.constant 640 : i32
    %mul3A_140 = arith.muli %arg1, %mul3A_139 : i32
    "tpu.region"() ({
      %run_scoped3A_141 = tpu.sem_alloc : memref<!tpu.dma_semaphore, #tpu.memory_space<semaphore_mem>>
      %dma_start3A = arith.constant 0 : i32
      %dma_start3A_142 = arith.constant 0 : i32
      %dma_start3A_143 = tpu.memref_slice %arg5[%arg0, %dma_start3A, %dma_start3A_142] : memref<2x10240x8xf32, #tpu.memory_space<hbm>> -> memref<1x10240x8xf32, #tpu.memory_space<hbm>>
      %dma_start3A_144 = tpu.memref_squeeze %dma_start3A_143 : memref<1x10240x8xf32, #tpu.memory_space<hbm>> -> memref<10240x8xf32, #tpu.memory_space<hbm>>
      %dma_start3A_145 = arith.constant 0 : i32
      %dma_start3A_146 = tpu.memref_slice %dma_start3A_144[%mul3A_140, %dma_start3A_145] : memref<10240x8xf32, #tpu.memory_space<hbm>> -> memref<640x8xf32, #tpu.memory_space<hbm>>
      %dma_start3A_147 = arith.constant 0 : i32
      %dma_start3A_148 = tpu.memref_slice %arg8[%mul3A_138, %dma_start3A_147] : memref<10240x8xf32, #tpu.memory_space<vmem_shared>> -> memref<640x8xf32, #tpu.memory_space<vmem_shared>>
      tpu.enqueue_dma source(%dma_start3A_148 : memref<640x8xf32, #tpu.memory_space<vmem_shared>>) target(%dma_start3A_146 : memref<640x8xf32, #tpu.memory_space<hbm>>) target_semaphore(%run_scoped3A_141 : memref<!tpu.dma_semaphore, #tpu.memory_space<semaphore_mem>>)
      %dma_wait3A = arith.constant 0 : i32
      %dma_wait3A_149 = arith.constant 0 : i32
      %dma_wait3A_150 = tpu.memref_slice %arg5[%arg0, %dma_wait3A, %dma_wait3A_149] : memref<2x10240x8xf32, #tpu.memory_space<hbm>> -> memref<1x10240x8xf32, #tpu.memory_space<hbm>>
      %dma_wait3A_151 = tpu.memref_squeeze %dma_wait3A_150 : memref<1x10240x8xf32, #tpu.memory_space<hbm>> -> memref<10240x8xf32, #tpu.memory_space<hbm>>
      %dma_wait3A_152 = arith.constant 0 : i32
      %dma_wait3A_153 = tpu.memref_slice %dma_wait3A_151[%mul3A_140, %dma_wait3A_152] : memref<10240x8xf32, #tpu.memory_space<hbm>> -> memref<640x8xf32, #tpu.memory_space<hbm>>
      %dma_wait3A_154 = arith.constant 0 : i32
      %dma_wait3A_155 = tpu.memref_slice %arg8[%mul3A_138, %dma_wait3A_154] : memref<10240x8xf32, #tpu.memory_space<vmem_shared>> -> memref<640x8xf32, #tpu.memory_space<vmem_shared>>
      tpu.wait_dma2 semaphore(%run_scoped3A_141 : memref<!tpu.dma_semaphore, #tpu.memory_space<semaphore_mem>>) src(%dma_wait3A_155 : memref<640x8xf32, #tpu.memory_space<vmem_shared>>) dst(%dma_wait3A_153 : memref<640x8xf32, #tpu.memory_space<hbm>>)
      tpu.yield
    }) : () -> ()
    return
  }
}

#map = affine_map<(d0, d1) -> (0, 0)>
#map1 = affine_map<(d0, d1) -> (0, 0, 0)>
module attributes {stable_mosaic.version = 14 : i64} {
  func.func @agg(%arg0: i32, %arg1: i32, %arg2: memref<10240x64xf32, #tpu.memory_space<hbm>>, %arg3: memref<2x320000xi32, #tpu.memory_space<hbm>>, %arg4: memref<10240x64xf32, #tpu.memory_space<hbm>>, %arg5: memref<2x10240x64xf32, #tpu.memory_space<hbm>>, %arg6: memref<10240xi32, #tpu.memory_space<vmem>>, %arg7: memref<10240xi32, #tpu.memory_space<vmem>>, %arg8: memref<2x512x64xf32, #tpu.memory_space<vmem>>, %arg9: memref<10240x64xf32, #tpu.memory_space<vmem_shared>>, %arg10: memref<2x!tpu.dma_semaphore, #tpu.memory_space<semaphore_mem>>) attributes {dimension_semantics = [#tpu.dimension_semantics<core_parallel>, #tpu.dimension_semantics<subcore_parallel>], iteration_bounds = array<i64: 2, 16>, scalar_prefetch = 0 : i64, scratch_operands = 5 : i64, tpu.core_type = #tpu.core_type<sc_vector_subcore>, window_params = [{transform_indices = #map}, {transform_indices = #map}, {transform_indices = #map}, {transform_indices = #map1}]} {
    %mul3A = arith.constant 16 : i32
    %mul3A_0 = arith.muli %arg0, %mul3A : i32
    %add3A = arith.addi %mul3A_0, %arg1 : i32
    %mul3A_1 = arith.constant 10000 : i32
    %mul3A_2 = arith.muli %add3A, %mul3A_1 : i32
    %run_scoped3A = arith.constant 0 : i32
    "tpu.region"() ({
      %run_scoped3A_268 = tpu.sem_alloc : memref<!tpu.dma_semaphore, #tpu.memory_space<semaphore_mem>>
      %dma_start3A_269 = arith.constant 0 : i32
      %dma_start3A_270 = tpu.memref_slice %arg6[%dma_start3A_269] : memref<10240xi32, #tpu.memory_space<vmem>> -> memref<10000xi32, #tpu.memory_space<vmem>>
      %dma_start3A_271 = arith.constant 0 : i32
      %dma_start3A_272 = tpu.memref_slice %arg3[%run_scoped3A, %dma_start3A_271] : memref<2x320000xi32, #tpu.memory_space<hbm>> -> memref<1x320000xi32, #tpu.memory_space<hbm>>
      %dma_start3A_273 = tpu.memref_squeeze %dma_start3A_272 : memref<1x320000xi32, #tpu.memory_space<hbm>> -> memref<320000xi32, #tpu.memory_space<hbm>>
      %dma_start3A_274 = tpu.memref_slice %dma_start3A_273[%mul3A_2] : memref<320000xi32, #tpu.memory_space<hbm>> -> memref<10000xi32, #tpu.memory_space<hbm>>
      %dma_start3A_275 = arith.constant 0 : i32
      %dma_start3A_276 = tpu.memref_slice %arg6[%dma_start3A_275] : memref<10240xi32, #tpu.memory_space<vmem>> -> memref<10000xi32, #tpu.memory_space<vmem>>
      %dma_start3A_277 = arith.constant 0 : i32
      %dma_start3A_278 = tpu.memref_slice %arg3[%run_scoped3A, %dma_start3A_277] : memref<2x320000xi32, #tpu.memory_space<hbm>> -> memref<1x320000xi32, #tpu.memory_space<hbm>>
      %dma_start3A_279 = tpu.memref_squeeze %dma_start3A_278 : memref<1x320000xi32, #tpu.memory_space<hbm>> -> memref<320000xi32, #tpu.memory_space<hbm>>
      %dma_start3A_280 = tpu.memref_slice %dma_start3A_279[%mul3A_2] : memref<320000xi32, #tpu.memory_space<hbm>> -> memref<10000xi32, #tpu.memory_space<hbm>>
      tpu.enqueue_dma source(%dma_start3A_280 : memref<10000xi32, #tpu.memory_space<hbm>>) target(%dma_start3A_276 : memref<10000xi32, #tpu.memory_space<vmem>>) target_semaphore(%run_scoped3A_268 : memref<!tpu.dma_semaphore, #tpu.memory_space<semaphore_mem>>)
      %dma_wait3A = arith.constant 0 : i32
      %dma_wait3A_281 = tpu.memref_slice %arg6[%dma_wait3A] : memref<10240xi32, #tpu.memory_space<vmem>> -> memref<10000xi32, #tpu.memory_space<vmem>>
      %dma_wait3A_282 = arith.constant 0 : i32
      %dma_wait3A_283 = tpu.memref_slice %arg3[%run_scoped3A, %dma_wait3A_282] : memref<2x320000xi32, #tpu.memory_space<hbm>> -> memref<1x320000xi32, #tpu.memory_space<hbm>>
      %dma_wait3A_284 = tpu.memref_squeeze %dma_wait3A_283 : memref<1x320000xi32, #tpu.memory_space<hbm>> -> memref<320000xi32, #tpu.memory_space<hbm>>
      %dma_wait3A_285 = tpu.memref_slice %dma_wait3A_284[%mul3A_2] : memref<320000xi32, #tpu.memory_space<hbm>> -> memref<10000xi32, #tpu.memory_space<hbm>>
      %dma_wait3A_286 = arith.constant 0 : i32
      %dma_wait3A_287 = tpu.memref_slice %arg6[%dma_wait3A_286] : memref<10240xi32, #tpu.memory_space<vmem>> -> memref<10000xi32, #tpu.memory_space<vmem>>
      %dma_wait3A_288 = arith.constant 0 : i32
      %dma_wait3A_289 = tpu.memref_slice %arg3[%run_scoped3A, %dma_wait3A_288] : memref<2x320000xi32, #tpu.memory_space<hbm>> -> memref<1x320000xi32, #tpu.memory_space<hbm>>
      %dma_wait3A_290 = tpu.memref_squeeze %dma_wait3A_289 : memref<1x320000xi32, #tpu.memory_space<hbm>> -> memref<320000xi32, #tpu.memory_space<hbm>>
      %dma_wait3A_291 = tpu.memref_slice %dma_wait3A_290[%mul3A_2] : memref<320000xi32, #tpu.memory_space<hbm>> -> memref<10000xi32, #tpu.memory_space<hbm>>
      tpu.wait_dma2 semaphore(%run_scoped3A_268 : memref<!tpu.dma_semaphore, #tpu.memory_space<semaphore_mem>>) src(%dma_wait3A_291 : memref<10000xi32, #tpu.memory_space<hbm>>) dst(%dma_wait3A_287 : memref<10000xi32, #tpu.memory_space<vmem>>)
      tpu.yield
    }) : () -> ()
    %iota3A = tpu.iota {dimensions = array<i32: 0>} : vector<16xi32>
    %add3A_3 = arith.constant 10000 : i32
    %add3A_4 = vector.broadcast %add3A_3 : i32 to vector<16xi32>
    %add3A_5 = arith.addi %iota3A, %add3A_4 : vector<16xi32>
    %swap3A = arith.constant 10000 : index
    %swap3A_6 = tpu.vector_load %arg6[%swap3A] {strides = array<i32>} : memref<10240xi32, #tpu.memory_space<vmem>>, vector<16xi32>,
    %swap3A_7 = vector.shape_cast %swap3A_6 : vector<16xi32> to vector<16xi32>
    %swap3A_8 = vector.shape_cast %add3A_5 : vector<16xi32> to vector<16xi32>
    tpu.vector_store %arg6[%swap3A], %swap3A_8 {strides = array<i32>} : memref<10240xi32, #tpu.memory_space<vmem>>, vector<16xi32>,
    %iota3A_9 = tpu.iota {dimensions = array<i32: 0>} : vector<16xi32>
    %add3A_10 = arith.constant 10016 : i32
    %add3A_11 = vector.broadcast %add3A_10 : i32 to vector<16xi32>
    %add3A_12 = arith.addi %iota3A_9, %add3A_11 : vector<16xi32>
    %swap3A_13 = arith.constant 10016 : index
    %swap3A_14 = tpu.vector_load %arg6[%swap3A_13] {strides = array<i32>} : memref<10240xi32, #tpu.memory_space<vmem>>, vector<16xi32>,
    %swap3A_15 = vector.shape_cast %swap3A_14 : vector<16xi32> to vector<16xi32>
    %swap3A_16 = vector.shape_cast %add3A_12 : vector<16xi32> to vector<16xi32>
    tpu.vector_store %arg6[%swap3A_13], %swap3A_16 {strides = array<i32>} : memref<10240xi32, #tpu.memory_space<vmem>>, vector<16xi32>,
    %iota3A_17 = tpu.iota {dimensions = array<i32: 0>} : vector<16xi32>
    %add3A_18 = arith.constant 10032 : i32
    %add3A_19 = vector.broadcast %add3A_18 : i32 to vector<16xi32>
    %add3A_20 = arith.addi %iota3A_17, %add3A_19 : vector<16xi32>
    %swap3A_21 = arith.constant 10032 : index
    %swap3A_22 = tpu.vector_load %arg6[%swap3A_21] {strides = array<i32>} : memref<10240xi32, #tpu.memory_space<vmem>>, vector<16xi32>,
    %swap3A_23 = vector.shape_cast %swap3A_22 : vector<16xi32> to vector<16xi32>
    %swap3A_24 = vector.shape_cast %add3A_20 : vector<16xi32> to vector<16xi32>
    tpu.vector_store %arg6[%swap3A_21], %swap3A_24 {strides = array<i32>} : memref<10240xi32, #tpu.memory_space<vmem>>, vector<16xi32>,
    %iota3A_25 = tpu.iota {dimensions = array<i32: 0>} : vector<16xi32>
    %add3A_26 = arith.constant 10048 : i32
    %add3A_27 = vector.broadcast %add3A_26 : i32 to vector<16xi32>
    %add3A_28 = arith.addi %iota3A_25, %add3A_27 : vector<16xi32>
    %swap3A_29 = arith.constant 10048 : index
    %swap3A_30 = tpu.vector_load %arg6[%swap3A_29] {strides = array<i32>} : memref<10240xi32, #tpu.memory_space<vmem>>, vector<16xi32>,
    %swap3A_31 = vector.shape_cast %swap3A_30 : vector<16xi32> to vector<16xi32>
    %swap3A_32 = vector.shape_cast %add3A_28 : vector<16xi32> to vector<16xi32>
    tpu.vector_store %arg6[%swap3A_29], %swap3A_32 {strides = array<i32>} : memref<10240xi32, #tpu.memory_space<vmem>>, vector<16xi32>,
    %iota3A_33 = tpu.iota {dimensions = array<i32: 0>} : vector<16xi32>
    %add3A_34 = arith.constant 10064 : i32
    %add3A_35 = vector.broadcast %add3A_34 : i32 to vector<16xi32>
    %add3A_36 = arith.addi %iota3A_33, %add3A_35 : vector<16xi32>
    %swap3A_37 = arith.constant 10064 : index
    %swap3A_38 = tpu.vector_load %arg6[%swap3A_37] {strides = array<i32>} : memref<10240xi32, #tpu.memory_space<vmem>>, vector<16xi32>,
    %swap3A_39 = vector.shape_cast %swap3A_38 : vector<16xi32> to vector<16xi32>
    %swap3A_40 = vector.shape_cast %add3A_36 : vector<16xi32> to vector<16xi32>
    tpu.vector_store %arg6[%swap3A_37], %swap3A_40 {strides = array<i32>} : memref<10240xi32, #tpu.memory_space<vmem>>, vector<16xi32>,
    %iota3A_41 = tpu.iota {dimensions = array<i32: 0>} : vector<16xi32>
    %add3A_42 = arith.constant 10080 : i32
    %add3A_43 = vector.broadcast %add3A_42 : i32 to vector<16xi32>
    %add3A_44 = arith.addi %iota3A_41, %add3A_43 : vector<16xi32>
    %swap3A_45 = arith.constant 10080 : index
    %swap3A_46 = tpu.vector_load %arg6[%swap3A_45] {strides = array<i32>} : memref<10240xi32, #tpu.memory_space<vmem>>, vector<16xi32>,
    %swap3A_47 = vector.shape_cast %swap3A_46 : vector<16xi32> to vector<16xi32>
    %swap3A_48 = vector.shape_cast %add3A_44 : vector<16xi32> to vector<16xi32>
    tpu.vector_store %arg6[%swap3A_45], %swap3A_48 {strides = array<i32>} : memref<10240xi32, #tpu.memory_space<vmem>>, vector<16xi32>,
    %iota3A_49 = tpu.iota {dimensions = array<i32: 0>} : vector<16xi32>
    %add3A_50 = arith.constant 10096 : i32
    %add3A_51 = vector.broadcast %add3A_50 : i32 to vector<16xi32>
    %add3A_52 = arith.addi %iota3A_49, %add3A_51 : vector<16xi32>
    %swap3A_53 = arith.constant 10096 : index
    %swap3A_54 = tpu.vector_load %arg6[%swap3A_53] {strides = array<i32>} : memref<10240xi32, #tpu.memory_space<vmem>>, vector<16xi32>,
    %swap3A_55 = vector.shape_cast %swap3A_54 : vector<16xi32> to vector<16xi32>
    %swap3A_56 = vector.shape_cast %add3A_52 : vector<16xi32> to vector<16xi32>
    tpu.vector_store %arg6[%swap3A_53], %swap3A_56 {strides = array<i32>} : memref<10240xi32, #tpu.memory_space<vmem>>, vector<16xi32>,
    %iota3A_57 = tpu.iota {dimensions = array<i32: 0>} : vector<16xi32>
    %add3A_58 = arith.constant 10112 : i32
    %add3A_59 = vector.broadcast %add3A_58 : i32 to vector<16xi32>
    %add3A_60 = arith.addi %iota3A_57, %add3A_59 : vector<16xi32>
    %swap3A_61 = arith.constant 10112 : index
    %swap3A_62 = tpu.vector_load %arg6[%swap3A_61] {strides = array<i32>} : memref<10240xi32, #tpu.memory_space<vmem>>, vector<16xi32>,
    %swap3A_63 = vector.shape_cast %swap3A_62 : vector<16xi32> to vector<16xi32>
    %swap3A_64 = vector.shape_cast %add3A_60 : vector<16xi32> to vector<16xi32>
    tpu.vector_store %arg6[%swap3A_61], %swap3A_64 {strides = array<i32>} : memref<10240xi32, #tpu.memory_space<vmem>>, vector<16xi32>,
    %iota3A_65 = tpu.iota {dimensions = array<i32: 0>} : vector<16xi32>
    %add3A_66 = arith.constant 10128 : i32
    %add3A_67 = vector.broadcast %add3A_66 : i32 to vector<16xi32>
    %add3A_68 = arith.addi %iota3A_65, %add3A_67 : vector<16xi32>
    %swap3A_69 = arith.constant 10128 : index
    %swap3A_70 = tpu.vector_load %arg6[%swap3A_69] {strides = array<i32>} : memref<10240xi32, #tpu.memory_space<vmem>>, vector<16xi32>,
    %swap3A_71 = vector.shape_cast %swap3A_70 : vector<16xi32> to vector<16xi32>
    %swap3A_72 = vector.shape_cast %add3A_68 : vector<16xi32> to vector<16xi32>
    tpu.vector_store %arg6[%swap3A_69], %swap3A_72 {strides = array<i32>} : memref<10240xi32, #tpu.memory_space<vmem>>, vector<16xi32>,
    %iota3A_73 = tpu.iota {dimensions = array<i32: 0>} : vector<16xi32>
    %add3A_74 = arith.constant 10144 : i32
    %add3A_75 = vector.broadcast %add3A_74 : i32 to vector<16xi32>
    %add3A_76 = arith.addi %iota3A_73, %add3A_75 : vector<16xi32>
    %swap3A_77 = arith.constant 10144 : index
    %swap3A_78 = tpu.vector_load %arg6[%swap3A_77] {strides = array<i32>} : memref<10240xi32, #tpu.memory_space<vmem>>, vector<16xi32>,
    %swap3A_79 = vector.shape_cast %swap3A_78 : vector<16xi32> to vector<16xi32>
    %swap3A_80 = vector.shape_cast %add3A_76 : vector<16xi32> to vector<16xi32>
    tpu.vector_store %arg6[%swap3A_77], %swap3A_80 {strides = array<i32>} : memref<10240xi32, #tpu.memory_space<vmem>>, vector<16xi32>,
    %iota3A_81 = tpu.iota {dimensions = array<i32: 0>} : vector<16xi32>
    %add3A_82 = arith.constant 10160 : i32
    %add3A_83 = vector.broadcast %add3A_82 : i32 to vector<16xi32>
    %add3A_84 = arith.addi %iota3A_81, %add3A_83 : vector<16xi32>
    %swap3A_85 = arith.constant 10160 : index
    %swap3A_86 = tpu.vector_load %arg6[%swap3A_85] {strides = array<i32>} : memref<10240xi32, #tpu.memory_space<vmem>>, vector<16xi32>,
    %swap3A_87 = vector.shape_cast %swap3A_86 : vector<16xi32> to vector<16xi32>
    %swap3A_88 = vector.shape_cast %add3A_84 : vector<16xi32> to vector<16xi32>
    tpu.vector_store %arg6[%swap3A_85], %swap3A_88 {strides = array<i32>} : memref<10240xi32, #tpu.memory_space<vmem>>, vector<16xi32>,
    %iota3A_89 = tpu.iota {dimensions = array<i32: 0>} : vector<16xi32>
    %add3A_90 = arith.constant 10176 : i32
    %add3A_91 = vector.broadcast %add3A_90 : i32 to vector<16xi32>
    %add3A_92 = arith.addi %iota3A_89, %add3A_91 : vector<16xi32>
    %swap3A_93 = arith.constant 10176 : index
    %swap3A_94 = tpu.vector_load %arg6[%swap3A_93] {strides = array<i32>} : memref<10240xi32, #tpu.memory_space<vmem>>, vector<16xi32>,
    %swap3A_95 = vector.shape_cast %swap3A_94 : vector<16xi32> to vector<16xi32>
    %swap3A_96 = vector.shape_cast %add3A_92 : vector<16xi32> to vector<16xi32>
    tpu.vector_store %arg6[%swap3A_93], %swap3A_96 {strides = array<i32>} : memref<10240xi32, #tpu.memory_space<vmem>>, vector<16xi32>,
    %iota3A_97 = tpu.iota {dimensions = array<i32: 0>} : vector<16xi32>
    %add3A_98 = arith.constant 10192 : i32
    %add3A_99 = vector.broadcast %add3A_98 : i32 to vector<16xi32>
    %add3A_100 = arith.addi %iota3A_97, %add3A_99 : vector<16xi32>
    %swap3A_101 = arith.constant 10192 : index
    %swap3A_102 = tpu.vector_load %arg6[%swap3A_101] {strides = array<i32>} : memref<10240xi32, #tpu.memory_space<vmem>>, vector<16xi32>,
    %swap3A_103 = vector.shape_cast %swap3A_102 : vector<16xi32> to vector<16xi32>
    %swap3A_104 = vector.shape_cast %add3A_100 : vector<16xi32> to vector<16xi32>
    tpu.vector_store %arg6[%swap3A_101], %swap3A_104 {strides = array<i32>} : memref<10240xi32, #tpu.memory_space<vmem>>, vector<16xi32>,
    %iota3A_105 = tpu.iota {dimensions = array<i32: 0>} : vector<16xi32>
    %add3A_106 = arith.constant 10208 : i32
    %add3A_107 = vector.broadcast %add3A_106 : i32 to vector<16xi32>
    %add3A_108 = arith.addi %iota3A_105, %add3A_107 : vector<16xi32>
    %swap3A_109 = arith.constant 10208 : index
    %swap3A_110 = tpu.vector_load %arg6[%swap3A_109] {strides = array<i32>} : memref<10240xi32, #tpu.memory_space<vmem>>, vector<16xi32>,
    %swap3A_111 = vector.shape_cast %swap3A_110 : vector<16xi32> to vector<16xi32>
    %swap3A_112 = vector.shape_cast %add3A_108 : vector<16xi32> to vector<16xi32>
    tpu.vector_store %arg6[%swap3A_109], %swap3A_112 {strides = array<i32>} : memref<10240xi32, #tpu.memory_space<vmem>>, vector<16xi32>,
    %iota3A_113 = tpu.iota {dimensions = array<i32: 0>} : vector<16xi32>
    %add3A_114 = arith.constant 10224 : i32
    %add3A_115 = vector.broadcast %add3A_114 : i32 to vector<16xi32>
    %add3A_116 = arith.addi %iota3A_113, %add3A_115 : vector<16xi32>
    %swap3A_117 = arith.constant 10224 : index
    %swap3A_118 = tpu.vector_load %arg6[%swap3A_117] {strides = array<i32>} : memref<10240xi32, #tpu.memory_space<vmem>>, vector<16xi32>,
    %swap3A_119 = vector.shape_cast %swap3A_118 : vector<16xi32> to vector<16xi32>
    %swap3A_120 = vector.shape_cast %add3A_116 : vector<16xi32> to vector<16xi32>
    tpu.vector_store %arg6[%swap3A_117], %swap3A_120 {strides = array<i32>} : memref<10240xi32, #tpu.memory_space<vmem>>, vector<16xi32>,
    %run_scoped3A_121 = arith.constant 1 : i32
    "tpu.region"() ({
      %run_scoped3A_268 = tpu.sem_alloc : memref<!tpu.dma_semaphore, #tpu.memory_space<semaphore_mem>>
      %dma_start3A_269 = arith.constant 0 : i32
      %dma_start3A_270 = tpu.memref_slice %arg7[%dma_start3A_269] : memref<10240xi32, #tpu.memory_space<vmem>> -> memref<10000xi32, #tpu.memory_space<vmem>>
      %dma_start3A_271 = arith.constant 0 : i32
      %dma_start3A_272 = tpu.memref_slice %arg3[%run_scoped3A_121, %dma_start3A_271] : memref<2x320000xi32, #tpu.memory_space<hbm>> -> memref<1x320000xi32, #tpu.memory_space<hbm>>
      %dma_start3A_273 = tpu.memref_squeeze %dma_start3A_272 : memref<1x320000xi32, #tpu.memory_space<hbm>> -> memref<320000xi32, #tpu.memory_space<hbm>>
      %dma_start3A_274 = tpu.memref_slice %dma_start3A_273[%mul3A_2] : memref<320000xi32, #tpu.memory_space<hbm>> -> memref<10000xi32, #tpu.memory_space<hbm>>
      %dma_start3A_275 = arith.constant 0 : i32
      %dma_start3A_276 = tpu.memref_slice %arg7[%dma_start3A_275] : memref<10240xi32, #tpu.memory_space<vmem>> -> memref<10000xi32, #tpu.memory_space<vmem>>
      %dma_start3A_277 = arith.constant 0 : i32
      %dma_start3A_278 = tpu.memref_slice %arg3[%run_scoped3A_121, %dma_start3A_277] : memref<2x320000xi32, #tpu.memory_space<hbm>> -> memref<1x320000xi32, #tpu.memory_space<hbm>>
      %dma_start3A_279 = tpu.memref_squeeze %dma_start3A_278 : memref<1x320000xi32, #tpu.memory_space<hbm>> -> memref<320000xi32, #tpu.memory_space<hbm>>
      %dma_start3A_280 = tpu.memref_slice %dma_start3A_279[%mul3A_2] : memref<320000xi32, #tpu.memory_space<hbm>> -> memref<10000xi32, #tpu.memory_space<hbm>>
      tpu.enqueue_dma source(%dma_start3A_280 : memref<10000xi32, #tpu.memory_space<hbm>>) target(%dma_start3A_276 : memref<10000xi32, #tpu.memory_space<vmem>>) target_semaphore(%run_scoped3A_268 : memref<!tpu.dma_semaphore, #tpu.memory_space<semaphore_mem>>)
      %dma_wait3A = arith.constant 0 : i32
      %dma_wait3A_281 = tpu.memref_slice %arg7[%dma_wait3A] : memref<10240xi32, #tpu.memory_space<vmem>> -> memref<10000xi32, #tpu.memory_space<vmem>>
      %dma_wait3A_282 = arith.constant 0 : i32
      %dma_wait3A_283 = tpu.memref_slice %arg3[%run_scoped3A_121, %dma_wait3A_282] : memref<2x320000xi32, #tpu.memory_space<hbm>> -> memref<1x320000xi32, #tpu.memory_space<hbm>>
      %dma_wait3A_284 = tpu.memref_squeeze %dma_wait3A_283 : memref<1x320000xi32, #tpu.memory_space<hbm>> -> memref<320000xi32, #tpu.memory_space<hbm>>
      %dma_wait3A_285 = tpu.memref_slice %dma_wait3A_284[%mul3A_2] : memref<320000xi32, #tpu.memory_space<hbm>> -> memref<10000xi32, #tpu.memory_space<hbm>>
      %dma_wait3A_286 = arith.constant 0 : i32
      %dma_wait3A_287 = tpu.memref_slice %arg7[%dma_wait3A_286] : memref<10240xi32, #tpu.memory_space<vmem>> -> memref<10000xi32, #tpu.memory_space<vmem>>
      %dma_wait3A_288 = arith.constant 0 : i32
      %dma_wait3A_289 = tpu.memref_slice %arg3[%run_scoped3A_121, %dma_wait3A_288] : memref<2x320000xi32, #tpu.memory_space<hbm>> -> memref<1x320000xi32, #tpu.memory_space<hbm>>
      %dma_wait3A_290 = tpu.memref_squeeze %dma_wait3A_289 : memref<1x320000xi32, #tpu.memory_space<hbm>> -> memref<320000xi32, #tpu.memory_space<hbm>>
      %dma_wait3A_291 = tpu.memref_slice %dma_wait3A_290[%mul3A_2] : memref<320000xi32, #tpu.memory_space<hbm>> -> memref<10000xi32, #tpu.memory_space<hbm>>
      tpu.wait_dma2 semaphore(%run_scoped3A_268 : memref<!tpu.dma_semaphore, #tpu.memory_space<semaphore_mem>>) src(%dma_wait3A_291 : memref<10000xi32, #tpu.memory_space<hbm>>) dst(%dma_wait3A_287 : memref<10000xi32, #tpu.memory_space<vmem>>)
      tpu.yield
    }) : () -> ()
    %iota3A_122 = tpu.iota {dimensions = array<i32: 0>} : vector<16xi32>
    %add3A_123 = arith.constant 10000 : i32
    %add3A_124 = vector.broadcast %add3A_123 : i32 to vector<16xi32>
    %add3A_125 = arith.addi %iota3A_122, %add3A_124 : vector<16xi32>
    %swap3A_126 = arith.constant 10000 : index
    %swap3A_127 = tpu.vector_load %arg7[%swap3A_126] {strides = array<i32>} : memref<10240xi32, #tpu.memory_space<vmem>>, vector<16xi32>,
    %swap3A_128 = vector.shape_cast %swap3A_127 : vector<16xi32> to vector<16xi32>
    %swap3A_129 = vector.shape_cast %add3A_125 : vector<16xi32> to vector<16xi32>
    tpu.vector_store %arg7[%swap3A_126], %swap3A_129 {strides = array<i32>} : memref<10240xi32, #tpu.memory_space<vmem>>, vector<16xi32>,
    %iota3A_130 = tpu.iota {dimensions = array<i32: 0>} : vector<16xi32>
    %add3A_131 = arith.constant 10016 : i32
    %add3A_132 = vector.broadcast %add3A_131 : i32 to vector<16xi32>
    %add3A_133 = arith.addi %iota3A_130, %add3A_132 : vector<16xi32>
    %swap3A_134 = arith.constant 10016 : index
    %swap3A_135 = tpu.vector_load %arg7[%swap3A_134] {strides = array<i32>} : memref<10240xi32, #tpu.memory_space<vmem>>, vector<16xi32>,
    %swap3A_136 = vector.shape_cast %swap3A_135 : vector<16xi32> to vector<16xi32>
    %swap3A_137 = vector.shape_cast %add3A_133 : vector<16xi32> to vector<16xi32>
    tpu.vector_store %arg7[%swap3A_134], %swap3A_137 {strides = array<i32>} : memref<10240xi32, #tpu.memory_space<vmem>>, vector<16xi32>,
    %iota3A_138 = tpu.iota {dimensions = array<i32: 0>} : vector<16xi32>
    %add3A_139 = arith.constant 10032 : i32
    %add3A_140 = vector.broadcast %add3A_139 : i32 to vector<16xi32>
    %add3A_141 = arith.addi %iota3A_138, %add3A_140 : vector<16xi32>
    %swap3A_142 = arith.constant 10032 : index
    %swap3A_143 = tpu.vector_load %arg7[%swap3A_142] {strides = array<i32>} : memref<10240xi32, #tpu.memory_space<vmem>>, vector<16xi32>,
    %swap3A_144 = vector.shape_cast %swap3A_143 : vector<16xi32> to vector<16xi32>
    %swap3A_145 = vector.shape_cast %add3A_141 : vector<16xi32> to vector<16xi32>
    tpu.vector_store %arg7[%swap3A_142], %swap3A_145 {strides = array<i32>} : memref<10240xi32, #tpu.memory_space<vmem>>, vector<16xi32>,
    %iota3A_146 = tpu.iota {dimensions = array<i32: 0>} : vector<16xi32>
    %add3A_147 = arith.constant 10048 : i32
    %add3A_148 = vector.broadcast %add3A_147 : i32 to vector<16xi32>
    %add3A_149 = arith.addi %iota3A_146, %add3A_148 : vector<16xi32>
    %swap3A_150 = arith.constant 10048 : index
    %swap3A_151 = tpu.vector_load %arg7[%swap3A_150] {strides = array<i32>} : memref<10240xi32, #tpu.memory_space<vmem>>, vector<16xi32>,
    %swap3A_152 = vector.shape_cast %swap3A_151 : vector<16xi32> to vector<16xi32>
    %swap3A_153 = vector.shape_cast %add3A_149 : vector<16xi32> to vector<16xi32>
    tpu.vector_store %arg7[%swap3A_150], %swap3A_153 {strides = array<i32>} : memref<10240xi32, #tpu.memory_space<vmem>>, vector<16xi32>,
    %iota3A_154 = tpu.iota {dimensions = array<i32: 0>} : vector<16xi32>
    %add3A_155 = arith.constant 10064 : i32
    %add3A_156 = vector.broadcast %add3A_155 : i32 to vector<16xi32>
    %add3A_157 = arith.addi %iota3A_154, %add3A_156 : vector<16xi32>
    %swap3A_158 = arith.constant 10064 : index
    %swap3A_159 = tpu.vector_load %arg7[%swap3A_158] {strides = array<i32>} : memref<10240xi32, #tpu.memory_space<vmem>>, vector<16xi32>,
    %swap3A_160 = vector.shape_cast %swap3A_159 : vector<16xi32> to vector<16xi32>
    %swap3A_161 = vector.shape_cast %add3A_157 : vector<16xi32> to vector<16xi32>
    tpu.vector_store %arg7[%swap3A_158], %swap3A_161 {strides = array<i32>} : memref<10240xi32, #tpu.memory_space<vmem>>, vector<16xi32>,
    %iota3A_162 = tpu.iota {dimensions = array<i32: 0>} : vector<16xi32>
    %add3A_163 = arith.constant 10080 : i32
    %add3A_164 = vector.broadcast %add3A_163 : i32 to vector<16xi32>
    %add3A_165 = arith.addi %iota3A_162, %add3A_164 : vector<16xi32>
    %swap3A_166 = arith.constant 10080 : index
    %swap3A_167 = tpu.vector_load %arg7[%swap3A_166] {strides = array<i32>} : memref<10240xi32, #tpu.memory_space<vmem>>, vector<16xi32>,
    %swap3A_168 = vector.shape_cast %swap3A_167 : vector<16xi32> to vector<16xi32>
    %swap3A_169 = vector.shape_cast %add3A_165 : vector<16xi32> to vector<16xi32>
    tpu.vector_store %arg7[%swap3A_166], %swap3A_169 {strides = array<i32>} : memref<10240xi32, #tpu.memory_space<vmem>>, vector<16xi32>,
    %iota3A_170 = tpu.iota {dimensions = array<i32: 0>} : vector<16xi32>
    %add3A_171 = arith.constant 10096 : i32
    %add3A_172 = vector.broadcast %add3A_171 : i32 to vector<16xi32>
    %add3A_173 = arith.addi %iota3A_170, %add3A_172 : vector<16xi32>
    %swap3A_174 = arith.constant 10096 : index
    %swap3A_175 = tpu.vector_load %arg7[%swap3A_174] {strides = array<i32>} : memref<10240xi32, #tpu.memory_space<vmem>>, vector<16xi32>,
    %swap3A_176 = vector.shape_cast %swap3A_175 : vector<16xi32> to vector<16xi32>
    %swap3A_177 = vector.shape_cast %add3A_173 : vector<16xi32> to vector<16xi32>
    tpu.vector_store %arg7[%swap3A_174], %swap3A_177 {strides = array<i32>} : memref<10240xi32, #tpu.memory_space<vmem>>, vector<16xi32>,
    %iota3A_178 = tpu.iota {dimensions = array<i32: 0>} : vector<16xi32>
    %add3A_179 = arith.constant 10112 : i32
    %add3A_180 = vector.broadcast %add3A_179 : i32 to vector<16xi32>
    %add3A_181 = arith.addi %iota3A_178, %add3A_180 : vector<16xi32>
    %swap3A_182 = arith.constant 10112 : index
    %swap3A_183 = tpu.vector_load %arg7[%swap3A_182] {strides = array<i32>} : memref<10240xi32, #tpu.memory_space<vmem>>, vector<16xi32>,
    %swap3A_184 = vector.shape_cast %swap3A_183 : vector<16xi32> to vector<16xi32>
    %swap3A_185 = vector.shape_cast %add3A_181 : vector<16xi32> to vector<16xi32>
    tpu.vector_store %arg7[%swap3A_182], %swap3A_185 {strides = array<i32>} : memref<10240xi32, #tpu.memory_space<vmem>>, vector<16xi32>,
    %iota3A_186 = tpu.iota {dimensions = array<i32: 0>} : vector<16xi32>
    %add3A_187 = arith.constant 10128 : i32
    %add3A_188 = vector.broadcast %add3A_187 : i32 to vector<16xi32>
    %add3A_189 = arith.addi %iota3A_186, %add3A_188 : vector<16xi32>
    %swap3A_190 = arith.constant 10128 : index
    %swap3A_191 = tpu.vector_load %arg7[%swap3A_190] {strides = array<i32>} : memref<10240xi32, #tpu.memory_space<vmem>>, vector<16xi32>,
    %swap3A_192 = vector.shape_cast %swap3A_191 : vector<16xi32> to vector<16xi32>
    %swap3A_193 = vector.shape_cast %add3A_189 : vector<16xi32> to vector<16xi32>
    tpu.vector_store %arg7[%swap3A_190], %swap3A_193 {strides = array<i32>} : memref<10240xi32, #tpu.memory_space<vmem>>, vector<16xi32>,
    %iota3A_194 = tpu.iota {dimensions = array<i32: 0>} : vector<16xi32>
    %add3A_195 = arith.constant 10144 : i32
    %add3A_196 = vector.broadcast %add3A_195 : i32 to vector<16xi32>
    %add3A_197 = arith.addi %iota3A_194, %add3A_196 : vector<16xi32>
    %swap3A_198 = arith.constant 10144 : index
    %swap3A_199 = tpu.vector_load %arg7[%swap3A_198] {strides = array<i32>} : memref<10240xi32, #tpu.memory_space<vmem>>, vector<16xi32>,
    %swap3A_200 = vector.shape_cast %swap3A_199 : vector<16xi32> to vector<16xi32>
    %swap3A_201 = vector.shape_cast %add3A_197 : vector<16xi32> to vector<16xi32>
    tpu.vector_store %arg7[%swap3A_198], %swap3A_201 {strides = array<i32>} : memref<10240xi32, #tpu.memory_space<vmem>>, vector<16xi32>,
    %iota3A_202 = tpu.iota {dimensions = array<i32: 0>} : vector<16xi32>
    %add3A_203 = arith.constant 10160 : i32
    %add3A_204 = vector.broadcast %add3A_203 : i32 to vector<16xi32>
    %add3A_205 = arith.addi %iota3A_202, %add3A_204 : vector<16xi32>
    %swap3A_206 = arith.constant 10160 : index
    %swap3A_207 = tpu.vector_load %arg7[%swap3A_206] {strides = array<i32>} : memref<10240xi32, #tpu.memory_space<vmem>>, vector<16xi32>,
    %swap3A_208 = vector.shape_cast %swap3A_207 : vector<16xi32> to vector<16xi32>
    %swap3A_209 = vector.shape_cast %add3A_205 : vector<16xi32> to vector<16xi32>
    tpu.vector_store %arg7[%swap3A_206], %swap3A_209 {strides = array<i32>} : memref<10240xi32, #tpu.memory_space<vmem>>, vector<16xi32>,
    %iota3A_210 = tpu.iota {dimensions = array<i32: 0>} : vector<16xi32>
    %add3A_211 = arith.constant 10176 : i32
    %add3A_212 = vector.broadcast %add3A_211 : i32 to vector<16xi32>
    %add3A_213 = arith.addi %iota3A_210, %add3A_212 : vector<16xi32>
    %swap3A_214 = arith.constant 10176 : index
    %swap3A_215 = tpu.vector_load %arg7[%swap3A_214] {strides = array<i32>} : memref<10240xi32, #tpu.memory_space<vmem>>, vector<16xi32>,
    %swap3A_216 = vector.shape_cast %swap3A_215 : vector<16xi32> to vector<16xi32>
    %swap3A_217 = vector.shape_cast %add3A_213 : vector<16xi32> to vector<16xi32>
    tpu.vector_store %arg7[%swap3A_214], %swap3A_217 {strides = array<i32>} : memref<10240xi32, #tpu.memory_space<vmem>>, vector<16xi32>,
    %iota3A_218 = tpu.iota {dimensions = array<i32: 0>} : vector<16xi32>
    %add3A_219 = arith.constant 10192 : i32
    %add3A_220 = vector.broadcast %add3A_219 : i32 to vector<16xi32>
    %add3A_221 = arith.addi %iota3A_218, %add3A_220 : vector<16xi32>
    %swap3A_222 = arith.constant 10192 : index
    %swap3A_223 = tpu.vector_load %arg7[%swap3A_222] {strides = array<i32>} : memref<10240xi32, #tpu.memory_space<vmem>>, vector<16xi32>,
    %swap3A_224 = vector.shape_cast %swap3A_223 : vector<16xi32> to vector<16xi32>
    %swap3A_225 = vector.shape_cast %add3A_221 : vector<16xi32> to vector<16xi32>
    tpu.vector_store %arg7[%swap3A_222], %swap3A_225 {strides = array<i32>} : memref<10240xi32, #tpu.memory_space<vmem>>, vector<16xi32>,
    %iota3A_226 = tpu.iota {dimensions = array<i32: 0>} : vector<16xi32>
    %add3A_227 = arith.constant 10208 : i32
    %add3A_228 = vector.broadcast %add3A_227 : i32 to vector<16xi32>
    %add3A_229 = arith.addi %iota3A_226, %add3A_228 : vector<16xi32>
    %swap3A_230 = arith.constant 10208 : index
    %swap3A_231 = tpu.vector_load %arg7[%swap3A_230] {strides = array<i32>} : memref<10240xi32, #tpu.memory_space<vmem>>, vector<16xi32>,
    %swap3A_232 = vector.shape_cast %swap3A_231 : vector<16xi32> to vector<16xi32>
    %swap3A_233 = vector.shape_cast %add3A_229 : vector<16xi32> to vector<16xi32>
    tpu.vector_store %arg7[%swap3A_230], %swap3A_233 {strides = array<i32>} : memref<10240xi32, #tpu.memory_space<vmem>>, vector<16xi32>,
    %iota3A_234 = tpu.iota {dimensions = array<i32: 0>} : vector<16xi32>
    %add3A_235 = arith.constant 10224 : i32
    %add3A_236 = vector.broadcast %add3A_235 : i32 to vector<16xi32>
    %add3A_237 = arith.addi %iota3A_234, %add3A_236 : vector<16xi32>
    %swap3A_238 = arith.constant 10224 : index
    %swap3A_239 = tpu.vector_load %arg7[%swap3A_238] {strides = array<i32>} : memref<10240xi32, #tpu.memory_space<vmem>>, vector<16xi32>,
    %swap3A_240 = vector.shape_cast %swap3A_239 : vector<16xi32> to vector<16xi32>
    %swap3A_241 = vector.shape_cast %add3A_237 : vector<16xi32> to vector<16xi32>
    tpu.vector_store %arg7[%swap3A_238], %swap3A_241 {strides = array<i32>} : memref<10240xi32, #tpu.memory_space<vmem>>, vector<16xi32>,
    %mul3A_242 = arith.constant 640 : i32
    %mul3A_243 = arith.muli %arg1, %mul3A_242 : i32
    %mul3A_244 = arith.constant 640 : i32
    %mul3A_245 = arith.muli %arg1, %mul3A_244 : i32
    "tpu.region"() ({
      %run_scoped3A_268 = tpu.sem_alloc : memref<!tpu.dma_semaphore, #tpu.memory_space<semaphore_mem>>
      %dma_start3A_269 = arith.constant 0 : i32
      %dma_start3A_270 = tpu.memref_slice %arg9[%mul3A_245, %dma_start3A_269] : memref<10240x64xf32, #tpu.memory_space<vmem_shared>> -> memref<640x64xf32, #tpu.memory_space<vmem_shared>>
      %dma_start3A_271 = arith.constant 0 : i32
      %dma_start3A_272 = tpu.memref_slice %arg4[%mul3A_243, %dma_start3A_271] : memref<10240x64xf32, #tpu.memory_space<hbm>> -> memref<640x64xf32, #tpu.memory_space<hbm>>
      tpu.enqueue_dma source(%dma_start3A_272 : memref<640x64xf32, #tpu.memory_space<hbm>>) target(%dma_start3A_270 : memref<640x64xf32, #tpu.memory_space<vmem_shared>>) target_semaphore(%run_scoped3A_268 : memref<!tpu.dma_semaphore, #tpu.memory_space<semaphore_mem>>)
      %dma_wait3A = arith.constant 0 : i32
      %dma_wait3A_273 = tpu.memref_slice %arg9[%mul3A_245, %dma_wait3A] : memref<10240x64xf32, #tpu.memory_space<vmem_shared>> -> memref<640x64xf32, #tpu.memory_space<vmem_shared>>
      %dma_wait3A_274 = arith.constant 0 : i32
      %dma_wait3A_275 = tpu.memref_slice %arg4[%mul3A_243, %dma_wait3A_274] : memref<10240x64xf32, #tpu.memory_space<hbm>> -> memref<640x64xf32, #tpu.memory_space<hbm>>
      tpu.wait_dma2 semaphore(%run_scoped3A_268 : memref<!tpu.dma_semaphore, #tpu.memory_space<semaphore_mem>>) src(%dma_wait3A_275 : memref<640x64xf32, #tpu.memory_space<hbm>>) dst(%dma_wait3A_273 : memref<640x64xf32, #tpu.memory_space<vmem_shared>>)
      tpu.yield
    }) : () -> ()
    %barrier3A = arith.constant 0 : index
    tpu.barrier barrier_id(%barrier3A)
    %dma_start3A = arith.constant 0 : i32
    %dma_start3A_246 = arith.constant 0 : i32
    %dma_start3A_247 = arith.constant 0 : i32
    %dma_start3A_248 = arith.constant 0 : i32
    %dma_start3A_249 = tpu.memref_slice %arg8[%dma_start3A, %dma_start3A_247, %dma_start3A_248] : memref<2x512x64xf32, #tpu.memory_space<vmem>> -> memref<1x512x64xf32, #tpu.memory_space<vmem>>
    %dma_start3A_250 = tpu.memref_squeeze %dma_start3A_249 : memref<1x512x64xf32, #tpu.memory_space<vmem>> -> memref<512x64xf32, #tpu.memory_space<vmem>>
    %dma_start3A_251 = arith.constant 0 : i32
    %dma_start3A_252 = tpu.memref_slice %arg6[%dma_start3A_251] : memref<10240xi32, #tpu.memory_space<vmem>> -> memref<512xi32, #tpu.memory_space<vmem>>
    %dma_start3A_253 = arith.constant 0 : i32
    %dma_start3A_254 = arith.constant 0 : i32
    %dma_start3A_255 = tpu.memref_slice %arg2[%dma_start3A_253, %dma_start3A_254] : memref<10240x64xf32, #tpu.memory_space<hbm>> -> memref<10240x64xf32, #tpu.memory_space<hbm>>
    %dma_start3A_256 = tpu.memref_slice %arg10[%dma_start3A_246] : memref<2x!tpu.dma_semaphore, #tpu.memory_space<semaphore_mem>> -> memref<1x!tpu.dma_semaphore, #tpu.memory_space<semaphore_mem>>
    %dma_start3A_257 = tpu.memref_squeeze %dma_start3A_256 : memref<1x!tpu.dma_semaphore, #tpu.memory_space<semaphore_mem>> -> memref<!tpu.dma_semaphore, #tpu.memory_space<semaphore_mem>>
    tpu.enqueue_indirect_dma source(%dma_start3A_255 : memref<10240x64xf32, #tpu.memory_space<hbm>>) target(%dma_start3A_250 : memref<512x64xf32, #tpu.memory_space<vmem>>) offsets(%dma_start3A_252 : memref<512xi32, #tpu.memory_space<vmem>>) semaphore(%dma_start3A_257 : memref<!tpu.dma_semaphore, #tpu.memory_space<semaphore_mem>>)
    %scan3A = arith.constant 0 : i32
    %scan3A_258 = arith.constant 0 : i32
    %scan3A_259 = arith.constant 20 : i32
    %scan3A_260 = arith.addi %scan3A_258, %scan3A_259 : i32
    %scan3A_261 = arith.constant 1 : i32
    scf.for %scan3A_268 = %scan3A_258 to %scan3A_260 step %scan3A_261  : i32 {
      %rem3A = arith.constant 2 : i32
      %rem3A_269 = arith.remsi %scan3A_268, %rem3A : i32
      %add3A_270 = arith.constant 2 : i32
      %add3A_271 = arith.addi %scan3A_268, %add3A_270 : i32
      %sub3A = arith.constant 1 : i32
      %sub3A_272 = arith.subi %add3A_271, %sub3A : i32
      %lt3A = arith.constant 20 : i32
      %lt3A_273 = arith.cmpi slt, %sub3A_272, %lt3A : i32
      %convert_element_type3A = arith.extui %lt3A_273 : i1 to i32
      %cond3A = arith.constant 0 : i32
      %cond3A_274 = arith.cmpi ne, %convert_element_type3A, %cond3A : i32
      scf.if %cond3A_274 {
        %rem3A_288 = arith.constant 2 : i32
        %rem3A_289 = arith.remsi %sub3A_272, %rem3A_288 : i32
        %mul3A_290 = arith.constant 512 : i32
        %mul3A_291 = arith.muli %sub3A_272, %mul3A_290 : i32
        %dma_start3A_292 = arith.constant 0 : i32
        %dma_start3A_293 = arith.constant 0 : i32
        %dma_start3A_294 = tpu.memref_slice %arg8[%rem3A_289, %dma_start3A_292, %dma_start3A_293] : memref<2x512x64xf32, #tpu.memory_space<vmem>> -> memref<1x512x64xf32, #tpu.memory_space<vmem>>
        %dma_start3A_295 = tpu.memref_squeeze %dma_start3A_294 : memref<1x512x64xf32, #tpu.memory_space<vmem>> -> memref<512x64xf32, #tpu.memory_space<vmem>>
        %dma_start3A_296 = tpu.memref_slice %arg6[%mul3A_291] : memref<10240xi32, #tpu.memory_space<vmem>> -> memref<512xi32, #tpu.memory_space<vmem>>
        %dma_start3A_297 = arith.constant 0 : i32
        %dma_start3A_298 = arith.constant 0 : i32
        %dma_start3A_299 = tpu.memref_slice %arg2[%dma_start3A_297, %dma_start3A_298] : memref<10240x64xf32, #tpu.memory_space<hbm>> -> memref<10240x64xf32, #tpu.memory_space<hbm>>
        %dma_start3A_300 = tpu.memref_slice %arg10[%rem3A_289] : memref<2x!tpu.dma_semaphore, #tpu.memory_space<semaphore_mem>> -> memref<1x!tpu.dma_semaphore, #tpu.memory_space<semaphore_mem>>
        %dma_start3A_301 = tpu.memref_squeeze %dma_start3A_300 : memref<1x!tpu.dma_semaphore, #tpu.memory_space<semaphore_mem>> -> memref<!tpu.dma_semaphore, #tpu.memory_space<semaphore_mem>>
        tpu.enqueue_indirect_dma source(%dma_start3A_299 : memref<10240x64xf32, #tpu.memory_space<hbm>>) target(%dma_start3A_295 : memref<512x64xf32, #tpu.memory_space<vmem>>) offsets(%dma_start3A_296 : memref<512xi32, #tpu.memory_space<vmem>>) semaphore(%dma_start3A_301 : memref<!tpu.dma_semaphore, #tpu.memory_space<semaphore_mem>>)
      } else {
      }
      %mul3A_275 = arith.constant 512 : i32
      %mul3A_276 = arith.muli %scan3A_268, %mul3A_275 : i32
      %dma_wait3A = arith.constant 0 : i32
      %dma_wait3A_277 = arith.constant 0 : i32
      %dma_wait3A_278 = tpu.memref_slice %arg8[%rem3A_269, %dma_wait3A, %dma_wait3A_277] : memref<2x512x64xf32, #tpu.memory_space<vmem>> -> memref<1x512x64xf32, #tpu.memory_space<vmem>>
      %dma_wait3A_279 = tpu.memref_squeeze %dma_wait3A_278 : memref<1x512x64xf32, #tpu.memory_space<vmem>> -> memref<512x64xf32, #tpu.memory_space<vmem>>
      %dma_wait3A_280 = tpu.memref_slice %arg6[%mul3A_276] : memref<10240xi32, #tpu.memory_space<vmem>> -> memref<512xi32, #tpu.memory_space<vmem>>
      %dma_wait3A_281 = arith.constant 0 : i32
      %dma_wait3A_282 = arith.constant 0 : i32
      %dma_wait3A_283 = tpu.memref_slice %arg2[%dma_wait3A_281, %dma_wait3A_282] : memref<10240x64xf32, #tpu.memory_space<hbm>> -> memref<10240x64xf32, #tpu.memory_space<hbm>>
      %dma_wait3A_284 = tpu.memref_slice %arg10[%rem3A_269] : memref<2x!tpu.dma_semaphore, #tpu.memory_space<semaphore_mem>> -> memref<1x!tpu.dma_semaphore, #tpu.memory_space<semaphore_mem>>
      %dma_wait3A_285 = tpu.memref_squeeze %dma_wait3A_284 : memref<1x!tpu.dma_semaphore, #tpu.memory_space<semaphore_mem>> -> memref<!tpu.dma_semaphore, #tpu.memory_space<semaphore_mem>>
      tpu.wait_indirect_dma semaphore(%dma_wait3A_285 : memref<!tpu.dma_semaphore, #tpu.memory_space<semaphore_mem>>) src(%dma_wait3A_283 : memref<10240x64xf32, #tpu.memory_space<hbm>>) dst(%dma_wait3A_279 : memref<512x64xf32, #tpu.memory_space<vmem>>)
      %mul3A_286 = arith.constant 512 : i32
      %mul3A_287 = arith.muli %scan3A_268, %mul3A_286 : i32
      "tpu.region"() ({
        %run_scoped3A_288 = tpu.sem_alloc : memref<!tpu.dma_semaphore, #tpu.memory_space<semaphore_mem>>
        %dma_start3A_289 = arith.constant 0 : i32
        %dma_start3A_290 = arith.constant 0 : i32
        %dma_start3A_291 = tpu.memref_slice %arg8[%rem3A_269, %dma_start3A_289, %dma_start3A_290] : memref<2x512x64xf32, #tpu.memory_space<vmem>> -> memref<1x512x64xf32, #tpu.memory_space<vmem>>
        %dma_start3A_292 = tpu.memref_squeeze %dma_start3A_291 : memref<1x512x64xf32, #tpu.memory_space<vmem>> -> memref<512x64xf32, #tpu.memory_space<vmem>>
        %dma_start3A_293 = tpu.memref_slice %arg7[%mul3A_287] : memref<10240xi32, #tpu.memory_space<vmem>> -> memref<512xi32, #tpu.memory_space<vmem>>
        %dma_start3A_294 = arith.constant 0 : i32
        %dma_start3A_295 = arith.constant 0 : i32
        %dma_start3A_296 = tpu.memref_slice %arg9[%dma_start3A_294, %dma_start3A_295] : memref<10240x64xf32, #tpu.memory_space<vmem_shared>> -> memref<10240x64xf32, #tpu.memory_space<vmem_shared>>
        tpu.enqueue_indirect_dma source(%dma_start3A_292 : memref<512x64xf32, #tpu.memory_space<vmem>>) target(%dma_start3A_296 : memref<10240x64xf32, #tpu.memory_space<vmem_shared>>) offsets(%dma_start3A_293 : memref<512xi32, #tpu.memory_space<vmem>>) semaphore(%run_scoped3A_288 : memref<!tpu.dma_semaphore, #tpu.memory_space<semaphore_mem>>) {add = true}
        %dma_wait3A_297 = arith.constant 0 : i32
        %dma_wait3A_298 = arith.constant 0 : i32
        %dma_wait3A_299 = tpu.memref_slice %arg8[%rem3A_269, %dma_wait3A_297, %dma_wait3A_298] : memref<2x512x64xf32, #tpu.memory_space<vmem>> -> memref<1x512x64xf32, #tpu.memory_space<vmem>>
        %dma_wait3A_300 = tpu.memref_squeeze %dma_wait3A_299 : memref<1x512x64xf32, #tpu.memory_space<vmem>> -> memref<512x64xf32, #tpu.memory_space<vmem>>
        %dma_wait3A_301 = tpu.memref_slice %arg7[%mul3A_287] : memref<10240xi32, #tpu.memory_space<vmem>> -> memref<512xi32, #tpu.memory_space<vmem>>
        %dma_wait3A_302 = arith.constant 0 : i32
        %dma_wait3A_303 = arith.constant 0 : i32
        %dma_wait3A_304 = tpu.memref_slice %arg9[%dma_wait3A_302, %dma_wait3A_303] : memref<10240x64xf32, #tpu.memory_space<vmem_shared>> -> memref<10240x64xf32, #tpu.memory_space<vmem_shared>>
        tpu.wait_indirect_dma semaphore(%run_scoped3A_288 : memref<!tpu.dma_semaphore, #tpu.memory_space<semaphore_mem>>) src(%dma_wait3A_300 : memref<512x64xf32, #tpu.memory_space<vmem>>) dst(%dma_wait3A_304 : memref<10240x64xf32, #tpu.memory_space<vmem_shared>>)
        tpu.yield
      }) : () -> ()
    }
    %scan3A_262 = arith.constant 20 : i32
    %barrier3A_263 = arith.constant 0 : index
    tpu.barrier barrier_id(%barrier3A_263)
    %mul3A_264 = arith.constant 640 : i32
    %mul3A_265 = arith.muli %arg1, %mul3A_264 : i32
    %mul3A_266 = arith.constant 640 : i32
    %mul3A_267 = arith.muli %arg1, %mul3A_266 : i32
    "tpu.region"() ({
      %run_scoped3A_268 = tpu.sem_alloc : memref<!tpu.dma_semaphore, #tpu.memory_space<semaphore_mem>>
      %dma_start3A_269 = arith.constant 0 : i32
      %dma_start3A_270 = arith.constant 0 : i32
      %dma_start3A_271 = tpu.memref_slice %arg5[%arg0, %dma_start3A_269, %dma_start3A_270] : memref<2x10240x64xf32, #tpu.memory_space<hbm>> -> memref<1x10240x64xf32, #tpu.memory_space<hbm>>
      %dma_start3A_272 = tpu.memref_squeeze %dma_start3A_271 : memref<1x10240x64xf32, #tpu.memory_space<hbm>> -> memref<10240x64xf32, #tpu.memory_space<hbm>>
      %dma_start3A_273 = arith.constant 0 : i32
      %dma_start3A_274 = tpu.memref_slice %dma_start3A_272[%mul3A_267, %dma_start3A_273] : memref<10240x64xf32, #tpu.memory_space<hbm>> -> memref<640x64xf32, #tpu.memory_space<hbm>>
      %dma_start3A_275 = arith.constant 0 : i32
      %dma_start3A_276 = tpu.memref_slice %arg9[%mul3A_265, %dma_start3A_275] : memref<10240x64xf32, #tpu.memory_space<vmem_shared>> -> memref<640x64xf32, #tpu.memory_space<vmem_shared>>
      tpu.enqueue_dma source(%dma_start3A_276 : memref<640x64xf32, #tpu.memory_space<vmem_shared>>) target(%dma_start3A_274 : memref<640x64xf32, #tpu.memory_space<hbm>>) target_semaphore(%run_scoped3A_268 : memref<!tpu.dma_semaphore, #tpu.memory_space<semaphore_mem>>)
      %dma_wait3A = arith.constant 0 : i32
      %dma_wait3A_277 = arith.constant 0 : i32
      %dma_wait3A_278 = tpu.memref_slice %arg5[%arg0, %dma_wait3A, %dma_wait3A_277] : memref<2x10240x64xf32, #tpu.memory_space<hbm>> -> memref<1x10240x64xf32, #tpu.memory_space<hbm>>
      %dma_wait3A_279 = tpu.memref_squeeze %dma_wait3A_278 : memref<1x10240x64xf32, #tpu.memory_space<hbm>> -> memref<10240x64xf32, #tpu.memory_space<hbm>>
      %dma_wait3A_280 = arith.constant 0 : i32
      %dma_wait3A_281 = tpu.memref_slice %dma_wait3A_279[%mul3A_267, %dma_wait3A_280] : memref<10240x64xf32, #tpu.memory_space<hbm>> -> memref<640x64xf32, #tpu.memory_space<hbm>>
      %dma_wait3A_282 = arith.constant 0 : i32
      %dma_wait3A_283 = tpu.memref_slice %arg9[%mul3A_265, %dma_wait3A_282] : memref<10240x64xf32, #tpu.memory_space<vmem_shared>> -> memref<640x64xf32, #tpu.memory_space<vmem_shared>>
      tpu.wait_dma2 semaphore(%run_scoped3A_268 : memref<!tpu.dma_semaphore, #tpu.memory_space<semaphore_mem>>) src(%dma_wait3A_283 : memref<640x64xf32, #tpu.memory_space<vmem_shared>>) dst(%dma_wait3A_281 : memref<640x64xf32, #tpu.memory_space<hbm>>)
      tpu.yield
    }) : () -> ()
    return
  }
}

#map = affine_map<(d0, d1) -> (0, 0)>
#map1 = affine_map<(d0, d1) -> (0, 0, 0)>
module attributes {stable_mosaic.version = 14 : i64} {
  func.func @agg(%arg0: i32, %arg1: i32, %arg2: memref<10240x32xf32, #tpu.memory_space<hbm>>, %arg3: memref<2x320000xi32, #tpu.memory_space<hbm>>, %arg4: memref<10240x32xf32, #tpu.memory_space<hbm>>, %arg5: memref<2x10240x32xf32, #tpu.memory_space<hbm>>, %arg6: memref<10240xi32, #tpu.memory_space<vmem>>, %arg7: memref<10240xi32, #tpu.memory_space<vmem>>, %arg8: memref<2x1024x32xf32, #tpu.memory_space<vmem>>, %arg9: memref<10240x32xf32, #tpu.memory_space<vmem_shared>>, %arg10: memref<2x!tpu.dma_semaphore, #tpu.memory_space<semaphore_mem>>) attributes {dimension_semantics = [#tpu.dimension_semantics<core_parallel>, #tpu.dimension_semantics<subcore_parallel>], iteration_bounds = array<i64: 2, 16>, scalar_prefetch = 0 : i64, scratch_operands = 5 : i64, tpu.core_type = #tpu.core_type<sc_vector_subcore>, window_params = [{transform_indices = #map}, {transform_indices = #map}, {transform_indices = #map}, {transform_indices = #map1}]} {
    %mul3A = arith.constant 16 : i32
    %mul3A_0 = arith.muli %arg0, %mul3A : i32
    %add3A = arith.addi %mul3A_0, %arg1 : i32
    %mul3A_1 = arith.constant 10000 : i32
    %mul3A_2 = arith.muli %add3A, %mul3A_1 : i32
    %run_scoped3A = arith.constant 0 : i32
    "tpu.region"() ({
      %run_scoped3A_268 = tpu.sem_alloc : memref<!tpu.dma_semaphore, #tpu.memory_space<semaphore_mem>>
      %dma_start3A_269 = arith.constant 0 : i32
      %dma_start3A_270 = tpu.memref_slice %arg6[%dma_start3A_269] : memref<10240xi32, #tpu.memory_space<vmem>> -> memref<10000xi32, #tpu.memory_space<vmem>>
      %dma_start3A_271 = arith.constant 0 : i32
      %dma_start3A_272 = tpu.memref_slice %arg3[%run_scoped3A, %dma_start3A_271] : memref<2x320000xi32, #tpu.memory_space<hbm>> -> memref<1x320000xi32, #tpu.memory_space<hbm>>
      %dma_start3A_273 = tpu.memref_squeeze %dma_start3A_272 : memref<1x320000xi32, #tpu.memory_space<hbm>> -> memref<320000xi32, #tpu.memory_space<hbm>>
      %dma_start3A_274 = tpu.memref_slice %dma_start3A_273[%mul3A_2] : memref<320000xi32, #tpu.memory_space<hbm>> -> memref<10000xi32, #tpu.memory_space<hbm>>
      %dma_start3A_275 = arith.constant 0 : i32
      %dma_start3A_276 = tpu.memref_slice %arg6[%dma_start3A_275] : memref<10240xi32, #tpu.memory_space<vmem>> -> memref<10000xi32, #tpu.memory_space<vmem>>
      %dma_start3A_277 = arith.constant 0 : i32
      %dma_start3A_278 = tpu.memref_slice %arg3[%run_scoped3A, %dma_start3A_277] : memref<2x320000xi32, #tpu.memory_space<hbm>> -> memref<1x320000xi32, #tpu.memory_space<hbm>>
      %dma_start3A_279 = tpu.memref_squeeze %dma_start3A_278 : memref<1x320000xi32, #tpu.memory_space<hbm>> -> memref<320000xi32, #tpu.memory_space<hbm>>
      %dma_start3A_280 = tpu.memref_slice %dma_start3A_279[%mul3A_2] : memref<320000xi32, #tpu.memory_space<hbm>> -> memref<10000xi32, #tpu.memory_space<hbm>>
      tpu.enqueue_dma source(%dma_start3A_280 : memref<10000xi32, #tpu.memory_space<hbm>>) target(%dma_start3A_276 : memref<10000xi32, #tpu.memory_space<vmem>>) target_semaphore(%run_scoped3A_268 : memref<!tpu.dma_semaphore, #tpu.memory_space<semaphore_mem>>)
      %dma_wait3A = arith.constant 0 : i32
      %dma_wait3A_281 = tpu.memref_slice %arg6[%dma_wait3A] : memref<10240xi32, #tpu.memory_space<vmem>> -> memref<10000xi32, #tpu.memory_space<vmem>>
      %dma_wait3A_282 = arith.constant 0 : i32
      %dma_wait3A_283 = tpu.memref_slice %arg3[%run_scoped3A, %dma_wait3A_282] : memref<2x320000xi32, #tpu.memory_space<hbm>> -> memref<1x320000xi32, #tpu.memory_space<hbm>>
      %dma_wait3A_284 = tpu.memref_squeeze %dma_wait3A_283 : memref<1x320000xi32, #tpu.memory_space<hbm>> -> memref<320000xi32, #tpu.memory_space<hbm>>
      %dma_wait3A_285 = tpu.memref_slice %dma_wait3A_284[%mul3A_2] : memref<320000xi32, #tpu.memory_space<hbm>> -> memref<10000xi32, #tpu.memory_space<hbm>>
      %dma_wait3A_286 = arith.constant 0 : i32
      %dma_wait3A_287 = tpu.memref_slice %arg6[%dma_wait3A_286] : memref<10240xi32, #tpu.memory_space<vmem>> -> memref<10000xi32, #tpu.memory_space<vmem>>
      %dma_wait3A_288 = arith.constant 0 : i32
      %dma_wait3A_289 = tpu.memref_slice %arg3[%run_scoped3A, %dma_wait3A_288] : memref<2x320000xi32, #tpu.memory_space<hbm>> -> memref<1x320000xi32, #tpu.memory_space<hbm>>
      %dma_wait3A_290 = tpu.memref_squeeze %dma_wait3A_289 : memref<1x320000xi32, #tpu.memory_space<hbm>> -> memref<320000xi32, #tpu.memory_space<hbm>>
      %dma_wait3A_291 = tpu.memref_slice %dma_wait3A_290[%mul3A_2] : memref<320000xi32, #tpu.memory_space<hbm>> -> memref<10000xi32, #tpu.memory_space<hbm>>
      tpu.wait_dma2 semaphore(%run_scoped3A_268 : memref<!tpu.dma_semaphore, #tpu.memory_space<semaphore_mem>>) src(%dma_wait3A_291 : memref<10000xi32, #tpu.memory_space<hbm>>) dst(%dma_wait3A_287 : memref<10000xi32, #tpu.memory_space<vmem>>)
      tpu.yield
    }) : () -> ()
    %iota3A = tpu.iota {dimensions = array<i32: 0>} : vector<16xi32>
    %add3A_3 = arith.constant 10000 : i32
    %add3A_4 = vector.broadcast %add3A_3 : i32 to vector<16xi32>
    %add3A_5 = arith.addi %iota3A, %add3A_4 : vector<16xi32>
    %swap3A = arith.constant 10000 : index
    %swap3A_6 = tpu.vector_load %arg6[%swap3A] {strides = array<i32>} : memref<10240xi32, #tpu.memory_space<vmem>>, vector<16xi32>,
    %swap3A_7 = vector.shape_cast %swap3A_6 : vector<16xi32> to vector<16xi32>
    %swap3A_8 = vector.shape_cast %add3A_5 : vector<16xi32> to vector<16xi32>
    tpu.vector_store %arg6[%swap3A], %swap3A_8 {strides = array<i32>} : memref<10240xi32, #tpu.memory_space<vmem>>, vector<16xi32>,
    %iota3A_9 = tpu.iota {dimensions = array<i32: 0>} : vector<16xi32>
    %add3A_10 = arith.constant 10016 : i32
    %add3A_11 = vector.broadcast %add3A_10 : i32 to vector<16xi32>
    %add3A_12 = arith.addi %iota3A_9, %add3A_11 : vector<16xi32>
    %swap3A_13 = arith.constant 10016 : index
    %swap3A_14 = tpu.vector_load %arg6[%swap3A_13] {strides = array<i32>} : memref<10240xi32, #tpu.memory_space<vmem>>, vector<16xi32>,
    %swap3A_15 = vector.shape_cast %swap3A_14 : vector<16xi32> to vector<16xi32>
    %swap3A_16 = vector.shape_cast %add3A_12 : vector<16xi32> to vector<16xi32>
    tpu.vector_store %arg6[%swap3A_13], %swap3A_16 {strides = array<i32>} : memref<10240xi32, #tpu.memory_space<vmem>>, vector<16xi32>,
    %iota3A_17 = tpu.iota {dimensions = array<i32: 0>} : vector<16xi32>
    %add3A_18 = arith.constant 10032 : i32
    %add3A_19 = vector.broadcast %add3A_18 : i32 to vector<16xi32>
    %add3A_20 = arith.addi %iota3A_17, %add3A_19 : vector<16xi32>
    %swap3A_21 = arith.constant 10032 : index
    %swap3A_22 = tpu.vector_load %arg6[%swap3A_21] {strides = array<i32>} : memref<10240xi32, #tpu.memory_space<vmem>>, vector<16xi32>,
    %swap3A_23 = vector.shape_cast %swap3A_22 : vector<16xi32> to vector<16xi32>
    %swap3A_24 = vector.shape_cast %add3A_20 : vector<16xi32> to vector<16xi32>
    tpu.vector_store %arg6[%swap3A_21], %swap3A_24 {strides = array<i32>} : memref<10240xi32, #tpu.memory_space<vmem>>, vector<16xi32>,
    %iota3A_25 = tpu.iota {dimensions = array<i32: 0>} : vector<16xi32>
    %add3A_26 = arith.constant 10048 : i32
    %add3A_27 = vector.broadcast %add3A_26 : i32 to vector<16xi32>
    %add3A_28 = arith.addi %iota3A_25, %add3A_27 : vector<16xi32>
    %swap3A_29 = arith.constant 10048 : index
    %swap3A_30 = tpu.vector_load %arg6[%swap3A_29] {strides = array<i32>} : memref<10240xi32, #tpu.memory_space<vmem>>, vector<16xi32>,
    %swap3A_31 = vector.shape_cast %swap3A_30 : vector<16xi32> to vector<16xi32>
    %swap3A_32 = vector.shape_cast %add3A_28 : vector<16xi32> to vector<16xi32>
    tpu.vector_store %arg6[%swap3A_29], %swap3A_32 {strides = array<i32>} : memref<10240xi32, #tpu.memory_space<vmem>>, vector<16xi32>,
    %iota3A_33 = tpu.iota {dimensions = array<i32: 0>} : vector<16xi32>
    %add3A_34 = arith.constant 10064 : i32
    %add3A_35 = vector.broadcast %add3A_34 : i32 to vector<16xi32>
    %add3A_36 = arith.addi %iota3A_33, %add3A_35 : vector<16xi32>
    %swap3A_37 = arith.constant 10064 : index
    %swap3A_38 = tpu.vector_load %arg6[%swap3A_37] {strides = array<i32>} : memref<10240xi32, #tpu.memory_space<vmem>>, vector<16xi32>,
    %swap3A_39 = vector.shape_cast %swap3A_38 : vector<16xi32> to vector<16xi32>
    %swap3A_40 = vector.shape_cast %add3A_36 : vector<16xi32> to vector<16xi32>
    tpu.vector_store %arg6[%swap3A_37], %swap3A_40 {strides = array<i32>} : memref<10240xi32, #tpu.memory_space<vmem>>, vector<16xi32>,
    %iota3A_41 = tpu.iota {dimensions = array<i32: 0>} : vector<16xi32>
    %add3A_42 = arith.constant 10080 : i32
    %add3A_43 = vector.broadcast %add3A_42 : i32 to vector<16xi32>
    %add3A_44 = arith.addi %iota3A_41, %add3A_43 : vector<16xi32>
    %swap3A_45 = arith.constant 10080 : index
    %swap3A_46 = tpu.vector_load %arg6[%swap3A_45] {strides = array<i32>} : memref<10240xi32, #tpu.memory_space<vmem>>, vector<16xi32>,
    %swap3A_47 = vector.shape_cast %swap3A_46 : vector<16xi32> to vector<16xi32>
    %swap3A_48 = vector.shape_cast %add3A_44 : vector<16xi32> to vector<16xi32>
    tpu.vector_store %arg6[%swap3A_45], %swap3A_48 {strides = array<i32>} : memref<10240xi32, #tpu.memory_space<vmem>>, vector<16xi32>,
    %iota3A_49 = tpu.iota {dimensions = array<i32: 0>} : vector<16xi32>
    %add3A_50 = arith.constant 10096 : i32
    %add3A_51 = vector.broadcast %add3A_50 : i32 to vector<16xi32>
    %add3A_52 = arith.addi %iota3A_49, %add3A_51 : vector<16xi32>
    %swap3A_53 = arith.constant 10096 : index
    %swap3A_54 = tpu.vector_load %arg6[%swap3A_53] {strides = array<i32>} : memref<10240xi32, #tpu.memory_space<vmem>>, vector<16xi32>,
    %swap3A_55 = vector.shape_cast %swap3A_54 : vector<16xi32> to vector<16xi32>
    %swap3A_56 = vector.shape_cast %add3A_52 : vector<16xi32> to vector<16xi32>
    tpu.vector_store %arg6[%swap3A_53], %swap3A_56 {strides = array<i32>} : memref<10240xi32, #tpu.memory_space<vmem>>, vector<16xi32>,
    %iota3A_57 = tpu.iota {dimensions = array<i32: 0>} : vector<16xi32>
    %add3A_58 = arith.constant 10112 : i32
    %add3A_59 = vector.broadcast %add3A_58 : i32 to vector<16xi32>
    %add3A_60 = arith.addi %iota3A_57, %add3A_59 : vector<16xi32>
    %swap3A_61 = arith.constant 10112 : index
    %swap3A_62 = tpu.vector_load %arg6[%swap3A_61] {strides = array<i32>} : memref<10240xi32, #tpu.memory_space<vmem>>, vector<16xi32>,
    %swap3A_63 = vector.shape_cast %swap3A_62 : vector<16xi32> to vector<16xi32>
    %swap3A_64 = vector.shape_cast %add3A_60 : vector<16xi32> to vector<16xi32>
    tpu.vector_store %arg6[%swap3A_61], %swap3A_64 {strides = array<i32>} : memref<10240xi32, #tpu.memory_space<vmem>>, vector<16xi32>,
    %iota3A_65 = tpu.iota {dimensions = array<i32: 0>} : vector<16xi32>
    %add3A_66 = arith.constant 10128 : i32
    %add3A_67 = vector.broadcast %add3A_66 : i32 to vector<16xi32>
    %add3A_68 = arith.addi %iota3A_65, %add3A_67 : vector<16xi32>
    %swap3A_69 = arith.constant 10128 : index
    %swap3A_70 = tpu.vector_load %arg6[%swap3A_69] {strides = array<i32>} : memref<10240xi32, #tpu.memory_space<vmem>>, vector<16xi32>,
    %swap3A_71 = vector.shape_cast %swap3A_70 : vector<16xi32> to vector<16xi32>
    %swap3A_72 = vector.shape_cast %add3A_68 : vector<16xi32> to vector<16xi32>
    tpu.vector_store %arg6[%swap3A_69], %swap3A_72 {strides = array<i32>} : memref<10240xi32, #tpu.memory_space<vmem>>, vector<16xi32>,
    %iota3A_73 = tpu.iota {dimensions = array<i32: 0>} : vector<16xi32>
    %add3A_74 = arith.constant 10144 : i32
    %add3A_75 = vector.broadcast %add3A_74 : i32 to vector<16xi32>
    %add3A_76 = arith.addi %iota3A_73, %add3A_75 : vector<16xi32>
    %swap3A_77 = arith.constant 10144 : index
    %swap3A_78 = tpu.vector_load %arg6[%swap3A_77] {strides = array<i32>} : memref<10240xi32, #tpu.memory_space<vmem>>, vector<16xi32>,
    %swap3A_79 = vector.shape_cast %swap3A_78 : vector<16xi32> to vector<16xi32>
    %swap3A_80 = vector.shape_cast %add3A_76 : vector<16xi32> to vector<16xi32>
    tpu.vector_store %arg6[%swap3A_77], %swap3A_80 {strides = array<i32>} : memref<10240xi32, #tpu.memory_space<vmem>>, vector<16xi32>,
    %iota3A_81 = tpu.iota {dimensions = array<i32: 0>} : vector<16xi32>
    %add3A_82 = arith.constant 10160 : i32
    %add3A_83 = vector.broadcast %add3A_82 : i32 to vector<16xi32>
    %add3A_84 = arith.addi %iota3A_81, %add3A_83 : vector<16xi32>
    %swap3A_85 = arith.constant 10160 : index
    %swap3A_86 = tpu.vector_load %arg6[%swap3A_85] {strides = array<i32>} : memref<10240xi32, #tpu.memory_space<vmem>>, vector<16xi32>,
    %swap3A_87 = vector.shape_cast %swap3A_86 : vector<16xi32> to vector<16xi32>
    %swap3A_88 = vector.shape_cast %add3A_84 : vector<16xi32> to vector<16xi32>
    tpu.vector_store %arg6[%swap3A_85], %swap3A_88 {strides = array<i32>} : memref<10240xi32, #tpu.memory_space<vmem>>, vector<16xi32>,
    %iota3A_89 = tpu.iota {dimensions = array<i32: 0>} : vector<16xi32>
    %add3A_90 = arith.constant 10176 : i32
    %add3A_91 = vector.broadcast %add3A_90 : i32 to vector<16xi32>
    %add3A_92 = arith.addi %iota3A_89, %add3A_91 : vector<16xi32>
    %swap3A_93 = arith.constant 10176 : index
    %swap3A_94 = tpu.vector_load %arg6[%swap3A_93] {strides = array<i32>} : memref<10240xi32, #tpu.memory_space<vmem>>, vector<16xi32>,
    %swap3A_95 = vector.shape_cast %swap3A_94 : vector<16xi32> to vector<16xi32>
    %swap3A_96 = vector.shape_cast %add3A_92 : vector<16xi32> to vector<16xi32>
    tpu.vector_store %arg6[%swap3A_93], %swap3A_96 {strides = array<i32>} : memref<10240xi32, #tpu.memory_space<vmem>>, vector<16xi32>,
    %iota3A_97 = tpu.iota {dimensions = array<i32: 0>} : vector<16xi32>
    %add3A_98 = arith.constant 10192 : i32
    %add3A_99 = vector.broadcast %add3A_98 : i32 to vector<16xi32>
    %add3A_100 = arith.addi %iota3A_97, %add3A_99 : vector<16xi32>
    %swap3A_101 = arith.constant 10192 : index
    %swap3A_102 = tpu.vector_load %arg6[%swap3A_101] {strides = array<i32>} : memref<10240xi32, #tpu.memory_space<vmem>>, vector<16xi32>,
    %swap3A_103 = vector.shape_cast %swap3A_102 : vector<16xi32> to vector<16xi32>
    %swap3A_104 = vector.shape_cast %add3A_100 : vector<16xi32> to vector<16xi32>
    tpu.vector_store %arg6[%swap3A_101], %swap3A_104 {strides = array<i32>} : memref<10240xi32, #tpu.memory_space<vmem>>, vector<16xi32>,
    %iota3A_105 = tpu.iota {dimensions = array<i32: 0>} : vector<16xi32>
    %add3A_106 = arith.constant 10208 : i32
    %add3A_107 = vector.broadcast %add3A_106 : i32 to vector<16xi32>
    %add3A_108 = arith.addi %iota3A_105, %add3A_107 : vector<16xi32>
    %swap3A_109 = arith.constant 10208 : index
    %swap3A_110 = tpu.vector_load %arg6[%swap3A_109] {strides = array<i32>} : memref<10240xi32, #tpu.memory_space<vmem>>, vector<16xi32>,
    %swap3A_111 = vector.shape_cast %swap3A_110 : vector<16xi32> to vector<16xi32>
    %swap3A_112 = vector.shape_cast %add3A_108 : vector<16xi32> to vector<16xi32>
    tpu.vector_store %arg6[%swap3A_109], %swap3A_112 {strides = array<i32>} : memref<10240xi32, #tpu.memory_space<vmem>>, vector<16xi32>,
    %iota3A_113 = tpu.iota {dimensions = array<i32: 0>} : vector<16xi32>
    %add3A_114 = arith.constant 10224 : i32
    %add3A_115 = vector.broadcast %add3A_114 : i32 to vector<16xi32>
    %add3A_116 = arith.addi %iota3A_113, %add3A_115 : vector<16xi32>
    %swap3A_117 = arith.constant 10224 : index
    %swap3A_118 = tpu.vector_load %arg6[%swap3A_117] {strides = array<i32>} : memref<10240xi32, #tpu.memory_space<vmem>>, vector<16xi32>,
    %swap3A_119 = vector.shape_cast %swap3A_118 : vector<16xi32> to vector<16xi32>
    %swap3A_120 = vector.shape_cast %add3A_116 : vector<16xi32> to vector<16xi32>
    tpu.vector_store %arg6[%swap3A_117], %swap3A_120 {strides = array<i32>} : memref<10240xi32, #tpu.memory_space<vmem>>, vector<16xi32>,
    %run_scoped3A_121 = arith.constant 1 : i32
    "tpu.region"() ({
      %run_scoped3A_268 = tpu.sem_alloc : memref<!tpu.dma_semaphore, #tpu.memory_space<semaphore_mem>>
      %dma_start3A_269 = arith.constant 0 : i32
      %dma_start3A_270 = tpu.memref_slice %arg7[%dma_start3A_269] : memref<10240xi32, #tpu.memory_space<vmem>> -> memref<10000xi32, #tpu.memory_space<vmem>>
      %dma_start3A_271 = arith.constant 0 : i32
      %dma_start3A_272 = tpu.memref_slice %arg3[%run_scoped3A_121, %dma_start3A_271] : memref<2x320000xi32, #tpu.memory_space<hbm>> -> memref<1x320000xi32, #tpu.memory_space<hbm>>
      %dma_start3A_273 = tpu.memref_squeeze %dma_start3A_272 : memref<1x320000xi32, #tpu.memory_space<hbm>> -> memref<320000xi32, #tpu.memory_space<hbm>>
      %dma_start3A_274 = tpu.memref_slice %dma_start3A_273[%mul3A_2] : memref<320000xi32, #tpu.memory_space<hbm>> -> memref<10000xi32, #tpu.memory_space<hbm>>
      %dma_start3A_275 = arith.constant 0 : i32
      %dma_start3A_276 = tpu.memref_slice %arg7[%dma_start3A_275] : memref<10240xi32, #tpu.memory_space<vmem>> -> memref<10000xi32, #tpu.memory_space<vmem>>
      %dma_start3A_277 = arith.constant 0 : i32
      %dma_start3A_278 = tpu.memref_slice %arg3[%run_scoped3A_121, %dma_start3A_277] : memref<2x320000xi32, #tpu.memory_space<hbm>> -> memref<1x320000xi32, #tpu.memory_space<hbm>>
      %dma_start3A_279 = tpu.memref_squeeze %dma_start3A_278 : memref<1x320000xi32, #tpu.memory_space<hbm>> -> memref<320000xi32, #tpu.memory_space<hbm>>
      %dma_start3A_280 = tpu.memref_slice %dma_start3A_279[%mul3A_2] : memref<320000xi32, #tpu.memory_space<hbm>> -> memref<10000xi32, #tpu.memory_space<hbm>>
      tpu.enqueue_dma source(%dma_start3A_280 : memref<10000xi32, #tpu.memory_space<hbm>>) target(%dma_start3A_276 : memref<10000xi32, #tpu.memory_space<vmem>>) target_semaphore(%run_scoped3A_268 : memref<!tpu.dma_semaphore, #tpu.memory_space<semaphore_mem>>)
      %dma_wait3A = arith.constant 0 : i32
      %dma_wait3A_281 = tpu.memref_slice %arg7[%dma_wait3A] : memref<10240xi32, #tpu.memory_space<vmem>> -> memref<10000xi32, #tpu.memory_space<vmem>>
      %dma_wait3A_282 = arith.constant 0 : i32
      %dma_wait3A_283 = tpu.memref_slice %arg3[%run_scoped3A_121, %dma_wait3A_282] : memref<2x320000xi32, #tpu.memory_space<hbm>> -> memref<1x320000xi32, #tpu.memory_space<hbm>>
      %dma_wait3A_284 = tpu.memref_squeeze %dma_wait3A_283 : memref<1x320000xi32, #tpu.memory_space<hbm>> -> memref<320000xi32, #tpu.memory_space<hbm>>
      %dma_wait3A_285 = tpu.memref_slice %dma_wait3A_284[%mul3A_2] : memref<320000xi32, #tpu.memory_space<hbm>> -> memref<10000xi32, #tpu.memory_space<hbm>>
      %dma_wait3A_286 = arith.constant 0 : i32
      %dma_wait3A_287 = tpu.memref_slice %arg7[%dma_wait3A_286] : memref<10240xi32, #tpu.memory_space<vmem>> -> memref<10000xi32, #tpu.memory_space<vmem>>
      %dma_wait3A_288 = arith.constant 0 : i32
      %dma_wait3A_289 = tpu.memref_slice %arg3[%run_scoped3A_121, %dma_wait3A_288] : memref<2x320000xi32, #tpu.memory_space<hbm>> -> memref<1x320000xi32, #tpu.memory_space<hbm>>
      %dma_wait3A_290 = tpu.memref_squeeze %dma_wait3A_289 : memref<1x320000xi32, #tpu.memory_space<hbm>> -> memref<320000xi32, #tpu.memory_space<hbm>>
      %dma_wait3A_291 = tpu.memref_slice %dma_wait3A_290[%mul3A_2] : memref<320000xi32, #tpu.memory_space<hbm>> -> memref<10000xi32, #tpu.memory_space<hbm>>
      tpu.wait_dma2 semaphore(%run_scoped3A_268 : memref<!tpu.dma_semaphore, #tpu.memory_space<semaphore_mem>>) src(%dma_wait3A_291 : memref<10000xi32, #tpu.memory_space<hbm>>) dst(%dma_wait3A_287 : memref<10000xi32, #tpu.memory_space<vmem>>)
      tpu.yield
    }) : () -> ()
    %iota3A_122 = tpu.iota {dimensions = array<i32: 0>} : vector<16xi32>
    %add3A_123 = arith.constant 10000 : i32
    %add3A_124 = vector.broadcast %add3A_123 : i32 to vector<16xi32>
    %add3A_125 = arith.addi %iota3A_122, %add3A_124 : vector<16xi32>
    %swap3A_126 = arith.constant 10000 : index
    %swap3A_127 = tpu.vector_load %arg7[%swap3A_126] {strides = array<i32>} : memref<10240xi32, #tpu.memory_space<vmem>>, vector<16xi32>,
    %swap3A_128 = vector.shape_cast %swap3A_127 : vector<16xi32> to vector<16xi32>
    %swap3A_129 = vector.shape_cast %add3A_125 : vector<16xi32> to vector<16xi32>
    tpu.vector_store %arg7[%swap3A_126], %swap3A_129 {strides = array<i32>} : memref<10240xi32, #tpu.memory_space<vmem>>, vector<16xi32>,
    %iota3A_130 = tpu.iota {dimensions = array<i32: 0>} : vector<16xi32>
    %add3A_131 = arith.constant 10016 : i32
    %add3A_132 = vector.broadcast %add3A_131 : i32 to vector<16xi32>
    %add3A_133 = arith.addi %iota3A_130, %add3A_132 : vector<16xi32>
    %swap3A_134 = arith.constant 10016 : index
    %swap3A_135 = tpu.vector_load %arg7[%swap3A_134] {strides = array<i32>} : memref<10240xi32, #tpu.memory_space<vmem>>, vector<16xi32>,
    %swap3A_136 = vector.shape_cast %swap3A_135 : vector<16xi32> to vector<16xi32>
    %swap3A_137 = vector.shape_cast %add3A_133 : vector<16xi32> to vector<16xi32>
    tpu.vector_store %arg7[%swap3A_134], %swap3A_137 {strides = array<i32>} : memref<10240xi32, #tpu.memory_space<vmem>>, vector<16xi32>,
    %iota3A_138 = tpu.iota {dimensions = array<i32: 0>} : vector<16xi32>
    %add3A_139 = arith.constant 10032 : i32
    %add3A_140 = vector.broadcast %add3A_139 : i32 to vector<16xi32>
    %add3A_141 = arith.addi %iota3A_138, %add3A_140 : vector<16xi32>
    %swap3A_142 = arith.constant 10032 : index
    %swap3A_143 = tpu.vector_load %arg7[%swap3A_142] {strides = array<i32>} : memref<10240xi32, #tpu.memory_space<vmem>>, vector<16xi32>,
    %swap3A_144 = vector.shape_cast %swap3A_143 : vector<16xi32> to vector<16xi32>
    %swap3A_145 = vector.shape_cast %add3A_141 : vector<16xi32> to vector<16xi32>
    tpu.vector_store %arg7[%swap3A_142], %swap3A_145 {strides = array<i32>} : memref<10240xi32, #tpu.memory_space<vmem>>, vector<16xi32>,
    %iota3A_146 = tpu.iota {dimensions = array<i32: 0>} : vector<16xi32>
    %add3A_147 = arith.constant 10048 : i32
    %add3A_148 = vector.broadcast %add3A_147 : i32 to vector<16xi32>
    %add3A_149 = arith.addi %iota3A_146, %add3A_148 : vector<16xi32>
    %swap3A_150 = arith.constant 10048 : index
    %swap3A_151 = tpu.vector_load %arg7[%swap3A_150] {strides = array<i32>} : memref<10240xi32, #tpu.memory_space<vmem>>, vector<16xi32>,
    %swap3A_152 = vector.shape_cast %swap3A_151 : vector<16xi32> to vector<16xi32>
    %swap3A_153 = vector.shape_cast %add3A_149 : vector<16xi32> to vector<16xi32>
    tpu.vector_store %arg7[%swap3A_150], %swap3A_153 {strides = array<i32>} : memref<10240xi32, #tpu.memory_space<vmem>>, vector<16xi32>,
    %iota3A_154 = tpu.iota {dimensions = array<i32: 0>} : vector<16xi32>
    %add3A_155 = arith.constant 10064 : i32
    %add3A_156 = vector.broadcast %add3A_155 : i32 to vector<16xi32>
    %add3A_157 = arith.addi %iota3A_154, %add3A_156 : vector<16xi32>
    %swap3A_158 = arith.constant 10064 : index
    %swap3A_159 = tpu.vector_load %arg7[%swap3A_158] {strides = array<i32>} : memref<10240xi32, #tpu.memory_space<vmem>>, vector<16xi32>,
    %swap3A_160 = vector.shape_cast %swap3A_159 : vector<16xi32> to vector<16xi32>
    %swap3A_161 = vector.shape_cast %add3A_157 : vector<16xi32> to vector<16xi32>
    tpu.vector_store %arg7[%swap3A_158], %swap3A_161 {strides = array<i32>} : memref<10240xi32, #tpu.memory_space<vmem>>, vector<16xi32>,
    %iota3A_162 = tpu.iota {dimensions = array<i32: 0>} : vector<16xi32>
    %add3A_163 = arith.constant 10080 : i32
    %add3A_164 = vector.broadcast %add3A_163 : i32 to vector<16xi32>
    %add3A_165 = arith.addi %iota3A_162, %add3A_164 : vector<16xi32>
    %swap3A_166 = arith.constant 10080 : index
    %swap3A_167 = tpu.vector_load %arg7[%swap3A_166] {strides = array<i32>} : memref<10240xi32, #tpu.memory_space<vmem>>, vector<16xi32>,
    %swap3A_168 = vector.shape_cast %swap3A_167 : vector<16xi32> to vector<16xi32>
    %swap3A_169 = vector.shape_cast %add3A_165 : vector<16xi32> to vector<16xi32>
    tpu.vector_store %arg7[%swap3A_166], %swap3A_169 {strides = array<i32>} : memref<10240xi32, #tpu.memory_space<vmem>>, vector<16xi32>,
    %iota3A_170 = tpu.iota {dimensions = array<i32: 0>} : vector<16xi32>
    %add3A_171 = arith.constant 10096 : i32
    %add3A_172 = vector.broadcast %add3A_171 : i32 to vector<16xi32>
    %add3A_173 = arith.addi %iota3A_170, %add3A_172 : vector<16xi32>
    %swap3A_174 = arith.constant 10096 : index
    %swap3A_175 = tpu.vector_load %arg7[%swap3A_174] {strides = array<i32>} : memref<10240xi32, #tpu.memory_space<vmem>>, vector<16xi32>,
    %swap3A_176 = vector.shape_cast %swap3A_175 : vector<16xi32> to vector<16xi32>
    %swap3A_177 = vector.shape_cast %add3A_173 : vector<16xi32> to vector<16xi32>
    tpu.vector_store %arg7[%swap3A_174], %swap3A_177 {strides = array<i32>} : memref<10240xi32, #tpu.memory_space<vmem>>, vector<16xi32>,
    %iota3A_178 = tpu.iota {dimensions = array<i32: 0>} : vector<16xi32>
    %add3A_179 = arith.constant 10112 : i32
    %add3A_180 = vector.broadcast %add3A_179 : i32 to vector<16xi32>
    %add3A_181 = arith.addi %iota3A_178, %add3A_180 : vector<16xi32>
    %swap3A_182 = arith.constant 10112 : index
    %swap3A_183 = tpu.vector_load %arg7[%swap3A_182] {strides = array<i32>} : memref<10240xi32, #tpu.memory_space<vmem>>, vector<16xi32>,
    %swap3A_184 = vector.shape_cast %swap3A_183 : vector<16xi32> to vector<16xi32>
    %swap3A_185 = vector.shape_cast %add3A_181 : vector<16xi32> to vector<16xi32>
    tpu.vector_store %arg7[%swap3A_182], %swap3A_185 {strides = array<i32>} : memref<10240xi32, #tpu.memory_space<vmem>>, vector<16xi32>,
    %iota3A_186 = tpu.iota {dimensions = array<i32: 0>} : vector<16xi32>
    %add3A_187 = arith.constant 10128 : i32
    %add3A_188 = vector.broadcast %add3A_187 : i32 to vector<16xi32>
    %add3A_189 = arith.addi %iota3A_186, %add3A_188 : vector<16xi32>
    %swap3A_190 = arith.constant 10128 : index
    %swap3A_191 = tpu.vector_load %arg7[%swap3A_190] {strides = array<i32>} : memref<10240xi32, #tpu.memory_space<vmem>>, vector<16xi32>,
    %swap3A_192 = vector.shape_cast %swap3A_191 : vector<16xi32> to vector<16xi32>
    %swap3A_193 = vector.shape_cast %add3A_189 : vector<16xi32> to vector<16xi32>
    tpu.vector_store %arg7[%swap3A_190], %swap3A_193 {strides = array<i32>} : memref<10240xi32, #tpu.memory_space<vmem>>, vector<16xi32>,
    %iota3A_194 = tpu.iota {dimensions = array<i32: 0>} : vector<16xi32>
    %add3A_195 = arith.constant 10144 : i32
    %add3A_196 = vector.broadcast %add3A_195 : i32 to vector<16xi32>
    %add3A_197 = arith.addi %iota3A_194, %add3A_196 : vector<16xi32>
    %swap3A_198 = arith.constant 10144 : index
    %swap3A_199 = tpu.vector_load %arg7[%swap3A_198] {strides = array<i32>} : memref<10240xi32, #tpu.memory_space<vmem>>, vector<16xi32>,
    %swap3A_200 = vector.shape_cast %swap3A_199 : vector<16xi32> to vector<16xi32>
    %swap3A_201 = vector.shape_cast %add3A_197 : vector<16xi32> to vector<16xi32>
    tpu.vector_store %arg7[%swap3A_198], %swap3A_201 {strides = array<i32>} : memref<10240xi32, #tpu.memory_space<vmem>>, vector<16xi32>,
    %iota3A_202 = tpu.iota {dimensions = array<i32: 0>} : vector<16xi32>
    %add3A_203 = arith.constant 10160 : i32
    %add3A_204 = vector.broadcast %add3A_203 : i32 to vector<16xi32>
    %add3A_205 = arith.addi %iota3A_202, %add3A_204 : vector<16xi32>
    %swap3A_206 = arith.constant 10160 : index
    %swap3A_207 = tpu.vector_load %arg7[%swap3A_206] {strides = array<i32>} : memref<10240xi32, #tpu.memory_space<vmem>>, vector<16xi32>,
    %swap3A_208 = vector.shape_cast %swap3A_207 : vector<16xi32> to vector<16xi32>
    %swap3A_209 = vector.shape_cast %add3A_205 : vector<16xi32> to vector<16xi32>
    tpu.vector_store %arg7[%swap3A_206], %swap3A_209 {strides = array<i32>} : memref<10240xi32, #tpu.memory_space<vmem>>, vector<16xi32>,
    %iota3A_210 = tpu.iota {dimensions = array<i32: 0>} : vector<16xi32>
    %add3A_211 = arith.constant 10176 : i32
    %add3A_212 = vector.broadcast %add3A_211 : i32 to vector<16xi32>
    %add3A_213 = arith.addi %iota3A_210, %add3A_212 : vector<16xi32>
    %swap3A_214 = arith.constant 10176 : index
    %swap3A_215 = tpu.vector_load %arg7[%swap3A_214] {strides = array<i32>} : memref<10240xi32, #tpu.memory_space<vmem>>, vector<16xi32>,
    %swap3A_216 = vector.shape_cast %swap3A_215 : vector<16xi32> to vector<16xi32>
    %swap3A_217 = vector.shape_cast %add3A_213 : vector<16xi32> to vector<16xi32>
    tpu.vector_store %arg7[%swap3A_214], %swap3A_217 {strides = array<i32>} : memref<10240xi32, #tpu.memory_space<vmem>>, vector<16xi32>,
    %iota3A_218 = tpu.iota {dimensions = array<i32: 0>} : vector<16xi32>
    %add3A_219 = arith.constant 10192 : i32
    %add3A_220 = vector.broadcast %add3A_219 : i32 to vector<16xi32>
    %add3A_221 = arith.addi %iota3A_218, %add3A_220 : vector<16xi32>
    %swap3A_222 = arith.constant 10192 : index
    %swap3A_223 = tpu.vector_load %arg7[%swap3A_222] {strides = array<i32>} : memref<10240xi32, #tpu.memory_space<vmem>>, vector<16xi32>,
    %swap3A_224 = vector.shape_cast %swap3A_223 : vector<16xi32> to vector<16xi32>
    %swap3A_225 = vector.shape_cast %add3A_221 : vector<16xi32> to vector<16xi32>
    tpu.vector_store %arg7[%swap3A_222], %swap3A_225 {strides = array<i32>} : memref<10240xi32, #tpu.memory_space<vmem>>, vector<16xi32>,
    %iota3A_226 = tpu.iota {dimensions = array<i32: 0>} : vector<16xi32>
    %add3A_227 = arith.constant 10208 : i32
    %add3A_228 = vector.broadcast %add3A_227 : i32 to vector<16xi32>
    %add3A_229 = arith.addi %iota3A_226, %add3A_228 : vector<16xi32>
    %swap3A_230 = arith.constant 10208 : index
    %swap3A_231 = tpu.vector_load %arg7[%swap3A_230] {strides = array<i32>} : memref<10240xi32, #tpu.memory_space<vmem>>, vector<16xi32>,
    %swap3A_232 = vector.shape_cast %swap3A_231 : vector<16xi32> to vector<16xi32>
    %swap3A_233 = vector.shape_cast %add3A_229 : vector<16xi32> to vector<16xi32>
    tpu.vector_store %arg7[%swap3A_230], %swap3A_233 {strides = array<i32>} : memref<10240xi32, #tpu.memory_space<vmem>>, vector<16xi32>,
    %iota3A_234 = tpu.iota {dimensions = array<i32: 0>} : vector<16xi32>
    %add3A_235 = arith.constant 10224 : i32
    %add3A_236 = vector.broadcast %add3A_235 : i32 to vector<16xi32>
    %add3A_237 = arith.addi %iota3A_234, %add3A_236 : vector<16xi32>
    %swap3A_238 = arith.constant 10224 : index
    %swap3A_239 = tpu.vector_load %arg7[%swap3A_238] {strides = array<i32>} : memref<10240xi32, #tpu.memory_space<vmem>>, vector<16xi32>,
    %swap3A_240 = vector.shape_cast %swap3A_239 : vector<16xi32> to vector<16xi32>
    %swap3A_241 = vector.shape_cast %add3A_237 : vector<16xi32> to vector<16xi32>
    tpu.vector_store %arg7[%swap3A_238], %swap3A_241 {strides = array<i32>} : memref<10240xi32, #tpu.memory_space<vmem>>, vector<16xi32>,
    %mul3A_242 = arith.constant 640 : i32
    %mul3A_243 = arith.muli %arg1, %mul3A_242 : i32
    %mul3A_244 = arith.constant 640 : i32
    %mul3A_245 = arith.muli %arg1, %mul3A_244 : i32
    "tpu.region"() ({
      %run_scoped3A_268 = tpu.sem_alloc : memref<!tpu.dma_semaphore, #tpu.memory_space<semaphore_mem>>
      %dma_start3A_269 = arith.constant 0 : i32
      %dma_start3A_270 = tpu.memref_slice %arg9[%mul3A_245, %dma_start3A_269] : memref<10240x32xf32, #tpu.memory_space<vmem_shared>> -> memref<640x32xf32, #tpu.memory_space<vmem_shared>>
      %dma_start3A_271 = arith.constant 0 : i32
      %dma_start3A_272 = tpu.memref_slice %arg4[%mul3A_243, %dma_start3A_271] : memref<10240x32xf32, #tpu.memory_space<hbm>> -> memref<640x32xf32, #tpu.memory_space<hbm>>
      tpu.enqueue_dma source(%dma_start3A_272 : memref<640x32xf32, #tpu.memory_space<hbm>>) target(%dma_start3A_270 : memref<640x32xf32, #tpu.memory_space<vmem_shared>>) target_semaphore(%run_scoped3A_268 : memref<!tpu.dma_semaphore, #tpu.memory_space<semaphore_mem>>)
      %dma_wait3A = arith.constant 0 : i32
      %dma_wait3A_273 = tpu.memref_slice %arg9[%mul3A_245, %dma_wait3A] : memref<10240x32xf32, #tpu.memory_space<vmem_shared>> -> memref<640x32xf32, #tpu.memory_space<vmem_shared>>
      %dma_wait3A_274 = arith.constant 0 : i32
      %dma_wait3A_275 = tpu.memref_slice %arg4[%mul3A_243, %dma_wait3A_274] : memref<10240x32xf32, #tpu.memory_space<hbm>> -> memref<640x32xf32, #tpu.memory_space<hbm>>
      tpu.wait_dma2 semaphore(%run_scoped3A_268 : memref<!tpu.dma_semaphore, #tpu.memory_space<semaphore_mem>>) src(%dma_wait3A_275 : memref<640x32xf32, #tpu.memory_space<hbm>>) dst(%dma_wait3A_273 : memref<640x32xf32, #tpu.memory_space<vmem_shared>>)
      tpu.yield
    }) : () -> ()
    %barrier3A = arith.constant 0 : index
    tpu.barrier barrier_id(%barrier3A)
    %dma_start3A = arith.constant 0 : i32
    %dma_start3A_246 = arith.constant 0 : i32
    %dma_start3A_247 = arith.constant 0 : i32
    %dma_start3A_248 = arith.constant 0 : i32
    %dma_start3A_249 = tpu.memref_slice %arg8[%dma_start3A, %dma_start3A_247, %dma_start3A_248] : memref<2x1024x32xf32, #tpu.memory_space<vmem>> -> memref<1x1024x32xf32, #tpu.memory_space<vmem>>
    %dma_start3A_250 = tpu.memref_squeeze %dma_start3A_249 : memref<1x1024x32xf32, #tpu.memory_space<vmem>> -> memref<1024x32xf32, #tpu.memory_space<vmem>>
    %dma_start3A_251 = arith.constant 0 : i32
    %dma_start3A_252 = tpu.memref_slice %arg6[%dma_start3A_251] : memref<10240xi32, #tpu.memory_space<vmem>> -> memref<1024xi32, #tpu.memory_space<vmem>>
    %dma_start3A_253 = arith.constant 0 : i32
    %dma_start3A_254 = arith.constant 0 : i32
    %dma_start3A_255 = tpu.memref_slice %arg2[%dma_start3A_253, %dma_start3A_254] : memref<10240x32xf32, #tpu.memory_space<hbm>> -> memref<10240x32xf32, #tpu.memory_space<hbm>>
    %dma_start3A_256 = tpu.memref_slice %arg10[%dma_start3A_246] : memref<2x!tpu.dma_semaphore, #tpu.memory_space<semaphore_mem>> -> memref<1x!tpu.dma_semaphore, #tpu.memory_space<semaphore_mem>>
    %dma_start3A_257 = tpu.memref_squeeze %dma_start3A_256 : memref<1x!tpu.dma_semaphore, #tpu.memory_space<semaphore_mem>> -> memref<!tpu.dma_semaphore, #tpu.memory_space<semaphore_mem>>
    tpu.enqueue_indirect_dma source(%dma_start3A_255 : memref<10240x32xf32, #tpu.memory_space<hbm>>) target(%dma_start3A_250 : memref<1024x32xf32, #tpu.memory_space<vmem>>) offsets(%dma_start3A_252 : memref<1024xi32, #tpu.memory_space<vmem>>) semaphore(%dma_start3A_257 : memref<!tpu.dma_semaphore, #tpu.memory_space<semaphore_mem>>)
    %scan3A = arith.constant 0 : i32
    %scan3A_258 = arith.constant 0 : i32
    %scan3A_259 = arith.constant 10 : i32
    %scan3A_260 = arith.addi %scan3A_258, %scan3A_259 : i32
    %scan3A_261 = arith.constant 1 : i32
    scf.for %scan3A_268 = %scan3A_258 to %scan3A_260 step %scan3A_261  : i32 {
      %rem3A = arith.constant 2 : i32
      %rem3A_269 = arith.remsi %scan3A_268, %rem3A : i32
      %add3A_270 = arith.constant 2 : i32
      %add3A_271 = arith.addi %scan3A_268, %add3A_270 : i32
      %sub3A = arith.constant 1 : i32
      %sub3A_272 = arith.subi %add3A_271, %sub3A : i32
      %lt3A = arith.constant 10 : i32
      %lt3A_273 = arith.cmpi slt, %sub3A_272, %lt3A : i32
      %convert_element_type3A = arith.extui %lt3A_273 : i1 to i32
      %cond3A = arith.constant 0 : i32
      %cond3A_274 = arith.cmpi ne, %convert_element_type3A, %cond3A : i32
      scf.if %cond3A_274 {
        %rem3A_288 = arith.constant 2 : i32
        %rem3A_289 = arith.remsi %sub3A_272, %rem3A_288 : i32
        %mul3A_290 = arith.constant 1024 : i32
        %mul3A_291 = arith.muli %sub3A_272, %mul3A_290 : i32
        %dma_start3A_292 = arith.constant 0 : i32
        %dma_start3A_293 = arith.constant 0 : i32
        %dma_start3A_294 = tpu.memref_slice %arg8[%rem3A_289, %dma_start3A_292, %dma_start3A_293] : memref<2x1024x32xf32, #tpu.memory_space<vmem>> -> memref<1x1024x32xf32, #tpu.memory_space<vmem>>
        %dma_start3A_295 = tpu.memref_squeeze %dma_start3A_294 : memref<1x1024x32xf32, #tpu.memory_space<vmem>> -> memref<1024x32xf32, #tpu.memory_space<vmem>>
        %dma_start3A_296 = tpu.memref_slice %arg6[%mul3A_291] : memref<10240xi32, #tpu.memory_space<vmem>> -> memref<1024xi32, #tpu.memory_space<vmem>>
        %dma_start3A_297 = arith.constant 0 : i32
        %dma_start3A_298 = arith.constant 0 : i32
        %dma_start3A_299 = tpu.memref_slice %arg2[%dma_start3A_297, %dma_start3A_298] : memref<10240x32xf32, #tpu.memory_space<hbm>> -> memref<10240x32xf32, #tpu.memory_space<hbm>>
        %dma_start3A_300 = tpu.memref_slice %arg10[%rem3A_289] : memref<2x!tpu.dma_semaphore, #tpu.memory_space<semaphore_mem>> -> memref<1x!tpu.dma_semaphore, #tpu.memory_space<semaphore_mem>>
        %dma_start3A_301 = tpu.memref_squeeze %dma_start3A_300 : memref<1x!tpu.dma_semaphore, #tpu.memory_space<semaphore_mem>> -> memref<!tpu.dma_semaphore, #tpu.memory_space<semaphore_mem>>
        tpu.enqueue_indirect_dma source(%dma_start3A_299 : memref<10240x32xf32, #tpu.memory_space<hbm>>) target(%dma_start3A_295 : memref<1024x32xf32, #tpu.memory_space<vmem>>) offsets(%dma_start3A_296 : memref<1024xi32, #tpu.memory_space<vmem>>) semaphore(%dma_start3A_301 : memref<!tpu.dma_semaphore, #tpu.memory_space<semaphore_mem>>)
      } else {
      }
      %mul3A_275 = arith.constant 1024 : i32
      %mul3A_276 = arith.muli %scan3A_268, %mul3A_275 : i32
      %dma_wait3A = arith.constant 0 : i32
      %dma_wait3A_277 = arith.constant 0 : i32
      %dma_wait3A_278 = tpu.memref_slice %arg8[%rem3A_269, %dma_wait3A, %dma_wait3A_277] : memref<2x1024x32xf32, #tpu.memory_space<vmem>> -> memref<1x1024x32xf32, #tpu.memory_space<vmem>>
      %dma_wait3A_279 = tpu.memref_squeeze %dma_wait3A_278 : memref<1x1024x32xf32, #tpu.memory_space<vmem>> -> memref<1024x32xf32, #tpu.memory_space<vmem>>
      %dma_wait3A_280 = tpu.memref_slice %arg6[%mul3A_276] : memref<10240xi32, #tpu.memory_space<vmem>> -> memref<1024xi32, #tpu.memory_space<vmem>>
      %dma_wait3A_281 = arith.constant 0 : i32
      %dma_wait3A_282 = arith.constant 0 : i32
      %dma_wait3A_283 = tpu.memref_slice %arg2[%dma_wait3A_281, %dma_wait3A_282] : memref<10240x32xf32, #tpu.memory_space<hbm>> -> memref<10240x32xf32, #tpu.memory_space<hbm>>
      %dma_wait3A_284 = tpu.memref_slice %arg10[%rem3A_269] : memref<2x!tpu.dma_semaphore, #tpu.memory_space<semaphore_mem>> -> memref<1x!tpu.dma_semaphore, #tpu.memory_space<semaphore_mem>>
      %dma_wait3A_285 = tpu.memref_squeeze %dma_wait3A_284 : memref<1x!tpu.dma_semaphore, #tpu.memory_space<semaphore_mem>> -> memref<!tpu.dma_semaphore, #tpu.memory_space<semaphore_mem>>
      tpu.wait_indirect_dma semaphore(%dma_wait3A_285 : memref<!tpu.dma_semaphore, #tpu.memory_space<semaphore_mem>>) src(%dma_wait3A_283 : memref<10240x32xf32, #tpu.memory_space<hbm>>) dst(%dma_wait3A_279 : memref<1024x32xf32, #tpu.memory_space<vmem>>)
      %mul3A_286 = arith.constant 1024 : i32
      %mul3A_287 = arith.muli %scan3A_268, %mul3A_286 : i32
      "tpu.region"() ({
        %run_scoped3A_288 = tpu.sem_alloc : memref<!tpu.dma_semaphore, #tpu.memory_space<semaphore_mem>>
        %dma_start3A_289 = arith.constant 0 : i32
        %dma_start3A_290 = arith.constant 0 : i32
        %dma_start3A_291 = tpu.memref_slice %arg8[%rem3A_269, %dma_start3A_289, %dma_start3A_290] : memref<2x1024x32xf32, #tpu.memory_space<vmem>> -> memref<1x1024x32xf32, #tpu.memory_space<vmem>>
        %dma_start3A_292 = tpu.memref_squeeze %dma_start3A_291 : memref<1x1024x32xf32, #tpu.memory_space<vmem>> -> memref<1024x32xf32, #tpu.memory_space<vmem>>
        %dma_start3A_293 = tpu.memref_slice %arg7[%mul3A_287] : memref<10240xi32, #tpu.memory_space<vmem>> -> memref<1024xi32, #tpu.memory_space<vmem>>
        %dma_start3A_294 = arith.constant 0 : i32
        %dma_start3A_295 = arith.constant 0 : i32
        %dma_start3A_296 = tpu.memref_slice %arg9[%dma_start3A_294, %dma_start3A_295] : memref<10240x32xf32, #tpu.memory_space<vmem_shared>> -> memref<10240x32xf32, #tpu.memory_space<vmem_shared>>
        tpu.enqueue_indirect_dma source(%dma_start3A_292 : memref<1024x32xf32, #tpu.memory_space<vmem>>) target(%dma_start3A_296 : memref<10240x32xf32, #tpu.memory_space<vmem_shared>>) offsets(%dma_start3A_293 : memref<1024xi32, #tpu.memory_space<vmem>>) semaphore(%run_scoped3A_288 : memref<!tpu.dma_semaphore, #tpu.memory_space<semaphore_mem>>) {add = true}
        %dma_wait3A_297 = arith.constant 0 : i32
        %dma_wait3A_298 = arith.constant 0 : i32
        %dma_wait3A_299 = tpu.memref_slice %arg8[%rem3A_269, %dma_wait3A_297, %dma_wait3A_298] : memref<2x1024x32xf32, #tpu.memory_space<vmem>> -> memref<1x1024x32xf32, #tpu.memory_space<vmem>>
        %dma_wait3A_300 = tpu.memref_squeeze %dma_wait3A_299 : memref<1x1024x32xf32, #tpu.memory_space<vmem>> -> memref<1024x32xf32, #tpu.memory_space<vmem>>
        %dma_wait3A_301 = tpu.memref_slice %arg7[%mul3A_287] : memref<10240xi32, #tpu.memory_space<vmem>> -> memref<1024xi32, #tpu.memory_space<vmem>>
        %dma_wait3A_302 = arith.constant 0 : i32
        %dma_wait3A_303 = arith.constant 0 : i32
        %dma_wait3A_304 = tpu.memref_slice %arg9[%dma_wait3A_302, %dma_wait3A_303] : memref<10240x32xf32, #tpu.memory_space<vmem_shared>> -> memref<10240x32xf32, #tpu.memory_space<vmem_shared>>
        tpu.wait_indirect_dma semaphore(%run_scoped3A_288 : memref<!tpu.dma_semaphore, #tpu.memory_space<semaphore_mem>>) src(%dma_wait3A_300 : memref<1024x32xf32, #tpu.memory_space<vmem>>) dst(%dma_wait3A_304 : memref<10240x32xf32, #tpu.memory_space<vmem_shared>>)
        tpu.yield
      }) : () -> ()
    }
    %scan3A_262 = arith.constant 10 : i32
    %barrier3A_263 = arith.constant 0 : index
    tpu.barrier barrier_id(%barrier3A_263)
    %mul3A_264 = arith.constant 640 : i32
    %mul3A_265 = arith.muli %arg1, %mul3A_264 : i32
    %mul3A_266 = arith.constant 640 : i32
    %mul3A_267 = arith.muli %arg1, %mul3A_266 : i32
    "tpu.region"() ({
      %run_scoped3A_268 = tpu.sem_alloc : memref<!tpu.dma_semaphore, #tpu.memory_space<semaphore_mem>>
      %dma_start3A_269 = arith.constant 0 : i32
      %dma_start3A_270 = arith.constant 0 : i32
      %dma_start3A_271 = tpu.memref_slice %arg5[%arg0, %dma_start3A_269, %dma_start3A_270] : memref<2x10240x32xf32, #tpu.memory_space<hbm>> -> memref<1x10240x32xf32, #tpu.memory_space<hbm>>
      %dma_start3A_272 = tpu.memref_squeeze %dma_start3A_271 : memref<1x10240x32xf32, #tpu.memory_space<hbm>> -> memref<10240x32xf32, #tpu.memory_space<hbm>>
      %dma_start3A_273 = arith.constant 0 : i32
      %dma_start3A_274 = tpu.memref_slice %dma_start3A_272[%mul3A_267, %dma_start3A_273] : memref<10240x32xf32, #tpu.memory_space<hbm>> -> memref<640x32xf32, #tpu.memory_space<hbm>>
      %dma_start3A_275 = arith.constant 0 : i32
      %dma_start3A_276 = tpu.memref_slice %arg9[%mul3A_265, %dma_start3A_275] : memref<10240x32xf32, #tpu.memory_space<vmem_shared>> -> memref<640x32xf32, #tpu.memory_space<vmem_shared>>
      tpu.enqueue_dma source(%dma_start3A_276 : memref<640x32xf32, #tpu.memory_space<vmem_shared>>) target(%dma_start3A_274 : memref<640x32xf32, #tpu.memory_space<hbm>>) target_semaphore(%run_scoped3A_268 : memref<!tpu.dma_semaphore, #tpu.memory_space<semaphore_mem>>)
      %dma_wait3A = arith.constant 0 : i32
      %dma_wait3A_277 = arith.constant 0 : i32
      %dma_wait3A_278 = tpu.memref_slice %arg5[%arg0, %dma_wait3A, %dma_wait3A_277] : memref<2x10240x32xf32, #tpu.memory_space<hbm>> -> memref<1x10240x32xf32, #tpu.memory_space<hbm>>
      %dma_wait3A_279 = tpu.memref_squeeze %dma_wait3A_278 : memref<1x10240x32xf32, #tpu.memory_space<hbm>> -> memref<10240x32xf32, #tpu.memory_space<hbm>>
      %dma_wait3A_280 = arith.constant 0 : i32
      %dma_wait3A_281 = tpu.memref_slice %dma_wait3A_279[%mul3A_267, %dma_wait3A_280] : memref<10240x32xf32, #tpu.memory_space<hbm>> -> memref<640x32xf32, #tpu.memory_space<hbm>>
      %dma_wait3A_282 = arith.constant 0 : i32
      %dma_wait3A_283 = tpu.memref_slice %arg9[%mul3A_265, %dma_wait3A_282] : memref<10240x32xf32, #tpu.memory_space<vmem_shared>> -> memref<640x32xf32, #tpu.memory_space<vmem_shared>>
      tpu.wait_dma2 semaphore(%run_scoped3A_268 : memref<!tpu.dma_semaphore, #tpu.memory_space<semaphore_mem>>) src(%dma_wait3A_283 : memref<640x32xf32, #tpu.memory_space<vmem_shared>>) dst(%dma_wait3A_281 : memref<640x32xf32, #tpu.memory_space<hbm>>)
      tpu.yield
    }) : () -> ()
    return
  }
}

module attributes {stable_mosaic.version = 14 : i64} {
  func.func @_mm_body(%arg0: i32, %arg1: memref<2048x128xf32, #tpu.memory_space<vmem>>, %arg2: memref<128x64xf32, #tpu.memory_space<vmem>>, %arg3: memref<2048x64xf32, #tpu.memory_space<vmem>>) attributes {dimension_semantics = [#tpu.dimension_semantics<arbitrary>], iteration_bounds = array<i64: 5>, scalar_prefetch = 0 : i64, scratch_operands = 0 : i64, tpu.core_type = #tpu.core_type<tc>, window_params = [{transform_indices = @transform_0, window_bounds = array<i64: 2048, 128>}, {pipeline_mode = #tpu.pipeline_mode<synchronous>, transform_indices = @transform_1, window_bounds = array<i64: 128, 64>}, {transform_indices = @transform_2, window_bounds = array<i64: 2048, 64>}]} {
    %get3A = arith.constant 0 : index
    %get3A_0 = arith.constant 0 : index
    %get3A_1 = vector.load %arg1[%get3A, %get3A_0] : memref<2048x128xf32, #tpu.memory_space<vmem>>, vector<2048x128xf32>
    %get3A_2 = arith.constant 0 : index
    %get3A_3 = arith.constant 0 : index
    %get3A_4 = vector.load %arg2[%get3A_2, %get3A_3] : memref<128x64xf32, #tpu.memory_space<vmem>>, vector<128x64xf32>
    %dot_general3A = arith.constant dense<0.000000e+00> : vector<2048x64xf32>
    %dot_general3A_5 = tpu.matmul %get3A_1, %get3A_4, %dot_general3A {dimension_numbers = #tpu.dot_dimension_numbers<[1], [0], [0], [1], [0, 0, 1, 1], [], []>, transpose_lhs_hint = false} : vector<2048x128xf32>, vector<128x64xf32>, vector<2048x64xf32> -> vector<2048x64xf32>
    %swap3A = arith.constant 0 : index
    %swap3A_6 = arith.constant 0 : index
    %swap3A_7 = vector.load %arg3[%swap3A, %swap3A_6] : memref<2048x64xf32, #tpu.memory_space<vmem>>, vector<2048x64xf32>
    tpu.vector_store %arg3[%swap3A, %swap3A_6], %dot_general3A_5 {strides = array<i32>} : memref<2048x64xf32, #tpu.memory_space<vmem>>, vector<2048x64xf32>,
    return
  }
  func.func @transform_0(%arg0: i32) -> (i32, i32) {
    %c0_i32 = arith.constant 0 : i32
    %c0_i32_0 = arith.constant 0 : i32
    return %arg0, %c0_i32 : i32, i32
  }
  func.func @transform_1(%arg0: i32) -> (i32, i32) {
    %c0_i32 = arith.constant 0 : i32
    %c0_i32_0 = arith.constant 0 : i32
    %c0_i32_1 = arith.constant 0 : i32
    return %c0_i32, %c0_i32_0 : i32, i32
  }
  func.func @transform_2(%arg0: i32) -> (i32, i32) {
    %c0_i32 = arith.constant 0 : i32
    %c0_i32_0 = arith.constant 0 : i32
    return %arg0, %c0_i32 : i32, i32
  }
}

module attributes {stable_mosaic.version = 14 : i64} {
  func.func @_scale_body(%arg0: i32, %arg1: memref<2048x64xf32, #tpu.memory_space<vmem>>, %arg2: memref<1x2048xf32, #tpu.memory_space<vmem>>, %arg3: memref<2048x64xf32, #tpu.memory_space<vmem>>) attributes {dimension_semantics = [#tpu.dimension_semantics<arbitrary>], iteration_bounds = array<i64: 5>, scalar_prefetch = 0 : i64, scratch_operands = 0 : i64, tpu.core_type = #tpu.core_type<tc>, window_params = [{transform_indices = @transform_0, window_bounds = array<i64: 2048, 64>}, {transform_indices = @transform_1, window_bounds = array<i64: 1, 2048>}, {transform_indices = @transform_2, window_bounds = array<i64: 2048, 64>}]} {
    %get3A = arith.constant 0 : index
    %get3A_0 = arith.constant 0 : index
    %get3A_1 = vector.load %arg2[%get3A, %get3A_0] : memref<1x2048xf32, #tpu.memory_space<vmem>>, vector<1x2048xf32>
    %squeeze3A = vector.shape_cast %get3A_1 : vector<1x2048xf32> to vector<2048xf32>
    %rsqrt3A = math.rsqrt %squeeze3A : vector<2048xf32>
    %broadcast_in_dim3A = vector.shape_cast %rsqrt3A : vector<2048xf32> to vector<2048x1xf32>
    %get3A_2 = arith.constant 0 : index
    %get3A_3 = arith.constant 0 : index
    %get3A_4 = vector.load %arg1[%get3A_2, %get3A_3] : memref<2048x64xf32, #tpu.memory_space<vmem>>, vector<2048x64xf32>
    %mul3A = vector.broadcast %broadcast_in_dim3A : vector<2048x1xf32> to vector<2048x64xf32>
    %mul3A_5 = arith.mulf %mul3A, %get3A_4 : vector<2048x64xf32>
    %swap3A = arith.constant 0 : index
    %swap3A_6 = arith.constant 0 : index
    %swap3A_7 = vector.load %arg3[%swap3A, %swap3A_6] : memref<2048x64xf32, #tpu.memory_space<vmem>>, vector<2048x64xf32>
    tpu.vector_store %arg3[%swap3A, %swap3A_6], %mul3A_5 {strides = array<i32>} : memref<2048x64xf32, #tpu.memory_space<vmem>>, vector<2048x64xf32>,
    return
  }
  func.func @transform_0(%arg0: i32) -> (i32, i32) {
    %c0_i32 = arith.constant 0 : i32
    %c0_i32_0 = arith.constant 0 : i32
    return %arg0, %c0_i32 : i32, i32
  }
  func.func @transform_1(%arg0: i32) -> (i32, i32) {
    %c0_i32 = arith.constant 0 : i32
    %c0_i32_0 = arith.constant 0 : i32
    return %c0_i32, %arg0 : i32, i32
  }
  func.func @transform_2(%arg0: i32) -> (i32, i32) {
    %c0_i32 = arith.constant 0 : i32
    %c0_i32_0 = arith.constant 0 : i32
    return %arg0, %c0_i32 : i32, i32
  }
}

module attributes {stable_mosaic.version = 14 : i64} {
  func.func @_k2_body(%arg0: i32, %arg1: memref<2x2048x64xf32, #tpu.memory_space<vmem>>, %arg2: memref<1x2048xf32, #tpu.memory_space<vmem>>, %arg3: memref<2048x64xf32, #tpu.memory_space<vmem>>, %arg4: memref<1x64xf32, #tpu.memory_space<vmem>>, %arg5: memref<64x32xf32, #tpu.memory_space<vmem>>, %arg6: memref<2048x32xf32, #tpu.memory_space<vmem>>) attributes {dimension_semantics = [#tpu.dimension_semantics<arbitrary>], iteration_bounds = array<i64: 5>, scalar_prefetch = 0 : i64, scratch_operands = 0 : i64, tpu.core_type = #tpu.core_type<tc>, window_params = [{transform_indices = @transform_0, window_bounds = array<i64: 2, 2048, 64>}, {transform_indices = @transform_1, window_bounds = array<i64: 1, 2048>}, {transform_indices = @transform_2, window_bounds = array<i64: 2048, 64>}, {pipeline_mode = #tpu.pipeline_mode<synchronous>, transform_indices = @transform_3, window_bounds = array<i64: 1, 64>}, {pipeline_mode = #tpu.pipeline_mode<synchronous>, transform_indices = @transform_4, window_bounds = array<i64: 64, 32>}, {transform_indices = @transform_5, window_bounds = array<i64: 2048, 32>}]} {
    %get3A = arith.constant 0 : index
    %get3A_0 = arith.constant 0 : index
    %get3A_1 = vector.load %arg2[%get3A, %get3A_0] : memref<1x2048xf32, #tpu.memory_space<vmem>>, vector<1x2048xf32>
    %squeeze3A = vector.shape_cast %get3A_1 : vector<1x2048xf32> to vector<2048xf32>
    %rsqrt3A = math.rsqrt %squeeze3A : vector<2048xf32>
    %broadcast_in_dim3A = vector.shape_cast %rsqrt3A : vector<2048xf32> to vector<2048x1xf32>
    %get3A_2 = arith.constant 0 : index
    %get3A_3 = arith.constant 0 : index
    %get3A_4 = arith.constant 0 : index
    %get3A_5 = vector.load %arg1[%get3A_2, %get3A_3, %get3A_4] : memref<2x2048x64xf32, #tpu.memory_space<vmem>>, vector<1x2048x64xf32>
    %get3A_6 = vector.shape_cast %get3A_5 : vector<1x2048x64xf32> to vector<2048x64xf32>
    %get3A_7 = arith.constant 1 : index
    %get3A_8 = arith.constant 0 : index
    %get3A_9 = arith.constant 0 : index
    %get3A_10 = vector.load %arg1[%get3A_7, %get3A_8, %get3A_9] : memref<2x2048x64xf32, #tpu.memory_space<vmem>>, vector<1x2048x64xf32>
    %get3A_11 = vector.shape_cast %get3A_10 : vector<1x2048x64xf32> to vector<2048x64xf32>
    %add3A = arith.addf %get3A_6, %get3A_11 : vector<2048x64xf32>
    %get3A_12 = arith.constant 0 : index
    %get3A_13 = arith.constant 0 : index
    %get3A_14 = vector.load %arg3[%get3A_12, %get3A_13] : memref<2048x64xf32, #tpu.memory_space<vmem>>, vector<2048x64xf32>
    %add3A_15 = arith.addf %add3A, %get3A_14 : vector<2048x64xf32>
    %mul3A = vector.broadcast %broadcast_in_dim3A : vector<2048x1xf32> to vector<2048x64xf32>
    %mul3A_16 = arith.mulf %mul3A, %add3A_15 : vector<2048x64xf32>
    %get3A_17 = arith.constant 0 : index
    %get3A_18 = arith.constant 0 : index
    %get3A_19 = vector.load %arg4[%get3A_17, %get3A_18] : memref<1x64xf32, #tpu.memory_space<vmem>>, vector<1x64xf32>
    %add3A_20 = vector.broadcast %get3A_19 : vector<1x64xf32> to vector<2048x64xf32>
    %add3A_21 = arith.addf %mul3A_16, %add3A_20 : vector<2048x64xf32>
    %max3A = arith.constant 0.000000e+00 : f32
    %max3A_22 = vector.broadcast %max3A : f32 to vector<2048x64xf32>
    %max3A_23 = arith.maximumf %add3A_21, %max3A_22 : vector<2048x64xf32>
    %get3A_24 = arith.constant 0 : index
    %get3A_25 = arith.constant 0 : index
    %get3A_26 = vector.load %arg5[%get3A_24, %get3A_25] : memref<64x32xf32, #tpu.memory_space<vmem>>, vector<64x32xf32>
    %dot_general3A = arith.constant dense<0.000000e+00> : vector<2048x32xf32>
    %dot_general3A_27 = tpu.matmul %max3A_23, %get3A_26, %dot_general3A {dimension_numbers = #tpu.dot_dimension_numbers<[1], [0], [0], [1], [0, 0, 1, 1], [], []>, transpose_lhs_hint = false} : vector<2048x64xf32>, vector<64x32xf32>, vector<2048x32xf32> -> vector<2048x32xf32>
    %mul3A_28 = vector.broadcast %broadcast_in_dim3A : vector<2048x1xf32> to vector<2048x32xf32>
    %mul3A_29 = arith.mulf %mul3A_28, %dot_general3A_27 : vector<2048x32xf32>
    %swap3A = arith.constant 0 : index
    %swap3A_30 = arith.constant 0 : index
    %swap3A_31 = vector.load %arg6[%swap3A, %swap3A_30] : memref<2048x32xf32, #tpu.memory_space<vmem>>, vector<2048x32xf32>
    tpu.vector_store %arg6[%swap3A, %swap3A_30], %mul3A_29 {strides = array<i32>} : memref<2048x32xf32, #tpu.memory_space<vmem>>, vector<2048x32xf32>,
    return
  }
  func.func @transform_0(%arg0: i32) -> (i32, i32, i32) {
    %c0_i32 = arith.constant 0 : i32
    %c0_i32_0 = arith.constant 0 : i32
    %c0_i32_1 = arith.constant 0 : i32
    return %c0_i32, %arg0, %c0_i32_0 : i32, i32, i32
  }
  func.func @transform_1(%arg0: i32) -> (i32, i32) {
    %c0_i32 = arith.constant 0 : i32
    %c0_i32_0 = arith.constant 0 : i32
    return %c0_i32, %arg0 : i32, i32
  }
  func.func @transform_2(%arg0: i32) -> (i32, i32) {
    %c0_i32 = arith.constant 0 : i32
    %c0_i32_0 = arith.constant 0 : i32
    return %arg0, %c0_i32 : i32, i32
  }
  func.func @transform_3(%arg0: i32) -> (i32, i32) {
    %c0_i32 = arith.constant 0 : i32
    %c0_i32_0 = arith.constant 0 : i32
    %c0_i32_1 = arith.constant 0 : i32
    return %c0_i32, %c0_i32_0 : i32, i32
  }
  func.func @transform_4(%arg0: i32) -> (i32, i32) {
    %c0_i32 = arith.constant 0 : i32
    %c0_i32_0 = arith.constant 0 : i32
    %c0_i32_1 = arith.constant 0 : i32
    return %c0_i32, %c0_i32_0 : i32, i32
  }
  func.func @transform_5(%arg0: i32) -> (i32, i32) {
    %c0_i32 = arith.constant 0 : i32
    %c0_i32_0 = arith.constant 0 : i32
    return %arg0, %c0_i32 : i32, i32
  }
}

module attributes {stable_mosaic.version = 14 : i64} {
  func.func @_k3_body(%arg0: i32, %arg1: memref<2x2048x32xf32, #tpu.memory_space<vmem>>, %arg2: memref<1x2048xf32, #tpu.memory_space<vmem>>, %arg3: memref<2048x32xf32, #tpu.memory_space<vmem>>, %arg4: memref<1x32xf32, #tpu.memory_space<vmem>>, %arg5: memref<32x1xf32, #tpu.memory_space<vmem>>, %arg6: memref<1x1xf32, #tpu.memory_space<vmem>>, %arg7: memref<2048x1xf32, #tpu.memory_space<vmem>>) attributes {dimension_semantics = [#tpu.dimension_semantics<arbitrary>], iteration_bounds = array<i64: 5>, scalar_prefetch = 0 : i64, scratch_operands = 0 : i64, tpu.core_type = #tpu.core_type<tc>, window_params = [{transform_indices = @transform_0, window_bounds = array<i64: 2, 2048, 32>}, {transform_indices = @transform_1, window_bounds = array<i64: 1, 2048>}, {transform_indices = @transform_2, window_bounds = array<i64: 2048, 32>}, {pipeline_mode = #tpu.pipeline_mode<synchronous>, transform_indices = @transform_3, window_bounds = array<i64: 1, 32>}, {pipeline_mode = #tpu.pipeline_mode<synchronous>, transform_indices = @transform_4, window_bounds = array<i64: 32, 1>}, {pipeline_mode = #tpu.pipeline_mode<synchronous>, transform_indices = @transform_5, window_bounds = array<i64: 1, 1>}, {transform_indices = @transform_6, window_bounds = array<i64: 2048, 1>}]} {
    %get3A = arith.constant 0 : index
    %get3A_0 = arith.constant 0 : index
    %get3A_1 = vector.load %arg2[%get3A, %get3A_0] : memref<1x2048xf32, #tpu.memory_space<vmem>>, vector<1x2048xf32>
    %squeeze3A = vector.shape_cast %get3A_1 : vector<1x2048xf32> to vector<2048xf32>
    %rsqrt3A = math.rsqrt %squeeze3A : vector<2048xf32>
    %broadcast_in_dim3A = vector.shape_cast %rsqrt3A : vector<2048xf32> to vector<2048x1xf32>
    %get3A_2 = arith.constant 0 : index
    %get3A_3 = arith.constant 0 : index
    %get3A_4 = arith.constant 0 : index
    %get3A_5 = vector.load %arg1[%get3A_2, %get3A_3, %get3A_4] : memref<2x2048x32xf32, #tpu.memory_space<vmem>>, vector<1x2048x32xf32>
    %get3A_6 = vector.shape_cast %get3A_5 : vector<1x2048x32xf32> to vector<2048x32xf32>
    %get3A_7 = arith.constant 1 : index
    %get3A_8 = arith.constant 0 : index
    %get3A_9 = arith.constant 0 : index
    %get3A_10 = vector.load %arg1[%get3A_7, %get3A_8, %get3A_9] : memref<2x2048x32xf32, #tpu.memory_space<vmem>>, vector<1x2048x32xf32>
    %get3A_11 = vector.shape_cast %get3A_10 : vector<1x2048x32xf32> to vector<2048x32xf32>
    %add3A = arith.addf %get3A_6, %get3A_11 : vector<2048x32xf32>
    %get3A_12 = arith.constant 0 : index
    %get3A_13 = arith.constant 0 : index
    %get3A_14 = vector.load %arg3[%get3A_12, %get3A_13] : memref<2048x32xf32, #tpu.memory_space<vmem>>, vector<2048x32xf32>
    %add3A_15 = arith.addf %add3A, %get3A_14 : vector<2048x32xf32>
    %mul3A = vector.broadcast %broadcast_in_dim3A : vector<2048x1xf32> to vector<2048x32xf32>
    %mul3A_16 = arith.mulf %mul3A, %add3A_15 : vector<2048x32xf32>
    %get3A_17 = arith.constant 0 : index
    %get3A_18 = arith.constant 0 : index
    %get3A_19 = vector.load %arg4[%get3A_17, %get3A_18] : memref<1x32xf32, #tpu.memory_space<vmem>>, vector<1x32xf32>
    %add3A_20 = vector.broadcast %get3A_19 : vector<1x32xf32> to vector<2048x32xf32>
    %add3A_21 = arith.addf %mul3A_16, %add3A_20 : vector<2048x32xf32>
    %max3A = arith.constant 0.000000e+00 : f32
    %max3A_22 = vector.broadcast %max3A : f32 to vector<2048x32xf32>
    %max3A_23 = arith.maximumf %add3A_21, %max3A_22 : vector<2048x32xf32>
    %get3A_24 = arith.constant 0 : index
    %get3A_25 = arith.constant 0 : index
    %get3A_26 = vector.load %arg5[%get3A_24, %get3A_25] : memref<32x1xf32, #tpu.memory_space<vmem>>, vector<32x1xf32>
    %dot_general3A = arith.constant dense<0.000000e+00> : vector<2048x1xf32>
    %dot_general3A_27 = tpu.matmul %max3A_23, %get3A_26, %dot_general3A {dimension_numbers = #tpu.dot_dimension_numbers<[1], [0], [0], [1], [0, 0, 1, 1], [], []>, transpose_lhs_hint = false} : vector<2048x32xf32>, vector<32x1xf32>, vector<2048x1xf32> -> vector<2048x1xf32>
    %get3A_28 = arith.constant 0 : index
    %get3A_29 = arith.constant 0 : index
    %get3A_30 = vector.load %arg6[%get3A_28, %get3A_29] : memref<1x1xf32, #tpu.memory_space<vmem>>, vector<1x1xf32>
    %add3A_31 = vector.broadcast %get3A_30 : vector<1x1xf32> to vector<2048x1xf32>
    %add3A_32 = arith.addf %dot_general3A_27, %add3A_31 : vector<2048x1xf32>
    %swap3A = arith.constant 0 : index
    %swap3A_33 = arith.constant 0 : index
    %swap3A_34 = vector.load %arg7[%swap3A, %swap3A_33] : memref<2048x1xf32, #tpu.memory_space<vmem>>, vector<2048x1xf32>
    tpu.vector_store %arg7[%swap3A, %swap3A_33], %add3A_32 {strides = array<i32>} : memref<2048x1xf32, #tpu.memory_space<vmem>>, vector<2048x1xf32>,
    return
  }
  func.func @transform_0(%arg0: i32) -> (i32, i32, i32) {
    %c0_i32 = arith.constant 0 : i32
    %c0_i32_0 = arith.constant 0 : i32
    %c0_i32_1 = arith.constant 0 : i32
    return %c0_i32, %arg0, %c0_i32_0 : i32, i32, i32
  }
  func.func @transform_1(%arg0: i32) -> (i32, i32) {
    %c0_i32 = arith.constant 0 : i32
    %c0_i32_0 = arith.constant 0 : i32
    return %c0_i32, %arg0 : i32, i32
  }
  func.func @transform_2(%arg0: i32) -> (i32, i32) {
    %c0_i32 = arith.constant 0 : i32
    %c0_i32_0 = arith.constant 0 : i32
    return %arg0, %c0_i32 : i32, i32
  }
  func.func @transform_3(%arg0: i32) -> (i32, i32) {
    %c0_i32 = arith.constant 0 : i32
    %c0_i32_0 = arith.constant 0 : i32
    %c0_i32_1 = arith.constant 0 : i32
    return %c0_i32, %c0_i32_0 : i32, i32
  }
  func.func @transform_4(%arg0: i32) -> (i32, i32) {
    %c0_i32 = arith.constant 0 : i32
    %c0_i32_0 = arith.constant 0 : i32
    %c0_i32_1 = arith.constant 0 : i32
    return %c0_i32, %c0_i32_0 : i32, i32
  }
  func.func @transform_5(%arg0: i32) -> (i32, i32) {
    %c0_i32 = arith.constant 0 : i32
    %c0_i32_0 = arith.constant 0 : i32
    %c0_i32_1 = arith.constant 0 : i32
    return %c0_i32, %c0_i32_0 : i32, i32
  }
  func.func @transform_6(%arg0: i32) -> (i32, i32) {
    %c0_i32 = arith.constant 0 : i32
    %c0_i32_0 = arith.constant 0 : i32
    return %arg0, %c0_i32 : i32, i32
  }
}

</mosaic_0001>

<sc_bundles>
// kernel: kernel.12.cloned.1.call-start
scs
__scs_entry_jumppad:
0x0: {  	(pc) =	sbr.rel $0x88, $3  }
0x1: {  	(tag) =	ssettag $0x0;
	lr =	simm.s32 $0x1  }
0x2: {  	[smem:$0x3F99] =	sst lr;
	_ =	strace $0xD0000000  }
0x3: {  	_ = 	snop  }
0x4: {  	_ = 	snop  }
0x5: {  	_ = 	snop  }
0x6: {  	_ = 	snop  }
0x7: {  	_ = 	snop  }
__scs_overlays_trampoline_lowered:
0x8: {  	[smem:$0x3FA8] =	sst s0  }
0x9: {  	[smem:$0x3FA9] =	sst s1  }
0xa: {  	[smem:$0x3FAA] =	sst s2  }
0xb: {  	[smem:$0x3FAB] =	sst s3  }
0xc: {  	[smem:$0x3FAC] =	sst s4  }
0xd: {  	[smem:$0x3FAD] =	sst s5  }
0xe: {  	[smem:$0x3FAE] =	sst s6  }
0xf: {  	[smem:$0x3FAF] =	sst s7  }
0x10: {  	[smem:$0x3FB0] =	sst s8  }
0x11: {  	[smem:$0x3FB1] =	sst s9;
	s0 =	simm.s32 @!p0 $0x0  }
0x12: {  	s1 =	sld [smem:$0x3F97];
	s0 =	simm.s32 @p0 $0x1  }
0x13: {  	[smem:$0x3FB2] =	sst s0;
	s0 =	simm.s32 @!p1 $0x0  }
0x14: {  	s2 =	sld [smem:$0x3F96];
	s0 =	simm.s32 @p1 $0x1  }
0x15: {  	[smem:$0x3FB3] =	sst s0;
	s0 =	simm.s32 @!p2 $0x0  }
0x16: {  	s3 =	sld [smem:$0x3FDB];
	s0 =	simm.s32 @p2 $0x1  }
0x17: {  	s4 =	simm.s32 $0x1BF5;
	[smem:$0x3FB5] =	sst s0  }
0x18: {  	s0 =	sld [smem:$0x3F98];
	_ =	swait.ge [sflag:s4], $0x0  }
0x19: {  	s7 =	sld [smem:$0x3F99]  }
0x1a: {  	s8 =	sadd.s32 $0xFFFFE003, lr  }
0x1b: {  	s9 =	sadd.s32 $0xFFFFFEF7, lr;
	s5 =	simm.s32 $0xFFFFFFFF;
	p2 =	slt.u32 s8, $0xFFFFF086  }
0x1c: {  	p1 =	slt.u32 s9, $0xF7A;
	s5 =	simm.s32 @!p2 $0x0  }
0x1d: {  	s5 =	simm.s32 @p1 $0x1;
	p0 =	seq.s32 s7, s2  }
0x1e: {  	s7 =	smul.u32 @!p0 $0xF7A, s2;
	p2 =	seq.s32 @!p0 s5, $0x0  }
0x1f: {  	s9 =	smul.u32 $0xF7A, s1;
	s8 =	simm.s32 @!p0 $0x1BF5;
	p2 =	por !p2, p0  }
0x20: {  	[sflag:s8] =	ssyncset.s32 @!p0 $0xFFFFF086;
	s6 =	sadd.s32 @!p0 s3, s7;
	s7 =	simm.s32 @!p0 $0x108  }
0x21: {  	s3 =	sadd.s32 s3, s9;
	s6 =	sadd.s32 @!p0 $0x88, s6;
	s7 =	simm.s32 @p2 $0x1082  }
0x22: {  	[simem:s7], [sflag:s8] =	dma.local @!p0 [hbm:s6], $0xF7A  }
0x23: {  	s9 =	sor.u32 $0xD0000000, s2;
	s6 =	simm.s32 $0x108;
	_ =	swait.ge @!p0 [sflag:s8], $0x0  }
0x24: {  	s3 =	sadd.s32 $0x88, s3;
	s6 =	simm.s32 @!p1 $0x1082;
	[sflag:s4] =	ssyncset.s32 $0xFFFFF086  }
0x25: {  	[simem:s6], [sflag:s4] =	dma.local [hbm:s3], $0xF7A  }
0x26: {  	[smem:$0x3F99] =	sst s1;
	(tag) =	ssettag s2;
	_ =	strace s9  }
0x27: {  	s1 =	sld [smem:$0x3FA9]  }
0x28: {  	s2 =	sld [smem:$0x3FAA]  }
0x29: {  	s4 =	sld [smem:$0x3FAC]  }
0x2a: {  	p0 =	seq.s32 s5, $0x0;
	s5 =	sld [smem:$0x3FAD]  }
0x2b: {  	s6 =	sld [smem:$0x3FAE]  }
0x2c: {  	s7 =	sld [smem:$0x3FAF]  }
0x2d: {  	s3 =	simm.s32 $0x108;
	s8 =	sld [smem:$0x3FB0]  }
0x2e: {  	s3 =	simm.s32 @!p0 $0x1082;
	s9 =	sld [smem:$0x3FB1]  }
0x2f: {  	lr =	sadd.s32 s0, s3;
	s0 =	sld [smem:$0x3FA8]  }
0x30: {  	s3 =	sld [smem:$0x3FAB]  }
0x31: {  	[smem:$0x3FB4] =	sst s10  }
0x32: {  	s10 =	sld [smem:$0x3FB2];
	_ =	sdelay $0x3  }
0x33: {  	p0 =	seq.s32 s10, $0x1;
	s10 =	sld [smem:$0x3FB4];
	_ =	sdelay $0x3  }
0x34: {  	[smem:$0x3FB4] =	sst s10  }
0x35: {  	s10 =	sld [smem:$0x3FB3];
	_ =	sdelay $0x3  }
0x36: {  	p1 =	seq.s32 s10, $0x1;
	s10 =	sld [smem:$0x3FB4];
	_ =	sdelay $0x3  }
0x37: {  	[smem:$0x3FB4] =	sst s10  }
0x38: {  	s10 =	sld [smem:$0x3FB5]  }
0x39: {  	_ = 	snop;
	(pc) =	sbr.ind lr, $3  }
0x3a: {  	_ = 	snop  }
0x3b: {  	_ = 	snop  }
0x3c: {  	p2 =	seq.s32 s10, $0x1;
	s10 =	sld [smem:$0x3FB4]  }
0x3d: {  	_ =	shalt  }
0x3e: {  	_ =	shalt  }
0x3f: {  	_ =	shalt  }
0x40: {  	_ =	shalt  }
0x41: {  	_ =	shalt  }
0x42: {  	_ =	shalt  }
0x43: {  	_ =	shalt  }
0x44: {  	_ =	shalt  }
0x45: {  	_ =	shalt  }
0x46: {  	_ =	shalt  }
0x47: {  	_ =	shalt  }
0x48: {  	_ =	shalt  }
0x49: {  	_ =	shalt  }
0x4a: {  	_ =	shalt  }
0x4b: {  	_ =	shalt  }
0x4c: {  	_ =	shalt  }
0x4d: {  	_ =	shalt  }
0x4e: {  	_ =	shalt  }
0x4f: {  	_ =	shalt  }
0x50: {  	_ =	shalt  }
0x51: {  	_ =	shalt  }
0x52: {  	_ =	shalt  }
0x53: {  	_ =	shalt  }
0x54: {  	_ =	shalt  }
0x55: {  	_ =	shalt  }
0x56: {  	_ =	shalt  }
0x57: {  	_ =	shalt  }
0x58: {  	_ =	shalt  }
0x59: {  	_ =	shalt  }
0x5a: {  	_ =	shalt  }
0x5b: {  	_ =	shalt  }
0x5c: {  	_ =	shalt  }
0x5d: {  	_ =	shalt  }
0x5e: {  	_ =	shalt  }
0x5f: {  	_ =	shalt  }
0x60: {  	_ =	shalt  }
0x61: {  	_ =	shalt  }
0x62: {  	_ =	shalt  }
0x63: {  	_ =	shalt  }
0x64: {  	_ =	shalt  }
0x65: {  	_ =	shalt  }
0x66: {  	_ =	shalt  }
0x67: {  	_ =	shalt  }
0x68: {  	_ =	shalt  }
0x69: {  	_ =	shalt  }
0x6a: {  	_ =	shalt  }
0x6b: {  	_ =	shalt  }
0x6c: {  	_ =	shalt  }
0x6d: {  	_ =	shalt  }
0x6e: {  	_ =	shalt  }
0x6f: {  	_ =	shalt  }
0x70: {  	_ =	shalt  }
0x71: {  	_ =	shalt  }
0x72: {  	_ =	shalt  }
0x73: {  	_ =	shalt  }
0x74: {  	_ =	shalt  }
0x75: {  	_ =	shalt  }
0x76: {  	_ =	shalt  }
0x77: {  	_ =	shalt  }
0x78: {  	_ =	shalt  }
0x79: {  	_ =	shalt  }
0x7a: {  	_ =	shalt  }
0x7b: {  	_ =	shalt  }
0x7c: {  	_ =	shalt  }
0x7d: {  	_ =	shalt  }
0x7e: {  	_ =	shalt  }
0x7f: {  	_ =	shalt  }
0x80: {  	_ =	shalt  }
0x81: {  	_ =	shalt  }
0x82: {  	_ =	shalt  }
0x83: {  	_ =	shalt  }
0x84: {  	_ =	shalt  }
0x85: {  	_ =	shalt  }
0x86: {  	_ =	shalt  }
0x87: {  	_ =	shalt  }
.Lfunc_end0:
.L_simem_size_0:
called_computation.1_lowered:
.L_overlay_start_0:
0x88: {  	s2 =	sld [smem:$0x3FD9]  }
0x89: {  	s3 =	sld [smem:$0x3FFE];
	_ =	sdelay $0x1  }
0x8a: {  	s1 =	srdreg.scid  }
0x8b: {  	s0 =	sand.u32 $0x1, s1  }
0x8c: {  	s16 =	sshll.u32 s0, $0xA;
	s2 =	sadd.s32 s3, s2  }
0x8d: {  	s2 =	sadd.s32 s2, s16  }
0x8e: {  	[smem:$0x3FC0] =	sst s2  }
0x8f: {  	_ = 	snop  }
0x90: {  	(tm) =	ssettm $0x1  }
0x91: {  	s17 =	sld [smem:$0x3FFB];
	_ =	sdelay $0x3  }
0x92: {  	_ =	strace s17  }
0x93: {  	s2 =	sld [smem:$0x3FFC];
	_ =	sdelay $0x3  }
0x94: {  	_ =	strace s2  }
0x95: {  	s2 =	sld [smem:$0x3FFD];
	_ =	sdelay $0x3  }
0x96: {  	_ =	strace s2  }
0x97: {  	_ =	strace $0x8FFFFFFF  }
0x98: {  	s18 =	sld [smem:$0x3FDB];
	_ =	sdelay $0x1  }
0x99: {  	s19 =	simm.s32 $_scs_section_size  }
0x9a: {  	s4 =	simm.s32 $_size__tile_overlayer_lowered;
	s5 =	simm.s32 $_tile_overlayer_lowered  }
0x9b: {  	s22 =	simm.s32 $0x1BFF;
	s21 =	sshll.u32 s5, $0x1;
	s2 =	sadd.s32 s19, s18  }
0x9c: {  	s6 =	simm.s32 $0x0;
	s20 =	sshll.u32 s4, $0x1;
	s4 =	sadd.s32 s21, s2  }
0x9d: {  	[timem:s6], [sflag:s22] =	dma.local [hbm:s4], s20  }
0x9e: {  	_ =	swait.ge [sflag:s22], s20  }
0x9f: {  	s3 =	ssub.s32 $0x0, s20;
	[sflag:s22] =	ssyncset.done $0x0  }
0xa0: {  	[sflag:s22] =	ssyncadd.s32 s3;
	_ =	sdelay $0x1  }
0xa1: {  	s23 =	simm.s32 $0x1B8B  }
0xa2: {  	_ =	swait.ge [sflag:s23], $0x1  }
0xa3: {  	[sflag:s23] =	ssyncset.done $0x0  }
0xa4: {  	s25 =	simm.s32 $0x1B8E;
	s24 =	sld [smem:$0x3FFE];
	[sflag:s23] =	ssyncadd.s32 $0xFFFFFFFF  }
0xa5: {  	s26 =	simm.s32 $execute0_lowered;
	[smem:$0x3FD2] =	sst s25  }
0xa6: {  	s4 =	sshll.u32 s26, $0x1;
	_ =	strace $0x80000049;
	[dreg:$0x1] =	wrdreg $0xFFFFFFFF  }
0xa7: {  	s28 =	simm.s32 $_size_execute0_lowered;
	s2 =	sadd.s32 s2, s4;
	[dreg:$0x0] =	wrdreg $0x0  }
0xa8: {  	s4 =	sshll.u32 s28, $0x1;
	[dreg:$0x2] =	wrdreg s2  }
0xa9: {  	[dreg:$0x3] =	wrdreg s4  }
0xaa: {  	[dreg:$0x4] =	wrdreg $0xC0  }
0xab: {  	_ =	task [dreg:s6], $0x5FFFF  }
0xac: {  	[dreg:$0x1] =	wrdreg $0xFFFFFFFF  }
0xad: {  	[dreg:$0x0] =	wrdreg $0x60  }
0xae: {  	[dreg:$0x2] =	wrdreg s24  }
0xaf: {  	[dreg:$0x3] =	wrdreg $0x150000  }
0xb0: {  	[dreg:$0x4] =	wrdreg $0x9  }
0xb1: {  	_ =	task.clear_ibuf [dreg:s6], $0x5FFFF;
	_ =	strace $0x90000049  }
0xb2: {  	s29 =	simm.s32 $0x9;
	_ =	strace $0x8000004B  }
0xb3: {  	_ =	swait.ge [sflag:s29], $0x1  }
0xb4: {  	[sflag:s29] =	ssyncadd.s32 $0xFFFFFFFF  }
0xb5: {  	_ =	strace $0x9000004B  }
0xb6: {  	_ =	sfence  }
0xb7: {  	s30 =	sld [smem:$0x0];
	_ =	sdelay $0x2  }
0xb8: {  	s31 =	sshll.u32 s1, $0xD;
	s1 =	sshrl.u32 s1, $0x2  }
0xb9: {  	s3 =	sand.u32 $0x4000, s31;
	s1 =	sadd.s32 s1, s30  }
0xba: {  	s0 =	sor.u32 s3, s0;
	s1 =	sshll.u32 s1, $0x11  }
0xbb: {  	s0 =	sor.u32 s1, s0  }
0xbc: {  	s0 =	sadd.s32 $0x8F2B, s0  }
0xbd: {  	[sflag:s0] =	ssyncadd.remote.s32 $0x1  }
0xbe: {  	_ =	sfence.sel $0xFFFF  }
0xbf: {  	[dreg:$0x0] =	wrdreg $0xFFFFFFFF;
	(pc) =	sbr.abs _section_cstart, $3  }
0xc0: {  	[dreg:$0x1] =	wrdreg $0xFFFFFFFF  }
0xc1: {  	_ =	task.clear_ibuf [dreg:s6], $0x2FFFF;
	_ =	strace $0x9FFFFFFF  }
0xc2: {  	(tm) =	ssettm $0x7FFFFFFF  }
0xc3: {  	_ =	shalt  }
tec
execute0_lowered:
.L_overlay_start_1:
0x0: {  	(tag) =	ssettag $0x1  }
0x1: {  	s0 =	srdreg.scid;
	s6 =	rddreg [dreg:$0x0]  }
0x2: {  	s2 =	rddreg [dreg:$0x1];
	s1 =	stileid.u32  }
0x3: {  	s3 =	simm.s32 $0x0;
	s14 =	simm.s32 $0x2;
	s15 =	simm.s32 $0x4E00  }
0x4: {  	s16 =	simm.s32 $0xD000;
	s5 =	sand.u32 $0x1, s0;
	s0 =	rddreg [dreg:$0x2]  }
0x5: {  	[smem:$0x7FF] =	sst s3;
	s7 =	smul.u32 $0xA000, s1;
	s30 =	sadd.s32 $0xB640, s6  }
0x6: {  	s31 =	sshll.u32 s1, $0x6;
	s4 =	sshll.u32 s5, $0x4;
	_ =	strace $0x8000004A  }
0x7: {  	s8 =	smul.u32 $0x14000, s5;
	s5 =	ssub.s32 $0x2, s5;
	s4 =	sor.u32 s1, s4  }
0x8: {  	s17 =	sshrl.u32 s7, $0x3;
	s11 =	sshrl.u32 s5, $0x1;
	s13 =	sadd.s32 s7, s2  }
0x9: {  	v14 =	vlaneseq.u32;
	s9 =	smul.u32 $0x4E2, s4;
	s4 =	sadd.s32 $0x15400, s6;
	s8 =	sadd.s32 s8, s6  }
0xa: {  	v0 =	vor.u32 $0x2710, v14;
	v1 =	vor.u32 $0x2720, v14;
	v2 =	vor.u32 $0x2730, v14;
	s12 =	sadd.s32 s17, s6;
	s11 =	ssub.s32 s5, s11;
	s18 =	sadd.s32 $0x3D400, s8  }
0xb: {  	v3 =	vor.u32 $0x2740, v14;
	v4 =	vor.u32 $0x2750, v14;
	v5 =	vor.u32 $0x2760, v14;
	s7 =	smax.u32 s11, $0x1;
	s8 =	simm.s32 $0x3;
	s11 =	sshrl.u32 s13, $0x3  }
0xc: {  	v6 =	vor.u32 $0x2770, v14;
	v7 =	vor.u32 $0x2780, v14;
	v8 =	vor.u32 $0x2790, v14;
	s13 =	simm.s32 $0x200;
	s10 =	sadd.s32 s9, s6;
	s6 =	sadd.s32 $0x29400, s12  }
0xd: {  	v9 =	vor.u32 $0x27A0, v14;
	v10 =	vor.u32 $0x27B0, v14;
	v11 =	vor.u32 $0x27C0, v14;
	s9 =	sadd.s32 s9, s30;
	s12 =	simm.s32 $0x5000;
	s17 =	sadd.s32 s17, s18  }
0xe: {  	v12 =	vor.u32 $0x27D0, v14;
	v13 =	vor.u32 $0x27E0, v14;
	v14 =	vor.u32 $0x27F0, v14;
	s18 =	simm.s32 $0x0;
	s5 =	sadd.s32 $0x1A00, s10;
	s10 =	sor.u32 $0x1C03, s31  }
.LBB2_1:
0xf: {  	[tilespmem:s3], [sflag:$0x3] =	stream.linear.gather [hbm4b:s5+s3], $0x2710, $0x38;
	[tilespmem:$0x1F000] =	vst v63  }
0x10: {  	_ =	swait.ge [sflag:s8], $0x2710  }
0x11: {  	[sflag:s8] =	ssyncset.done $0x0  }
0x12: {  	[sflag:s8] =	ssyncadd.s32 $0xFFFFD8F0  }
0x13: {  	[tilespmem:$0x2710] =	vst v0  }
0x14: {  	[tilespmem:$0x2720] =	vst v1  }
0x15: {  	[tilespmem:$0x2730] =	vst v2  }
0x16: {  	[tilespmem:$0x2740] =	vst v3  }
0x17: {  	[tilespmem:$0x2750] =	vst v4  }
0x18: {  	[tilespmem:$0x2760] =	vst v5  }
0x19: {  	[tilespmem:$0x2770] =	vst v6  }
0x1a: {  	[tilespmem:$0x2780] =	vst v7  }
0x1b: {  	[tilespmem:$0x2790] =	vst v8  }
0x1c: {  	[tilespmem:$0x27A0] =	vst v9  }
0x1d: {  	[tilespmem:$0x27B0] =	vst v10  }
0x1e: {  	[tilespmem:$0x27C0] =	vst v11  }
0x1f: {  	[tilespmem:$0x27D0] =	vst v12  }
0x20: {  	[tilespmem:$0x27E0] =	vst v13  }
0x21: {  	s19 =	simm.s32 $0x2800;
	[tilespmem:$0x27F0] =	vst v14  }
0x22: {  	[tilespmem:s19], [sflag:$0x3] =	stream.linear.gather [hbm4b:s9+s3], $0x2710, $0x38;
	[tilespmem:$0x1F000] =	vst v63  }
0x23: {  	_ =	swait.ge [sflag:s8], $0x2710  }
0x24: {  	[sflag:s8] =	ssyncset.done $0x0  }
0x25: {  	[sflag:s8] =	ssyncadd.s32 $0xFFFFD8F0  }
0x26: {  	[tilespmem:$0x4F10] =	vst v0  }
0x27: {  	[tilespmem:$0x4F20] =	vst v1  }
0x28: {  	[tilespmem:$0x4F30] =	vst v2  }
0x29: {  	[tilespmem:$0x4F40] =	vst v3  }
0x2a: {  	[tilespmem:$0x4F50] =	vst v4  }
0x2b: {  	[tilespmem:$0x4F60] =	vst v5  }
0x2c: {  	[tilespmem:$0x4F70] =	vst v6  }
0x2d: {  	[tilespmem:$0x4F80] =	vst v7  }
0x2e: {  	[tilespmem:$0x4F90] =	vst v8  }
0x2f: {  	[tilespmem:$0x4FA0] =	vst v9  }
0x30: {  	[tilespmem:$0x4FB0] =	vst v10  }
0x31: {  	[tilespmem:$0x4FC0] =	vst v11  }
0x32: {  	[tilespmem:$0x4FD0] =	vst v12  }
0x33: {  	[tilespmem:$0x4FE0] =	vst v13  }
0x34: {  	[tilespmem:$0x4FF0] =	vst v14  }
0x35: {  	[spmem:s11], [sflag:s10] =	dma.local [hbm:s6], $0x1400  }
0x36: {  	_ =	swait.ge [sflag:s8], $0x1400  }
0x37: {  	s20 =	simm.s32 $0x1;
	[sflag:s8] =	ssyncset.done $0x0  }
0x38: {  	s21 =	simm.s32 $0x0;
	s20 =	sand.u32 $0x1, s20;
	[sflag:s8] =	ssyncadd.s32 $0xFFFFEC00  }
0x39: {  	s21 =	sand.u32 $0x1, s21;
	s22 =	sshll.u32 s20, $0xF;
	[bflag:$0x0] =	sbarrier.arrive $0xFFFF  }
0x3a: {  	[tilespmem:s12], [sflag:$0x1] =	stream.indirect.gather [hbm4b:s4+s13], $0x40, s3, s13, $0xb8;
	[tilespmem:$0x1F000] =	vst v63  }
0x3b: {  	s20 =	sadd.s32 $0x1, s20;
	s23 =	sadd.s32 $0x1, s21;
	s22 =	sor.u32 $0x5000, s22  }
0x3c: {  	[tilespmem:s22], [sflag:s20] =	stream.indirect.gather [hbm4b:s4+s13], $0x40, s13, s13, $0xb8;
	[tilespmem:$0x1F000] =	vst v63  }
0x3d: {  	s31 =	sshll.u32 s21, $0xF;
	_ =	swait.ge [sflag:s23], $0x8000  }
0x3e: {  	s21 =	simm.s32 $0x2;
	s20 =	sor.u32 $0x5000, s31;
	[sflag:s23] =	ssyncset.done $0x0  }
0x3f: {  	s22 =	simm.s32 $0x3;
	[sflag:s23] =	ssyncadd.s32 $0xFFFF8000;
	s23 =	sand.u32 $0x1, s21  }
0x40: {  	[spmem:s2] =	stream.indirect.scatter.add.f32 [tilespmem:s20], [sflag:$0x3], $0x40, s19, s13, $0xb8;
	[tilespmem:$0x1F000] =	vst v63  }
0x41: {  	s20 =	simm.s32 $0x400;
	s19 =	simm.s32 $0x2A00;
	_ =	swait.ge [sflag:s8], $0x8000  }
.LBB2_2:
0x42: {  	s24 =	sadd.s32 $0xFFFFFFFF, s21;
	s25 =	sshll.u32 s23, $0xF  }
0x43: {  	[sflag:s8] =	ssyncset.done $0x0;
	s21 =	smov.u32 s22;
	s23 =	sadd.s32 $0x1, s23  }
0x44: {  	p0 =	sne.s32 s22, $0x13;
	s24 =	sand.u32 $0x1, s24;
	s25 =	sor.u32 $0x5000, s25  }
0x45: {  	s26 =	sshll.u32 s24, $0xF;
	s24 =	sadd.s32 $0x1, s24;
	[sflag:s8] =	ssyncadd.s32 $0xFFFF8000  }
0x46: {  	[tilespmem:s25], [sflag:s23] =	stream.indirect.gather [hbm4b:s4+s13], $0x40, s20, s13, $0xb8;
	[tilespmem:$0x1F000] =	vst v63  }
.Ltmp0:
0x47: {  	s25 =	sadd.s32 $0x1, s22;
	_ =	swait.ge [sflag:s24], $0x8000;
	(pc) =	sbr.rel @p0 .LBB2_2-.Ltmp0, $4  }
0x48: {  	s22 =	sor.u32 $0x5000, s26;
	[sflag:s24] =	ssyncset.done $0x0  }
0x49: {  	s20 =	sadd.s32 $0x200, s20;
	s23 =	sand.u32 $0x1, s21;
	[sflag:s24] =	ssyncadd.s32 $0xFFFF8000  }
0x4a: {  	[spmem:s2] =	stream.indirect.scatter.add.f32 [tilespmem:s22], [sflag:$0x3], $0x40, s19, s13, $0xb8;
	[tilespmem:$0x1F000] =	vst v63  }
0x4b: {  	s19 =	sadd.s32 $0x200, s19;
	s22 =	smov.u32 s25;
	_ =	swait.ge [sflag:s8], $0x8000  }
0x4c: {  	s21 =	sadd.s32 $0xFFFFFFFF, s21;
	s22 =	sshll.u32 s23, $0xF  }
0x4d: {  	[sflag:s8] =	ssyncset.done $0x0;
	s30 =	sadd.s32 $0x1, s23;
	s21 =	sand.u32 $0x1, s21  }
0x4e: {  	s22 =	sor.u32 $0x5000, s22;
	[sflag:s8] =	ssyncadd.s32 $0xFFFF8000;
	s24 =	sadd.s32 $0x1, s21  }
0x4f: {  	[tilespmem:s22], [sflag:s30] =	stream.indirect.gather [hbm4b:s4+s13], $0x40, s20, s13, $0xb8;
	[tilespmem:$0x1F000] =	vst v63  }
0x50: {  	_ =	swait.ge [sflag:s24], $0x8000  }
0x51: {  	s31 =	sshll.u32 s21, $0xF;
	[sflag:s24] =	ssyncset.done $0x0  }
0x52: {  	s20 =	sor.u32 $0x5000, s31;
	[sflag:s24] =	ssyncadd.s32 $0xFFFF8000  }
0x53: {  	[spmem:s2] =	stream.indirect.scatter.add.f32 [tilespmem:s20], [sflag:$0x3], $0x40, s19, s13, $0xb8;
	[tilespmem:$0x1F000] =	vst v63  }
0x54: {  	_ =	swait.ge [sflag:s8], $0x8000  }
0x55: {  	[sflag:s8] =	ssyncset.done $0x0  }
0x56: {  	[sflag:s8] =	ssyncadd.s32 $0xFFFF8000  }
0x57: {  	_ =	swait.ge [sflag:s14], $0x8000  }
0x58: {  	[sflag:s14] =	ssyncset.done $0x0  }
0x59: {  	[sflag:s14] =	ssyncadd.s32 $0xFFFF8000  }
0x5a: {  	[spmem:s2] =	stream.indirect.scatter.add.f32 [tilespmem:s16], [sflag:$0x3], $0x40, s15, s13, $0xb8;
	[tilespmem:$0x1F000] =	vst v63  }
0x5b: {  	_ =	swait.ge [sflag:s8], $0x8000  }
0x5c: {  	s18 =	sadd.s32 $0x1, s18;
	[sflag:s8] =	ssyncset.done $0x0  }
0x5d: {  	p0 =	sne.s32 s18, s7;
	[sflag:s8] =	ssyncadd.s32 $0xFFFF8000  }
.Ltmp1:
0x5e: {  	[bflag:$0x0] =	sbarrier.arrive $0xFFFF;
	(pc) =	sbr.rel @p0 .LBB2_1-.Ltmp1, $4  }
0x5f: {  	[hbm:s17], [sflag:s10] =	dma.local [spmem:s11], $0x1400  }
0x60: {  	_ =	swait.ge [sflag:s8], $0x1400  }
0x61: {  	[sflag:s8] =	ssyncset.done $0x0  }
0x62: {  	[sflag:s8] =	ssyncadd.s32 $0xFFFFEC00  }
0x63: {  	_ =	sfence.sel $0x180000  }
0x64: {  	[bflag:$0x0] =	sbarrier.arrive $0xFFFF  }
0x65: {  	p0 =	sne.s32 s1, $0x0;
	_ =	strace $0x9000004A  }
0x66: {  	s0 =	sadd.s32 @!p0 $0x100000, s0;
	[bflag:$0x2] =	sbarrier.arrive $0xFFFF  }
0x67: {  	[sflag:s0] =	ssyncadd.tile.s32 @!p0 $0x1;
	_ =	shalt  }
.Lfunc_end2:
_tile_overlayer_lowered:
.L_overlay_start_2:
0x68: {  	(tag) =	ssettag $0x2  }
0x69: {  	s0 =	rddreg [dreg:$0x0];
	s2 =	stileid.u32  }
0x6a: {  	s1 =	rddreg [dreg:$0x1];
	p0 =	sne.s32 s2, $0x0  }
0x6b: {  	s3 =	rddreg [dreg:$0x2];
	[bflag:$0x3] =	sbarrier.arrive $0xFFFF;
	s2 =	simm.s32 @!p0 $0x1C03  }
0x6c: {  	[timem:s3], [sflag:s2] =	dma.local @!p0 [hbm:s0], s1  }
0x6d: {  	s0 =	simm.s32 @!p0 $0x3  }
0x6e: {  	_ =	swait.ge @!p0 [sflag:s0], s1  }
0x6f: {  	s1 =	ssub.s32 @!p0 $0x0, s1;
	[sflag:s0] =	ssyncset.done @!p0 $0x0  }
0x70: {  	[sflag:s0] =	ssyncadd.s32 @!p0 s1  }
0x71: {  	[bflag:$0x3] =	sbarrier.arrive $0xFFFF  }
0x72: {  	_ =	shalt  }

// kernel: kernel.15.cloned.1.call-start
scs
__scs_entry_jumppad:
0x0: {  	(pc) =	sbr.rel $0x88, $3  }
0x1: {  	(tag) =	ssettag $0x0;
	lr =	simm.s32 $0x1  }
0x2: {  	[smem:$0x3F99] =	sst lr;
	_ =	strace $0xD0000000  }
0x3: {  	_ = 	snop  }
0x4: {  	_ = 	snop  }
0x5: {  	_ = 	snop  }
0x6: {  	_ = 	snop  }
0x7: {  	_ = 	snop  }
__scs_overlays_trampoline_lowered:
0x8: {  	[smem:$0x3FA8] =	sst s0  }
0x9: {  	[smem:$0x3FA9] =	sst s1  }
0xa: {  	[smem:$0x3FAA] =	sst s2  }
0xb: {  	[smem:$0x3FAB] =	sst s3  }
0xc: {  	[smem:$0x3FAC] =	sst s4  }
0xd: {  	[smem:$0x3FAD] =	sst s5  }
0xe: {  	[smem:$0x3FAE] =	sst s6  }
0xf: {  	[smem:$0x3FAF] =	sst s7  }
0x10: {  	[smem:$0x3FB0] =	sst s8  }
0x11: {  	[smem:$0x3FB1] =	sst s9;
	s0 =	simm.s32 @!p0 $0x0  }
0x12: {  	s1 =	sld [smem:$0x3F97];
	s0 =	simm.s32 @p0 $0x1  }
0x13: {  	[smem:$0x3FB2] =	sst s0;
	s0 =	simm.s32 @!p1 $0x0  }
0x14: {  	s2 =	sld [smem:$0x3F96];
	s0 =	simm.s32 @p1 $0x1  }
0x15: {  	[smem:$0x3FB3] =	sst s0;
	s0 =	simm.s32 @!p2 $0x0  }
0x16: {  	s3 =	sld [smem:$0x3FDB];
	s0 =	simm.s32 @p2 $0x1  }
0x17: {  	s4 =	simm.s32 $0x1BF5;
	[smem:$0x3FB5] =	sst s0  }
0x18: {  	s0 =	sld [smem:$0x3F98];
	_ =	swait.ge [sflag:s4], $0x0  }
0x19: {  	s7 =	sld [smem:$0x3F99]  }
0x1a: {  	s8 =	sadd.s32 $0xFFFFE003, lr  }
0x1b: {  	s9 =	sadd.s32 $0xFFFFFEF7, lr;
	s5 =	simm.s32 $0xFFFFFFFF;
	p2 =	slt.u32 s8, $0xFFFFF086  }
0x1c: {  	p1 =	slt.u32 s9, $0xF7A;
	s5 =	simm.s32 @!p2 $0x0  }
0x1d: {  	s5 =	simm.s32 @p1 $0x1;
	p0 =	seq.s32 s7, s2  }
0x1e: {  	s7 =	smul.u32 @!p0 $0xF7A, s2;
	p2 =	seq.s32 @!p0 s5, $0x0  }
0x1f: {  	s9 =	smul.u32 $0xF7A, s1;
	s8 =	simm.s32 @!p0 $0x1BF5;
	p2 =	por !p2, p0  }
0x20: {  	[sflag:s8] =	ssyncset.s32 @!p0 $0xFFFFF086;
	s6 =	sadd.s32 @!p0 s3, s7;
	s7 =	simm.s32 @!p0 $0x108  }
0x21: {  	s3 =	sadd.s32 s3, s9;
	s6 =	sadd.s32 @!p0 $0x88, s6;
	s7 =	simm.s32 @p2 $0x1082  }
0x22: {  	[simem:s7], [sflag:s8] =	dma.local @!p0 [hbm:s6], $0xF7A  }
0x23: {  	s9 =	sor.u32 $0xD0000000, s2;
	s6 =	simm.s32 $0x108;
	_ =	swait.ge @!p0 [sflag:s8], $0x0  }
0x24: {  	s3 =	sadd.s32 $0x88, s3;
	s6 =	simm.s32 @!p1 $0x1082;
	[sflag:s4] =	ssyncset.s32 $0xFFFFF086  }
0x25: {  	[simem:s6], [sflag:s4] =	dma.local [hbm:s3], $0xF7A  }
0x26: {  	[smem:$0x3F99] =	sst s1;
	(tag) =	ssettag s2;
	_ =	strace s9  }
0x27: {  	s1 =	sld [smem:$0x3FA9]  }
0x28: {  	s2 =	sld [smem:$0x3FAA]  }
0x29: {  	s4 =	sld [smem:$0x3FAC]  }
0x2a: {  	p0 =	seq.s32 s5, $0x0;
	s5 =	sld [smem:$0x3FAD]  }
0x2b: {  	s6 =	sld [smem:$0x3FAE]  }
0x2c: {  	s7 =	sld [smem:$0x3FAF]  }
0x2d: {  	s3 =	simm.s32 $0x108;
	s8 =	sld [smem:$0x3FB0]  }
0x2e: {  	s3 =	simm.s32 @!p0 $0x1082;
	s9 =	sld [smem:$0x3FB1]  }
0x2f: {  	lr =	sadd.s32 s0, s3;
	s0 =	sld [smem:$0x3FA8]  }
0x30: {  	s3 =	sld [smem:$0x3FAB]  }
0x31: {  	[smem:$0x3FB4] =	sst s10  }
0x32: {  	s10 =	sld [smem:$0x3FB2];
	_ =	sdelay $0x3  }
0x33: {  	p0 =	seq.s32 s10, $0x1;
	s10 =	sld [smem:$0x3FB4];
	_ =	sdelay $0x3  }
0x34: {  	[smem:$0x3FB4] =	sst s10  }
0x35: {  	s10 =	sld [smem:$0x3FB3];
	_ =	sdelay $0x3  }
0x36: {  	p1 =	seq.s32 s10, $0x1;
	s10 =	sld [smem:$0x3FB4];
	_ =	sdelay $0x3  }
0x37: {  	[smem:$0x3FB4] =	sst s10  }
0x38: {  	s10 =	sld [smem:$0x3FB5]  }
0x39: {  	_ = 	snop;
	(pc) =	sbr.ind lr, $3  }
0x3a: {  	_ = 	snop  }
0x3b: {  	_ = 	snop  }
0x3c: {  	p2 =	seq.s32 s10, $0x1;
	s10 =	sld [smem:$0x3FB4]  }
0x3d: {  	_ =	shalt  }
0x3e: {  	_ =	shalt  }
0x3f: {  	_ =	shalt  }
0x40: {  	_ =	shalt  }
0x41: {  	_ =	shalt  }
0x42: {  	_ =	shalt  }
0x43: {  	_ =	shalt  }
0x44: {  	_ =	shalt  }
0x45: {  	_ =	shalt  }
0x46: {  	_ =	shalt  }
0x47: {  	_ =	shalt  }
0x48: {  	_ =	shalt  }
0x49: {  	_ =	shalt  }
0x4a: {  	_ =	shalt  }
0x4b: {  	_ =	shalt  }
0x4c: {  	_ =	shalt  }
0x4d: {  	_ =	shalt  }
0x4e: {  	_ =	shalt  }
0x4f: {  	_ =	shalt  }
0x50: {  	_ =	shalt  }
0x51: {  	_ =	shalt  }
0x52: {  	_ =	shalt  }
0x53: {  	_ =	shalt  }
0x54: {  	_ =	shalt  }
0x55: {  	_ =	shalt  }
0x56: {  	_ =	shalt  }
0x57: {  	_ =	shalt  }
0x58: {  	_ =	shalt  }
0x59: {  	_ =	shalt  }
0x5a: {  	_ =	shalt  }
0x5b: {  	_ =	shalt  }
0x5c: {  	_ =	shalt  }
0x5d: {  	_ =	shalt  }
0x5e: {  	_ =	shalt  }
0x5f: {  	_ =	shalt  }
0x60: {  	_ =	shalt  }
0x61: {  	_ =	shalt  }
0x62: {  	_ =	shalt  }
0x63: {  	_ =	shalt  }
0x64: {  	_ =	shalt  }
0x65: {  	_ =	shalt  }
0x66: {  	_ =	shalt  }
0x67: {  	_ =	shalt  }
0x68: {  	_ =	shalt  }
0x69: {  	_ =	shalt  }
0x6a: {  	_ =	shalt  }
0x6b: {  	_ =	shalt  }
0x6c: {  	_ =	shalt  }
0x6d: {  	_ =	shalt  }
0x6e: {  	_ =	shalt  }
0x6f: {  	_ =	shalt  }
0x70: {  	_ =	shalt  }
0x71: {  	_ =	shalt  }
0x72: {  	_ =	shalt  }
0x73: {  	_ =	shalt  }
0x74: {  	_ =	shalt  }
0x75: {  	_ =	shalt  }
0x76: {  	_ =	shalt  }
0x77: {  	_ =	shalt  }
0x78: {  	_ =	shalt  }
0x79: {  	_ =	shalt  }
0x7a: {  	_ =	shalt  }
0x7b: {  	_ =	shalt  }
0x7c: {  	_ =	shalt  }
0x7d: {  	_ =	shalt  }
0x7e: {  	_ =	shalt  }
0x7f: {  	_ =	shalt  }
0x80: {  	_ =	shalt  }
0x81: {  	_ =	shalt  }
0x82: {  	_ =	shalt  }
0x83: {  	_ =	shalt  }
0x84: {  	_ =	shalt  }
0x85: {  	_ =	shalt  }
0x86: {  	_ =	shalt  }
0x87: {  	_ =	shalt  }
.Lfunc_end0:
.L_simem_size_0:
called_computation.2_lowered:
.L_overlay_start_0:
0x88: {  	s2 =	sld [smem:$0x3FD9]  }
0x89: {  	s3 =	sld [smem:$0x3FFE];
	_ =	sdelay $0x1  }
0x8a: {  	s1 =	srdreg.scid  }
0x8b: {  	s0 =	sand.u32 $0x1, s1  }
0x8c: {  	s16 =	sshll.u32 s0, $0xA;
	s2 =	sadd.s32 s3, s2  }
0x8d: {  	s2 =	sadd.s32 s2, s16  }
0x8e: {  	[smem:$0x3FC0] =	sst s2  }
0x8f: {  	_ = 	snop  }
0x90: {  	(tm) =	ssettm $0x1  }
0x91: {  	s17 =	sld [smem:$0x3FFB];
	_ =	sdelay $0x3  }
0x92: {  	_ =	strace s17  }
0x93: {  	s2 =	sld [smem:$0x3FFC];
	_ =	sdelay $0x3  }
0x94: {  	_ =	strace s2  }
0x95: {  	s2 =	sld [smem:$0x3FFD];
	_ =	sdelay $0x3  }
0x96: {  	_ =	strace s2  }
0x97: {  	_ =	strace $0x8FFFFFFF  }
0x98: {  	s18 =	sld [smem:$0x3FDB];
	_ =	sdelay $0x1  }
0x99: {  	s19 =	simm.s32 $_scs_section_size  }
0x9a: {  	s4 =	simm.s32 $_size__tile_overlayer_lowered;
	s5 =	simm.s32 $_tile_overlayer_lowered  }
0x9b: {  	s22 =	simm.s32 $0x1BFF;
	s21 =	sshll.u32 s5, $0x1;
	s2 =	sadd.s32 s19, s18  }
0x9c: {  	s6 =	simm.s32 $0x0;
	s20 =	sshll.u32 s4, $0x1;
	s4 =	sadd.s32 s21, s2  }
0x9d: {  	[timem:s6], [sflag:s22] =	dma.local [hbm:s4], s20  }
0x9e: {  	_ =	swait.ge [sflag:s22], s20  }
0x9f: {  	s3 =	ssub.s32 $0x0, s20;
	[sflag:s22] =	ssyncset.done $0x0  }
0xa0: {  	[sflag:s22] =	ssyncadd.s32 s3;
	_ =	sdelay $0x1  }
0xa1: {  	s23 =	simm.s32 $0x1B8B  }
0xa2: {  	_ =	swait.ge [sflag:s23], $0x1  }
0xa3: {  	[sflag:s23] =	ssyncset.done $0x0  }
0xa4: {  	s25 =	simm.s32 $0x1B8E;
	s24 =	sld [smem:$0x3FFE];
	[sflag:s23] =	ssyncadd.s32 $0xFFFFFFFF  }
0xa5: {  	s26 =	simm.s32 $execute0_lowered;
	[smem:$0x3FD2] =	sst s25  }
0xa6: {  	s4 =	sshll.u32 s26, $0x1;
	_ =	strace $0x8000004C;
	[dreg:$0x1] =	wrdreg $0xFFFFFFFF  }
0xa7: {  	s28 =	simm.s32 $_size_execute0_lowered;
	s2 =	sadd.s32 s2, s4;
	[dreg:$0x0] =	wrdreg $0x0  }
0xa8: {  	s4 =	sshll.u32 s28, $0x1;
	[dreg:$0x2] =	wrdreg s2  }
0xa9: {  	[dreg:$0x3] =	wrdreg s4  }
0xaa: {  	[dreg:$0x4] =	wrdreg $0xC0  }
0xab: {  	_ =	task [dreg:s6], $0x5FFFF  }
0xac: {  	[dreg:$0x1] =	wrdreg $0xFFFFFFFF  }
0xad: {  	[dreg:$0x0] =	wrdreg $0x60  }
0xae: {  	[dreg:$0x2] =	wrdreg s24  }
0xaf: {  	[dreg:$0x3] =	wrdreg $0x150000  }
0xb0: {  	[dreg:$0x4] =	wrdreg $0x9  }
0xb1: {  	_ =	task.clear_ibuf [dreg:s6], $0x5FFFF;
	_ =	strace $0x9000004C  }
0xb2: {  	s29 =	simm.s32 $0x9;
	_ =	strace $0x8000004E  }
0xb3: {  	_ =	swait.ge [sflag:s29], $0x1  }
0xb4: {  	[sflag:s29] =	ssyncadd.s32 $0xFFFFFFFF  }
0xb5: {  	_ =	strace $0x9000004E  }
0xb6: {  	_ =	sfence  }
0xb7: {  	s30 =	sld [smem:$0x0];
	_ =	sdelay $0x2  }
0xb8: {  	s31 =	sshll.u32 s1, $0xD;
	s1 =	sshrl.u32 s1, $0x2  }
0xb9: {  	s3 =	sand.u32 $0x4000, s31;
	s1 =	sadd.s32 s1, s30  }
0xba: {  	s0 =	sor.u32 s3, s0;
	s1 =	sshll.u32 s1, $0x11  }
0xbb: {  	s0 =	sor.u32 s1, s0  }
0xbc: {  	s0 =	sadd.s32 $0x8F2B, s0  }
0xbd: {  	[sflag:s0] =	ssyncadd.remote.s32 $0x1  }
0xbe: {  	_ =	sfence.sel $0xFFFF  }
0xbf: {  	[dreg:$0x0] =	wrdreg $0xFFFFFFFF;
	(pc) =	sbr.abs _section_cstart, $3  }
0xc0: {  	[dreg:$0x1] =	wrdreg $0xFFFFFFFF  }
0xc1: {  	_ =	task.clear_ibuf [dreg:s6], $0x2FFFF;
	_ =	strace $0x9FFFFFFF  }
0xc2: {  	(tm) =	ssettm $0x7FFFFFFF  }
0xc3: {  	_ =	shalt  }
tec
execute0_lowered:
.L_overlay_start_1:
0x0: {  	(tag) =	ssettag $0x1  }
0x1: {  	s0 =	srdreg.scid  }
0x2: {  	s17 =	stileid.u32;
	s24 =	rddreg [dreg:$0x0]  }
0x3: {  	s4 =	simm.s32 $0x0;
	s1 =	sand.u32 $0x1, s0;
	s5 =	smul.u32 $0x5000, s17  }
0x4: {  	s22 =	simm.s32 $0x800;
	[smem:$0x7FF] =	sst s4;
	s2 =	sshll.u32 s1, $0x4  }
0x5: {  	s19 =	sadd.s32 $0xB640, s24;
	s2 =	sor.u32 s17, s2;
	s20 =	sshrl.u32 s5, $0x3  }
0x6: {  	s3 =	smul.u32 $0x4E2, s2;
	s2 =	rddreg [dreg:$0x1];
	s7 =	sadd.s32 s20, s24  }
0x7: {  	_ =	strace $0x8000004D;
	[dreg:$0x6] =	wrdreg s22;
	s18 =	sadd.s32 $0x1F400, s7  }
0x8: {  	s6 =	sadd.s32 s3, s24;
	[dreg:$0x4] =	wrdreg s18;
	s3 =	sadd.s32 s3, s19  }
0x9: {  	s6 =	sadd.s32 $0x1A00, s6;
	[dreg:$0x5] =	wrdreg s3  }
0xa: {  	[dreg:$0x3] =	wrdreg s6  }
0xb: {  	s3 =	simm.s32 $0x3;
	s21 =	rddreg [dreg:$0x3]  }
0xc: {  	[tilespmem:s4], [sflag:$0x3] =	stream.linear.gather [hbm4b:s21+s4], $0x2710, $0x38;
	[tilespmem:$0x1A000] =	vst v63  }
0xd: {  	_ =	swait.ge [sflag:s3], $0x2710  }
0xe: {  	v14 =	vlaneseq.u32;
	[sflag:s3] =	ssyncset.done $0x0  }
0xf: {  	v0 =	vor.u32 $0x27F0, v14;
	[sflag:s3] =	ssyncadd.s32 $0xFFFFD8F0  }
0x10: {  	v1 =	vor.u32 $0x27E0, v14;
	[tilespmem:$0x27F0] =	vst v0  }
0x11: {  	v2 =	vor.u32 $0x27D0, v14;
	[tilespmem:$0x27E0] =	vst v1  }
0x12: {  	v3 =	vor.u32 $0x27C0, v14;
	[tilespmem:$0x27D0] =	vst v2  }
0x13: {  	v4 =	vor.u32 $0x27B0, v14;
	[tilespmem:$0x27C0] =	vst v3  }
0x14: {  	v5 =	vor.u32 $0x27A0, v14;
	[tilespmem:$0x27B0] =	vst v4  }
0x15: {  	v6 =	vor.u32 $0x2790, v14;
	[tilespmem:$0x27A0] =	vst v5  }
0x16: {  	v7 =	vor.u32 $0x2780, v14;
	[tilespmem:$0x2790] =	vst v6  }
0x17: {  	v8 =	vor.u32 $0x2770, v14;
	[tilespmem:$0x2780] =	vst v7  }
0x18: {  	v9 =	vor.u32 $0x2760, v14;
	[tilespmem:$0x2770] =	vst v8  }
0x19: {  	v10 =	vor.u32 $0x2750, v14;
	[tilespmem:$0x2760] =	vst v9  }
0x1a: {  	v11 =	vor.u32 $0x2740, v14;
	[tilespmem:$0x2750] =	vst v10  }
0x1b: {  	v12 =	vor.u32 $0x2730, v14;
	[tilespmem:$0x2740] =	vst v11  }
0x1c: {  	v13 =	vor.u32 $0x2710, v14;
	[tilespmem:$0x2730] =	vst v12  }
0x1d: {  	v14 =	vor.u32 $0x2720, v14;
	[tilespmem:$0x2710] =	vst v13  }
0x1e: {  	s7 =	simm.s32 $0x2800;
	s23 =	rddreg [dreg:$0x5];
	[tilespmem:$0x2720] =	vst v14  }
0x1f: {  	[tilespmem:s7], [sflag:$0x3] =	stream.linear.gather [hbm4b:s23+s4], $0x2710, $0x38;
	[tilespmem:$0x1A000] =	vst v63  }
0x20: {  	_ =	swait.ge [sflag:s3], $0x2710  }
0x21: {  	[sflag:s3] =	ssyncset.done $0x0  }
0x22: {  	[sflag:s3] =	ssyncadd.s32 $0xFFFFD8F0  }
0x23: {  	[tilespmem:$0x4F10] =	vst v13  }
0x24: {  	[tilespmem:$0x4FF0] =	vst v0  }
0x25: {  	[tilespmem:$0x4FE0] =	vst v1  }
0x26: {  	[tilespmem:$0x4F80] =	vst v7  }
0x27: {  	[tilespmem:$0x4F50] =	vst v10  }
0x28: {  	[tilespmem:$0x4F60] =	vst v9  }
0x29: {  	[tilespmem:$0x4F70] =	vst v8  }
0x2a: {  	[tilespmem:$0x4F90] =	vst v6  }
0x2b: {  	[tilespmem:$0x4FA0] =	vst v5  }
0x2c: {  	[tilespmem:$0x4FB0] =	vst v4  }
0x2d: {  	[tilespmem:$0x4FC0] =	vst v3  }
0x2e: {  	[tilespmem:$0x4FD0] =	vst v2  }
0x2f: {  	[tilespmem:$0x4F30] =	vst v12  }
0x30: {  	s26 =	sshll.u32 s17, $0x6;
	s25 =	sadd.s32 s5, s2;
	[tilespmem:$0x4F20] =	vst v14  }
0x31: {  	s5 =	sor.u32 $0x1C03, s26;
	s6 =	sshrl.u32 s25, $0x3;
	s8 =	rddreg [dreg:$0x4];
	[tilespmem:$0x4F40] =	vst v11  }
0x32: {  	[spmem:s6], [sflag:s5] =	dma.local [hbm:s8], $0xA00  }
0x33: {  	_ =	swait.ge [sflag:s3], $0xA00  }
0x34: {  	[sflag:s3] =	ssyncset.done $0x0  }
0x35: {  	s10 =	simm.s32 $0x5000;
	[sflag:s3] =	ssyncadd.s32 $0xFFFFF600  }
0x36: {  	s11 =	sadd.s32 $0x15400, s24;
	s8 =	simm.s32 $0x400;
	[bflag:$0x0] =	sbarrier.arrive $0xFFFF  }
0x37: {  	[tilespmem:s10], [sflag:$0x1] =	stream.indirect.gather [hbm4b:s11+s8], $0x20, s4, s8, $0xb8;
	[tilespmem:$0x1A000] =	vst v63  }
0x38: {  	s9 =	simm.s32 $0xD000;
	s12 =	simm.s32 $0x1  }
0x39: {  	[tilespmem:s9], [sflag:$0x2] =	stream.indirect.gather [hbm4b:s11+s8], $0x20, s8, s8, $0xb8;
	[tilespmem:$0x1A000] =	vst v63  }
0x3a: {  	_ =	swait.ge [sflag:s12], $0x8000  }
0x3b: {  	[sflag:s12] =	ssyncset.done $0x0  }
0x3c: {  	[sflag:s12] =	ssyncadd.s32 $0xFFFF8000  }
0x3d: {  	[spmem:s2] =	stream.indirect.scatter.add.f32 [tilespmem:s10], [sflag:$0x3], $0x20, s7, s8, $0xb8;
	[tilespmem:$0x1A000] =	vst v63  }
0x3e: {  	_ =	swait.ge [sflag:s3], $0x8000  }
0x3f: {  	[sflag:s3] =	ssyncset.done $0x0  }
0x40: {  	s13 =	simm.s32 $0x2;
	s14 =	rddreg [dreg:$0x6];
	[sflag:s3] =	ssyncadd.s32 $0xFFFF8000  }
0x41: {  	[tilespmem:s10], [sflag:$0x1] =	stream.indirect.gather [hbm4b:s11+s8], $0x20, s14, s8, $0xb8;
	[tilespmem:$0x1A000] =	vst v63  }
0x42: {  	_ =	swait.ge [sflag:s13], $0x8000  }
0x43: {  	[sflag:s13] =	ssyncset.done $0x0  }
0x44: {  	s14 =	simm.s32 $0x2C00;
	[sflag:s13] =	ssyncadd.s32 $0xFFFF8000  }
0x45: {  	[spmem:s2] =	stream.indirect.scatter.add.f32 [tilespmem:s9], [sflag:$0x3], $0x20, s14, s8, $0xb8;
	[tilespmem:$0x1A000] =	vst v63  }
0x46: {  	_ =	swait.ge [sflag:s3], $0x8000  }
0x47: {  	[sflag:s3] =	ssyncset.done $0x0  }
0x48: {  	s15 =	simm.s32 $0xC00;
	[sflag:s3] =	ssyncadd.s32 $0xFFFF8000  }
0x49: {  	[tilespmem:s9], [sflag:$0x2] =	stream.indirect.gather [hbm4b:s11+s8], $0x20, s15, s8, $0xb8;
	[tilespmem:$0x1A000] =	vst v63  }
0x4a: {  	_ =	swait.ge [sflag:s12], $0x8000  }
0x4b: {  	[sflag:s12] =	ssyncset.done $0x0  }
0x4c: {  	s16 =	simm.s32 $0x3000;
	[sflag:s12] =	ssyncadd.s32 $0xFFFF8000  }
0x4d: {  	[spmem:s2] =	stream.indirect.scatter.add.f32 [tilespmem:s10], [sflag:$0x3], $0x20, s16, s8, $0xb8;
	[tilespmem:$0x1A000] =	vst v63  }
0x4e: {  	_ =	swait.ge [sflag:s3], $0x8000  }
0x4f: {  	[sflag:s3] =	ssyncset.done $0x0  }
0x50: {  	s17 =	simm.s32 $0x1000;
	[sflag:s3] =	ssyncadd.s32 $0xFFFF8000  }
0x51: {  	[tilespmem:s10], [sflag:$0x1] =	stream.indirect.gather [hbm4b:s11+s8], $0x20, s17, s8, $0xb8;
	[tilespmem:$0x1A000] =	vst v63  }
0x52: {  	_ =	swait.ge [sflag:s13], $0x8000  }
0x53: {  	[sflag:s13] =	ssyncset.done $0x0  }
0x54: {  	s18 =	simm.s32 $0x3400;
	[sflag:s13] =	ssyncadd.s32 $0xFFFF8000  }
0x55: {  	[spmem:s2] =	stream.indirect.scatter.add.f32 [tilespmem:s9], [sflag:$0x3], $0x20, s18, s8, $0xb8;
	[tilespmem:$0x1A000] =	vst v63  }
0x56: {  	_ =	swait.ge [sflag:s3], $0x8000  }
0x57: {  	[sflag:s3] =	ssyncset.done $0x0  }
0x58: {  	s19 =	simm.s32 $0x1400;
	[sflag:s3] =	ssyncadd.s32 $0xFFFF8000  }
0x59: {  	[tilespmem:s9], [sflag:$0x2] =	stream.indirect.gather [hbm4b:s11+s8], $0x20, s19, s8, $0xb8;
	[tilespmem:$0x1A000] =	vst v63  }
0x5a: {  	_ =	swait.ge [sflag:s12], $0x8000  }
0x5b: {  	[sflag:s12] =	ssyncset.done $0x0  }
0x5c: {  	s21 =	simm.s32 $0x3800;
	[sflag:s12] =	ssyncadd.s32 $0xFFFF8000  }
0x5d: {  	[spmem:s2] =	stream.indirect.scatter.add.f32 [tilespmem:s10], [sflag:$0x3], $0x20, s21, s8, $0xb8;
	[tilespmem:$0x1A000] =	vst v63  }
0x5e: {  	_ =	swait.ge [sflag:s3], $0x8000  }
0x5f: {  	[sflag:s3] =	ssyncset.done $0x0  }
0x60: {  	s22 =	simm.s32 $0x1800;
	[sflag:s3] =	ssyncadd.s32 $0xFFFF8000  }
0x61: {  	[tilespmem:s10], [sflag:$0x1] =	stream.indirect.gather [hbm4b:s11+s8], $0x20, s22, s8, $0xb8;
	[tilespmem:$0x1A000] =	vst v63  }
0x62: {  	_ =	swait.ge [sflag:s13], $0x8000  }
0x63: {  	s25 =	smul.u32 $0xA000, s1;
	[sflag:s13] =	ssyncset.done $0x0  }
0x64: {  	s1 =	ssub.s32 $0x2, s1;
	s23 =	simm.s32 $0x3C00;
	[sflag:s13] =	ssyncadd.s32 $0xFFFF8000  }
0x65: {  	[spmem:s2] =	stream.indirect.scatter.add.f32 [tilespmem:s9], [sflag:$0x3], $0x20, s23, s8, $0xb8;
	[tilespmem:$0x1A000] =	vst v63  }
0x66: {  	s29 =	simm.s32 $0x4000;
	s26 =	sshrl.u32 s1, $0x1;
	_ =	swait.ge [sflag:s3], $0x8000  }
0x67: {  	s24 =	sadd.s32 s25, s24;
	s1 =	ssub.s32 s1, s26;
	[sflag:s3] =	ssyncset.done $0x0  }
0x68: {  	s25 =	simm.s32 $0x1C00;
	s1 =	smax.u32 s1, $0x1;
	[sflag:s3] =	ssyncadd.s32 $0xFFFF8000  }
0x69: {  	[tilespmem:s9], [sflag:$0x2] =	stream.indirect.gather [hbm4b:s11+s8], $0x20, s25, s8, $0xb8;
	[tilespmem:$0x1A000] =	vst v63  }
0x6a: {  	s30 =	simm.s32 $0x4400;
	p0 =	sne.s32 s1, $0x1;
	_ =	swait.ge [sflag:s12], $0x8000  }
.Ltmp0:
0x6b: {  	s28 =	simm.s32 $0x2400;
	[sflag:s12] =	ssyncset.done $0x0;
	(pc) =	sbr.rel @!p0 .LBB2_2-.Ltmp0, $4  }
0x6c: {  	s26 =	simm.s32 $0x4800;
	s24 =	sadd.s32 $0x29400, s24;
	[sflag:s12] =	ssyncadd.s32 $0xFFFF8000  }
0x6d: {  	[spmem:s2] =	stream.indirect.scatter.add.f32 [tilespmem:s10], [sflag:$0x3], $0x20, s29, s8, $0xb8;
	[tilespmem:$0x1A000] =	vst v63  }
0x6e: {  	s20 =	sadd.s32 s20, s24;
	s31 =	sadd.s32 $0xFFFFFFFF, s1;
	_ =	swait.ge [sflag:s3], $0x8000  }
0x6f: {  	s1 =	simm.s32 $0x2000;
	s24 =	simm.s32 $0x4C00;
	[sflag:s3] =	ssyncset.done $0x0  }
.LBB2_1:
0x70: {  	[sflag:s3] =	ssyncadd.s32 $0xFFFF8000  }
0x71: {  	[tilespmem:s10], [sflag:$0x1] =	stream.indirect.gather [hbm4b:s11+s8], $0x20, s1, s8, $0xb8;
	[tilespmem:$0x1A000] =	vst v63  }
0x72: {  	_ =	swait.ge [sflag:s13], $0x8000  }
0x73: {  	[sflag:s13] =	ssyncset.done $0x0  }
0x74: {  	[sflag:s13] =	ssyncadd.s32 $0xFFFF8000  }
0x75: {  	[spmem:s2] =	stream.indirect.scatter.add.f32 [tilespmem:s9], [sflag:$0x3], $0x20, s30, s8, $0xb8;
	[tilespmem:$0x1A000] =	vst v63  }
0x76: {  	_ =	swait.ge [sflag:s3], $0x8000  }
0x77: {  	[sflag:s3] =	ssyncset.done $0x0  }
0x78: {  	[sflag:s3] =	ssyncadd.s32 $0xFFFF8000  }
0x79: {  	[tilespmem:s9], [sflag:$0x2] =	stream.indirect.gather [hbm4b:s11+s8], $0x20, s28, s8, $0xb8;
	[tilespmem:$0x1A000] =	vst v63  }
0x7a: {  	_ =	swait.ge [sflag:s12], $0x8000  }
0x7b: {  	[sflag:s12] =	ssyncset.done $0x0  }
0x7c: {  	[sflag:s12] =	ssyncadd.s32 $0xFFFF8000  }
0x7d: {  	[spmem:s2] =	stream.indirect.scatter.add.f32 [tilespmem:s10], [sflag:$0x3], $0x20, s26, s8, $0xb8;
	[tilespmem:$0x1A000] =	vst v63  }
0x7e: {  	_ =	swait.ge [sflag:s3], $0x8000  }
0x7f: {  	[sflag:s3] =	ssyncset.done $0x0  }
0x80: {  	[sflag:s3] =	ssyncadd.s32 $0xFFFF8000  }
0x81: {  	_ =	swait.ge [sflag:s13], $0x8000  }
0x82: {  	[sflag:s13] =	ssyncset.done $0x0  }
0x83: {  	[sflag:s13] =	ssyncadd.s32 $0xFFFF8000  }
0x84: {  	[spmem:s2] =	stream.indirect.scatter.add.f32 [tilespmem:s9], [sflag:$0x3], $0x20, s24, s8, $0xb8;
	[tilespmem:$0x1A000] =	vst v63  }
0x85: {  	_ =	swait.ge [sflag:s3], $0x8000  }
0x86: {  	[sflag:s3] =	ssyncset.done $0x0  }
0x87: {  	[sflag:s3] =	ssyncadd.s32 $0xFFFF8000  }
0x88: {  	[bflag:$0x0] =	sbarrier.arrive $0xFFFF  }
0x89: {  	[hbm:s20], [sflag:s5] =	dma.local [spmem:s6], $0xA00  }
0x8a: {  	_ =	swait.ge [sflag:s3], $0xA00  }
0x8b: {  	[sflag:s3] =	ssyncset.done $0x0  }
0x8c: {  	s0 =	rddreg [dreg:$0x3];
	[sflag:s3] =	ssyncadd.s32 $0xFFFFF600  }
0x8d: {  	[tilespmem:s4], [sflag:$0x3] =	stream.linear.gather [hbm4b:s0+s4], $0x2710, $0x38;
	[tilespmem:$0x1A000] =	vst v63  }
0x8e: {  	_ =	swait.ge [sflag:s3], $0x2710  }
0x8f: {  	[sflag:s3] =	ssyncset.done $0x0  }
0x90: {  	[sflag:s3] =	ssyncadd.s32 $0xFFFFD8F0  }
0x91: {  	[tilespmem:$0x27F0] =	vst v0  }
0x92: {  	[tilespmem:$0x27E0] =	vst v1  }
0x93: {  	[tilespmem:$0x27D0] =	vst v2  }
0x94: {  	[tilespmem:$0x27C0] =	vst v3  }
0x95: {  	[tilespmem:$0x27B0] =	vst v4  }
0x96: {  	[tilespmem:$0x27A0] =	vst v5  }
0x97: {  	[tilespmem:$0x2790] =	vst v6  }
0x98: {  	[tilespmem:$0x2780] =	vst v7  }
0x99: {  	[tilespmem:$0x2770] =	vst v8  }
0x9a: {  	[tilespmem:$0x2760] =	vst v9  }
0x9b: {  	[tilespmem:$0x2750] =	vst v10  }
0x9c: {  	[tilespmem:$0x2740] =	vst v11  }
0x9d: {  	[tilespmem:$0x2730] =	vst v12  }
0x9e: {  	[tilespmem:$0x2710] =	vst v13  }
0x9f: {  	s0 =	rddreg [dreg:$0x5];
	[tilespmem:$0x2720] =	vst v14  }
0xa0: {  	[tilespmem:s7], [sflag:$0x3] =	stream.linear.gather [hbm4b:s0+s4], $0x2710, $0x38;
	[tilespmem:$0x1A000] =	vst v63  }
0xa1: {  	_ =	swait.ge [sflag:s3], $0x2710  }
0xa2: {  	[sflag:s3] =	ssyncset.done $0x0  }
0xa3: {  	[sflag:s3] =	ssyncadd.s32 $0xFFFFD8F0  }
0xa4: {  	[tilespmem:$0x4F10] =	vst v13  }
0xa5: {  	[tilespmem:$0x4FF0] =	vst v0  }
0xa6: {  	[tilespmem:$0x4FE0] =	vst v1  }
0xa7: {  	[tilespmem:$0x4F80] =	vst v7  }
0xa8: {  	[tilespmem:$0x4F50] =	vst v10  }
0xa9: {  	[tilespmem:$0x4F60] =	vst v9  }
0xaa: {  	[tilespmem:$0x4F70] =	vst v8  }
0xab: {  	[tilespmem:$0x4F90] =	vst v6  }
0xac: {  	[tilespmem:$0x4FA0] =	vst v5  }
0xad: {  	[tilespmem:$0x4FB0] =	vst v4  }
0xae: {  	[tilespmem:$0x4FC0] =	vst v3  }
0xaf: {  	[tilespmem:$0x4FD0] =	vst v2  }
0xb0: {  	[tilespmem:$0x4F30] =	vst v12  }
0xb1: {  	[tilespmem:$0x4F20] =	vst v14  }
0xb2: {  	s0 =	rddreg [dreg:$0x4];
	[tilespmem:$0x4F40] =	vst v11  }
0xb3: {  	[spmem:s6], [sflag:s5] =	dma.local [hbm:s0], $0xA00  }
0xb4: {  	_ =	swait.ge [sflag:s3], $0xA00  }
0xb5: {  	[sflag:s3] =	ssyncset.done $0x0  }
0xb6: {  	[sflag:s3] =	ssyncadd.s32 $0xFFFFF600  }
0xb7: {  	[bflag:$0x0] =	sbarrier.arrive $0xFFFF  }
0xb8: {  	[tilespmem:s10], [sflag:$0x1] =	stream.indirect.gather [hbm4b:s11+s8], $0x20, s4, s8, $0xb8;
	[tilespmem:$0x1A000] =	vst v63  }
0xb9: {  	_ = 	snop  }
0xba: {  	[tilespmem:s9], [sflag:$0x2] =	stream.indirect.gather [hbm4b:s11+s8], $0x20, s8, s8, $0xb8;
	[tilespmem:$0x1A000] =	vst v63  }
0xbb: {  	_ =	swait.ge [sflag:s12], $0x8000  }
0xbc: {  	[sflag:s12] =	ssyncset.done $0x0  }
0xbd: {  	[sflag:s12] =	ssyncadd.s32 $0xFFFF8000  }
0xbe: {  	[spmem:s2] =	stream.indirect.scatter.add.f32 [tilespmem:s10], [sflag:$0x3], $0x20, s7, s8, $0xb8;
	[tilespmem:$0x1A000] =	vst v63  }
0xbf: {  	_ =	swait.ge [sflag:s3], $0x8000  }
0xc0: {  	[sflag:s3] =	ssyncset.done $0x0  }
0xc1: {  	s0 =	rddreg [dreg:$0x6];
	[sflag:s3] =	ssyncadd.s32 $0xFFFF8000  }
0xc2: {  	[tilespmem:s10], [sflag:$0x1] =	stream.indirect.gather [hbm4b:s11+s8], $0x20, s0, s8, $0xb8;
	[tilespmem:$0x1A000] =	vst v63  }
0xc3: {  	_ =	swait.ge [sflag:s13], $0x8000  }
0xc4: {  	[sflag:s13] =	ssyncset.done $0x0  }
0xc5: {  	[sflag:s13] =	ssyncadd.s32 $0xFFFF8000  }
0xc6: {  	[spmem:s2] =	stream.indirect.scatter.add.f32 [tilespmem:s9], [sflag:$0x3], $0x20, s14, s8, $0xb8;
	[tilespmem:$0x1A000] =	vst v63  }
0xc7: {  	_ =	swait.ge [sflag:s3], $0x8000  }
0xc8: {  	[sflag:s3] =	ssyncset.done $0x0  }
0xc9: {  	[sflag:s3] =	ssyncadd.s32 $0xFFFF8000  }
0xca: {  	[tilespmem:s9], [sflag:$0x2] =	stream.indirect.gather [hbm4b:s11+s8], $0x20, s15, s8, $0xb8;
	[tilespmem:$0x1A000] =	vst v63  }
0xcb: {  	_ =	swait.ge [sflag:s12], $0x8000  }
0xcc: {  	[sflag:s12] =	ssyncset.done $0x0  }
0xcd: {  	[sflag:s12] =	ssyncadd.s32 $0xFFFF8000  }
0xce: {  	[spmem:s2] =	stream.indirect.scatter.add.f32 [tilespmem:s10], [sflag:$0x3], $0x20, s16, s8, $0xb8;
	[tilespmem:$0x1A000] =	vst v63  }
0xcf: {  	_ =	swait.ge [sflag:s3], $0x8000  }
0xd0: {  	[sflag:s3] =	ssyncset.done $0x0  }
0xd1: {  	[sflag:s3] =	ssyncadd.s32 $0xFFFF8000  }
0xd2: {  	[tilespmem:s10], [sflag:$0x1] =	stream.indirect.gather [hbm4b:s11+s8], $0x20, s17, s8, $0xb8;
	[tilespmem:$0x1A000] =	vst v63  }
0xd3: {  	_ =	swait.ge [sflag:s13], $0x8000  }
0xd4: {  	[sflag:s13] =	ssyncset.done $0x0  }
0xd5: {  	[sflag:s13] =	ssyncadd.s32 $0xFFFF8000  }
0xd6: {  	[spmem:s2] =	stream.indirect.scatter.add.f32 [tilespmem:s9], [sflag:$0x3], $0x20, s18, s8, $0xb8;
	[tilespmem:$0x1A000] =	vst v63  }
0xd7: {  	_ =	swait.ge [sflag:s3], $0x8000  }
0xd8: {  	[sflag:s3] =	ssyncset.done $0x0  }
0xd9: {  	[sflag:s3] =	ssyncadd.s32 $0xFFFF8000  }
0xda: {  	[tilespmem:s9], [sflag:$0x2] =	stream.indirect.gather [hbm4b:s11+s8], $0x20, s19, s8, $0xb8;
	[tilespmem:$0x1A000] =	vst v63  }
0xdb: {  	_ =	swait.ge [sflag:s12], $0x8000  }
0xdc: {  	[sflag:s12] =	ssyncset.done $0x0  }
0xdd: {  	[sflag:s12] =	ssyncadd.s32 $0xFFFF8000  }
0xde: {  	[spmem:s2] =	stream.indirect.scatter.add.f32 [tilespmem:s10], [sflag:$0x3], $0x20, s21, s8, $0xb8;
	[tilespmem:$0x1A000] =	vst v63  }
0xdf: {  	_ =	swait.ge [sflag:s3], $0x8000  }
0xe0: {  	[sflag:s3] =	ssyncset.done $0x0  }
0xe1: {  	[sflag:s3] =	ssyncadd.s32 $0xFFFF8000  }
0xe2: {  	[tilespmem:s10], [sflag:$0x1] =	stream.indirect.gather [hbm4b:s11+s8], $0x20, s22, s8, $0xb8;
	[tilespmem:$0x1A000] =	vst v63  }
0xe3: {  	_ =	swait.ge [sflag:s13], $0x8000  }
0xe4: {  	[sflag:s13] =	ssyncset.done $0x0  }
0xe5: {  	[sflag:s13] =	ssyncadd.s32 $0xFFFF8000  }
0xe6: {  	[spmem:s2] =	stream.indirect.scatter.add.f32 [tilespmem:s9], [sflag:$0x3], $0x20, s23, s8, $0xb8;
	[tilespmem:$0x1A000] =	vst v63  }
0xe7: {  	_ =	swait.ge [sflag:s3], $0x8000  }
0xe8: {  	[sflag:s3] =	ssyncset.done $0x0  }
0xe9: {  	[sflag:s3] =	ssyncadd.s32 $0xFFFF8000  }
0xea: {  	[tilespmem:s9], [sflag:$0x2] =	stream.indirect.gather [hbm4b:s11+s8], $0x20, s25, s8, $0xb8;
	[tilespmem:$0x1A000] =	vst v63  }
0xeb: {  	p0 =	sne.s32 s31, $0x1;
	_ =	swait.ge [sflag:s12], $0x8000  }
.Ltmp1:
0xec: {  	[sflag:s12] =	ssyncset.done $0x0;
	(pc) =	sbr.rel @p0 .LBB2_1-.Ltmp1, $4  }
0xed: {  	[sflag:s12] =	ssyncadd.s32 $0xFFFF8000  }
0xee: {  	[spmem:s2] =	stream.indirect.scatter.add.f32 [tilespmem:s10], [sflag:$0x3], $0x20, s29, s8, $0xb8;
	[tilespmem:$0x1A000] =	vst v63  }
0xef: {  	_ =	swait.ge [sflag:s3], $0x8000  }
0xf0: {  	s31 =	sadd.s32 $0xFFFFFFFF, s31;
	[sflag:s3] =	ssyncset.done $0x0  }
.LBB2_2:
0xf1: {  	[sflag:s3] =	ssyncadd.s32 $0xFFFF8000  }
0xf2: {  	[tilespmem:s10], [sflag:$0x1] =	stream.indirect.gather [hbm4b:s11+s8], $0x20, s1, s8, $0xb8;
	[tilespmem:$0x1A000] =	vst v63  }
0xf3: {  	_ =	swait.ge [sflag:s13], $0x8000  }
0xf4: {  	[sflag:s13] =	ssyncset.done $0x0  }
0xf5: {  	[sflag:s13] =	ssyncadd.s32 $0xFFFF8000  }
0xf6: {  	[spmem:s2] =	stream.indirect.scatter.add.f32 [tilespmem:s9], [sflag:$0x3], $0x20, s30, s8, $0xb8;
	[tilespmem:$0x1A000] =	vst v63  }
0xf7: {  	_ =	swait.ge [sflag:s3], $0x8000  }
0xf8: {  	[sflag:s3] =	ssyncset.done $0x0  }
0xf9: {  	[sflag:s3] =	ssyncadd.s32 $0xFFFF8000  }
0xfa: {  	[tilespmem:s9], [sflag:$0x2] =	stream.indirect.gather [hbm4b:s11+s8], $0x20, s28, s8, $0xb8;
	[tilespmem:$0x1A000] =	vst v63  }
0xfb: {  	_ =	swait.ge [sflag:s12], $0x8000  }
0xfc: {  	[sflag:s12] =	ssyncset.done $0x0  }
0xfd: {  	[sflag:s12] =	ssyncadd.s32 $0xFFFF8000  }
0xfe: {  	[spmem:s2] =	stream.indirect.scatter.add.f32 [tilespmem:s10], [sflag:$0x3], $0x20, s26, s8, $0xb8;
	[tilespmem:$0x1A000] =	vst v63  }
0xff: {  	_ =	swait.ge [sflag:s3], $0x8000  }
0x100: {  	[sflag:s3] =	ssyncset.done $0x0  }
0x101: {  	[sflag:s3] =	ssyncadd.s32 $0xFFFF8000  }
0x102: {  	_ =	swait.ge [sflag:s13], $0x8000  }
0x103: {  	[sflag:s13] =	ssyncset.done $0x0  }
0x104: {  	[sflag:s13] =	ssyncadd.s32 $0xFFFF8000  }
0x105: {  	[spmem:s2] =	stream.indirect.scatter.add.f32 [tilespmem:s9], [sflag:$0x3], $0x20, s24, s8, $0xb8;
	[tilespmem:$0x1A000] =	vst v63  }
0x106: {  	_ =	swait.ge [sflag:s3], $0x8000  }
0x107: {  	[sflag:s3] =	ssyncset.done $0x0  }
0x108: {  	[sflag:s3] =	ssyncadd.s32 $0xFFFF8000  }
0x109: {  	[bflag:$0x0] =	sbarrier.arrive $0xFFFF  }
0x10a: {  	[hbm:s20], [sflag:s5] =	dma.local [spmem:s6], $0xA00  }
0x10b: {  	_ =	swait.ge [sflag:s3], $0xA00  }
0x10c: {  	[sflag:s3] =	ssyncset.done $0x0  }
0x10d: {  	[sflag:s3] =	ssyncadd.s32 $0xFFFFF600  }
0x10e: {  	_ =	sfence.sel $0x180000  }
0x10f: {  	[bflag:$0x0] =	sbarrier.arrive $0xFFFF  }
0x110: {  	_ =	strace $0x9000004D  }
0x111: {  	s0 =	stileid.u32;
	[bflag:$0x2] =	sbarrier.arrive $0xFFFF  }
0x112: {  	p0 =	sne.s32 s0, $0x0;
	s0 =	rddreg [dreg:$0x2]  }
0x113: {  	s0 =	sadd.s32 @!p0 $0x100000, s0  }
0x114: {  	[sflag:s0] =	ssyncadd.tile.s32 @!p0 $0x1;
	_ =	shalt  }
.Lfunc_end2:
_tile_overlayer_lowered:
.L_overlay_start_2:
0x115: {  	(tag) =	ssettag $0x2  }
0x116: {  	s0 =	rddreg [dreg:$0x0];
	s2 =	stileid.u32  }
0x117: {  	s1 =	rddreg [dreg:$0x1];
	p0 =	sne.s32 s2, $0x0  }
0x118: {  	s3 =	rddreg [dreg:$0x2];
	[bflag:$0x3] =	sbarrier.arrive $0xFFFF;
	s2 =	simm.s32 @!p0 $0x1C03  }
0x119: {  	[timem:s3], [sflag:s2] =	dma.local @!p0 [hbm:s0], s1  }
0x11a: {  	s0 =	simm.s32 @!p0 $0x3  }
0x11b: {  	_ =	swait.ge @!p0 [sflag:s0], s1  }
0x11c: {  	s1 =	ssub.s32 @!p0 $0x0, s1;
	[sflag:s0] =	ssyncset.done @!p0 $0x0  }
0x11d: {  	[sflag:s0] =	ssyncadd.s32 @!p0 s1  }
0x11e: {  	[bflag:$0x3] =	sbarrier.arrive $0xFFFF  }
0x11f: {  	_ =	shalt  }

// kernel: kernel.9.cloned.1.call-start
scs
__scs_entry_jumppad:
0x0: {  	(pc) =	sbr.rel $0x88, $3  }
0x1: {  	(tag) =	ssettag $0x0;
	lr =	simm.s32 $0x1  }
0x2: {  	[smem:$0x3F99] =	sst lr;
	_ =	strace $0xD0000000  }
0x3: {  	_ = 	snop  }
0x4: {  	_ = 	snop  }
0x5: {  	_ = 	snop  }
0x6: {  	_ = 	snop  }
0x7: {  	_ = 	snop  }
__scs_overlays_trampoline_lowered:
0x8: {  	[smem:$0x3FA8] =	sst s0  }
0x9: {  	[smem:$0x3FA9] =	sst s1  }
0xa: {  	[smem:$0x3FAA] =	sst s2  }
0xb: {  	[smem:$0x3FAB] =	sst s3  }
0xc: {  	[smem:$0x3FAC] =	sst s4  }
0xd: {  	[smem:$0x3FAD] =	sst s5  }
0xe: {  	[smem:$0x3FAE] =	sst s6  }
0xf: {  	[smem:$0x3FAF] =	sst s7  }
0x10: {  	[smem:$0x3FB0] =	sst s8  }
0x11: {  	[smem:$0x3FB1] =	sst s9;
	s0 =	simm.s32 @!p0 $0x0  }
0x12: {  	s1 =	sld [smem:$0x3F97];
	s0 =	simm.s32 @p0 $0x1  }
0x13: {  	[smem:$0x3FB2] =	sst s0;
	s0 =	simm.s32 @!p1 $0x0  }
0x14: {  	s2 =	sld [smem:$0x3F96];
	s0 =	simm.s32 @p1 $0x1  }
0x15: {  	[smem:$0x3FB3] =	sst s0;
	s0 =	simm.s32 @!p2 $0x0  }
0x16: {  	s3 =	sld [smem:$0x3FDB];
	s0 =	simm.s32 @p2 $0x1  }
0x17: {  	s4 =	simm.s32 $0x1BF5;
	[smem:$0x3FB5] =	sst s0  }
0x18: {  	s0 =	sld [smem:$0x3F98];
	_ =	swait.ge [sflag:s4], $0x0  }
0x19: {  	s7 =	sld [smem:$0x3F99]  }
0x1a: {  	s8 =	sadd.s32 $0xFFFFE003, lr  }
0x1b: {  	s9 =	sadd.s32 $0xFFFFFEF7, lr;
	s5 =	simm.s32 $0xFFFFFFFF;
	p2 =	slt.u32 s8, $0xFFFFF086  }
0x1c: {  	p1 =	slt.u32 s9, $0xF7A;
	s5 =	simm.s32 @!p2 $0x0  }
0x1d: {  	s5 =	simm.s32 @p1 $0x1;
	p0 =	seq.s32 s7, s2  }
0x1e: {  	s7 =	smul.u32 @!p0 $0xF7A, s2;
	p2 =	seq.s32 @!p0 s5, $0x0  }
0x1f: {  	s9 =	smul.u32 $0xF7A, s1;
	s8 =	simm.s32 @!p0 $0x1BF5;
	p2 =	por !p2, p0  }
0x20: {  	[sflag:s8] =	ssyncset.s32 @!p0 $0xFFFFF086;
	s6 =	sadd.s32 @!p0 s3, s7;
	s7 =	simm.s32 @!p0 $0x108  }
0x21: {  	s3 =	sadd.s32 s3, s9;
	s6 =	sadd.s32 @!p0 $0x88, s6;
	s7 =	simm.s32 @p2 $0x1082  }
0x22: {  	[simem:s7], [sflag:s8] =	dma.local @!p0 [hbm:s6], $0xF7A  }
0x23: {  	s9 =	sor.u32 $0xD0000000, s2;
	s6 =	simm.s32 $0x108;
	_ =	swait.ge @!p0 [sflag:s8], $0x0  }
0x24: {  	s3 =	sadd.s32 $0x88, s3;
	s6 =	simm.s32 @!p1 $0x1082;
	[sflag:s4] =	ssyncset.s32 $0xFFFFF086  }
0x25: {  	[simem:s6], [sflag:s4] =	dma.local [hbm:s3], $0xF7A  }
0x26: {  	[smem:$0x3F99] =	sst s1;
	(tag) =	ssettag s2;
	_ =	strace s9  }
0x27: {  	s1 =	sld [smem:$0x3FA9]  }
0x28: {  	s2 =	sld [smem:$0x3FAA]  }
0x29: {  	s4 =	sld [smem:$0x3FAC]  }
0x2a: {  	p0 =	seq.s32 s5, $0x0;
	s5 =	sld [smem:$0x3FAD]  }
0x2b: {  	s6 =	sld [smem:$0x3FAE]  }
0x2c: {  	s7 =	sld [smem:$0x3FAF]  }
0x2d: {  	s3 =	simm.s32 $0x108;
	s8 =	sld [smem:$0x3FB0]  }
0x2e: {  	s3 =	simm.s32 @!p0 $0x1082;
	s9 =	sld [smem:$0x3FB1]  }
0x2f: {  	lr =	sadd.s32 s0, s3;
	s0 =	sld [smem:$0x3FA8]  }
0x30: {  	s3 =	sld [smem:$0x3FAB]  }
0x31: {  	[smem:$0x3FB4] =	sst s10  }
0x32: {  	s10 =	sld [smem:$0x3FB2];
	_ =	sdelay $0x3  }
0x33: {  	p0 =	seq.s32 s10, $0x1;
	s10 =	sld [smem:$0x3FB4];
	_ =	sdelay $0x3  }
0x34: {  	[smem:$0x3FB4] =	sst s10  }
0x35: {  	s10 =	sld [smem:$0x3FB3];
	_ =	sdelay $0x3  }
0x36: {  	p1 =	seq.s32 s10, $0x1;
	s10 =	sld [smem:$0x3FB4];
	_ =	sdelay $0x3  }
0x37: {  	[smem:$0x3FB4] =	sst s10  }
0x38: {  	s10 =	sld [smem:$0x3FB5]  }
0x39: {  	_ = 	snop;
	(pc) =	sbr.ind lr, $3  }
0x3a: {  	_ = 	snop  }
0x3b: {  	_ = 	snop  }
0x3c: {  	p2 =	seq.s32 s10, $0x1;
	s10 =	sld [smem:$0x3FB4]  }
0x3d: {  	_ =	shalt  }
0x3e: {  	_ =	shalt  }
0x3f: {  	_ =	shalt  }
0x40: {  	_ =	shalt  }
0x41: {  	_ =	shalt  }
0x42: {  	_ =	shalt  }
0x43: {  	_ =	shalt  }
0x44: {  	_ =	shalt  }
0x45: {  	_ =	shalt  }
0x46: {  	_ =	shalt  }
0x47: {  	_ =	shalt  }
0x48: {  	_ =	shalt  }
0x49: {  	_ =	shalt  }
0x4a: {  	_ =	shalt  }
0x4b: {  	_ =	shalt  }
0x4c: {  	_ =	shalt  }
0x4d: {  	_ =	shalt  }
0x4e: {  	_ =	shalt  }
0x4f: {  	_ =	shalt  }
0x50: {  	_ =	shalt  }
0x51: {  	_ =	shalt  }
0x52: {  	_ =	shalt  }
0x53: {  	_ =	shalt  }
0x54: {  	_ =	shalt  }
0x55: {  	_ =	shalt  }
0x56: {  	_ =	shalt  }
0x57: {  	_ =	shalt  }
0x58: {  	_ =	shalt  }
0x59: {  	_ =	shalt  }
0x5a: {  	_ =	shalt  }
0x5b: {  	_ =	shalt  }
0x5c: {  	_ =	shalt  }
0x5d: {  	_ =	shalt  }
0x5e: {  	_ =	shalt  }
0x5f: {  	_ =	shalt  }
0x60: {  	_ =	shalt  }
0x61: {  	_ =	shalt  }
0x62: {  	_ =	shalt  }
0x63: {  	_ =	shalt  }
0x64: {  	_ =	shalt  }
0x65: {  	_ =	shalt  }
0x66: {  	_ =	shalt  }
0x67: {  	_ =	shalt  }
0x68: {  	_ =	shalt  }
0x69: {  	_ =	shalt  }
0x6a: {  	_ =	shalt  }
0x6b: {  	_ =	shalt  }
0x6c: {  	_ =	shalt  }
0x6d: {  	_ =	shalt  }
0x6e: {  	_ =	shalt  }
0x6f: {  	_ =	shalt  }
0x70: {  	_ =	shalt  }
0x71: {  	_ =	shalt  }
0x72: {  	_ =	shalt  }
0x73: {  	_ =	shalt  }
0x74: {  	_ =	shalt  }
0x75: {  	_ =	shalt  }
0x76: {  	_ =	shalt  }
0x77: {  	_ =	shalt  }
0x78: {  	_ =	shalt  }
0x79: {  	_ =	shalt  }
0x7a: {  	_ =	shalt  }
0x7b: {  	_ =	shalt  }
0x7c: {  	_ =	shalt  }
0x7d: {  	_ =	shalt  }
0x7e: {  	_ =	shalt  }
0x7f: {  	_ =	shalt  }
0x80: {  	_ =	shalt  }
0x81: {  	_ =	shalt  }
0x82: {  	_ =	shalt  }
0x83: {  	_ =	shalt  }
0x84: {  	_ =	shalt  }
0x85: {  	_ =	shalt  }
0x86: {  	_ =	shalt  }
0x87: {  	_ =	shalt  }
.Lfunc_end0:
.L_simem_size_0:
called_computation_lowered:
.L_overlay_start_0:
0x88: {  	s2 =	sld [smem:$0x3FD9]  }
0x89: {  	s3 =	sld [smem:$0x3FFE];
	_ =	sdelay $0x1  }
0x8a: {  	s1 =	srdreg.scid  }
0x8b: {  	s0 =	sand.u32 $0x1, s1  }
0x8c: {  	s17 =	sshll.u32 s0, $0xA;
	s2 =	sadd.s32 s3, s2  }
0x8d: {  	s2 =	sadd.s32 s2, s17  }
0x8e: {  	[smem:$0x3FC0] =	sst s2  }
0x8f: {  	_ = 	snop  }
0x90: {  	s2 =	sld [smem:$0x3FD0];
	(tm) =	ssettm $0x1  }
0x91: {  	s18 =	sld [smem:$0x3FFB];
	_ =	sdelay $0x3  }
0x92: {  	_ =	strace s18  }
0x93: {  	s3 =	sld [smem:$0x3FFC];
	_ =	sdelay $0x3  }
0x94: {  	_ =	strace s3  }
0x95: {  	s3 =	sld [smem:$0x3FFD];
	_ =	sdelay $0x3  }
0x96: {  	_ =	strace s3  }
0x97: {  	_ =	strace $0x8FFFFFFF  }
0x98: {  	s19 =	sld [smem:$0x3FDB];
	_ =	sdelay $0x1  }
0x99: {  	s4 =	simm.s32 $_scs_section_size  }
0x9a: {  	s5 =	simm.s32 $_size__tile_overlayer_lowered;
	s6 =	simm.s32 $_tile_overlayer_lowered  }
0x9b: {  	s22 =	simm.s32 $0x1BFF;
	s21 =	sshll.u32 s6, $0x1;
	s3 =	sadd.s32 s4, s19  }
0x9c: {  	s7 =	simm.s32 $0x0;
	s20 =	sshll.u32 s5, $0x1;
	s5 =	sadd.s32 s21, s3  }
0x9d: {  	[timem:s7], [sflag:s22] =	dma.local [hbm:s5], s20  }
0x9e: {  	_ =	swait.ge [sflag:s22], s20  }
0x9f: {  	s4 =	ssub.s32 $0x0, s20;
	[sflag:s22] =	ssyncset.done $0x0  }
0xa0: {  	[sflag:s22] =	ssyncadd.s32 s4;
	_ =	sdelay $0x1  }
0xa1: {  	s23 =	simm.s32 $0x1B8B  }
0xa2: {  	_ =	swait.ge [sflag:s23], $0x1  }
0xa3: {  	[sflag:s23] =	ssyncset.done $0x0  }
0xa4: {  	s25 =	simm.s32 $0x1B8E;
	s24 =	sld [smem:$0x3FFE];
	[sflag:s23] =	ssyncadd.s32 $0xFFFFFFFF  }
0xa5: {  	s26 =	simm.s32 $execute0_lowered;
	[smem:$0x3FD2] =	sst s25  }
0xa6: {  	s5 =	sshll.u32 s26, $0x1;
	_ =	strace $0x80000046;
	[dreg:$0x1] =	wrdreg $0xFFFFFFFF  }
0xa7: {  	s28 =	simm.s32 $_size_execute0_lowered;
	s3 =	sadd.s32 s3, s5;
	[dreg:$0x0] =	wrdreg $0x0  }
0xa8: {  	s5 =	sshll.u32 s28, $0x1;
	[dreg:$0x2] =	wrdreg s3  }
0xa9: {  	[dreg:$0x3] =	wrdreg s5  }
0xaa: {  	[dreg:$0x4] =	wrdreg $0xC0  }
0xab: {  	_ =	task [dreg:s7], $0x5FFFF  }
0xac: {  	[dreg:$0x1] =	wrdreg $0xFFFFFFFF  }
0xad: {  	[dreg:$0x0] =	wrdreg $0x60  }
0xae: {  	[dreg:$0x2] =	wrdreg s24  }
0xaf: {  	[dreg:$0x3] =	wrdreg s2  }
0xb0: {  	[dreg:$0x4] =	wrdreg $0x48000  }
0xb1: {  	[dreg:$0x5] =	wrdreg $0x9  }
0xb2: {  	_ =	task.clear_ibuf [dreg:s7], $0x6FFFF;
	_ =	strace $0x90000046  }
0xb3: {  	s29 =	simm.s32 $0x9;
	_ =	strace $0x80000048  }
0xb4: {  	_ =	swait.ge [sflag:s29], $0x1  }
0xb5: {  	[sflag:s29] =	ssyncadd.s32 $0xFFFFFFFF  }
0xb6: {  	_ =	strace $0x90000048  }
0xb7: {  	_ =	sfence  }
0xb8: {  	s30 =	sld [smem:$0x0];
	_ =	sdelay $0x2  }
0xb9: {  	s31 =	sshll.u32 s1, $0xD;
	s1 =	sshrl.u32 s1, $0x2  }
0xba: {  	s3 =	sand.u32 $0x4000, s31;
	s1 =	sadd.s32 s1, s30  }
0xbb: {  	s0 =	sor.u32 s3, s0;
	s1 =	sshll.u32 s1, $0x11  }
0xbc: {  	s0 =	sor.u32 s1, s0  }
0xbd: {  	s0 =	sadd.s32 $0x8F2B, s0  }
0xbe: {  	[sflag:s0] =	ssyncadd.remote.s32 $0x1  }
0xbf: {  	_ =	sfence.sel $0xFFFF  }
0xc0: {  	[dreg:$0x0] =	wrdreg $0xFFFFFFFF;
	(pc) =	sbr.abs _section_cstart, $3  }
0xc1: {  	[dreg:$0x1] =	wrdreg $0xFFFFFFFF  }
0xc2: {  	_ =	task.clear_ibuf [dreg:s7], $0x2FFFF;
	_ =	strace $0x9FFFFFFF  }
0xc3: {  	(tm) =	ssettm $0x7FFFFFFF  }
tec
execute0_lowered:
.L_overlay_start_1:
0x0: {  	(tag) =	ssettag $0x1  }
0x1: {  	s0 =	srdreg.scid  }
0x2: {  	s22 =	sand.u32 $0x1, s0  }
0x3: {  	s21 =	rddreg [dreg:$0x0];
	s0 =	stileid.u32;
	s1 =	sshll.u32 s22, $0x4  }
0x4: {  	s3 =	rddreg [dreg:$0x1];
	s1 =	sor.u32 s0, s1  }
0x5: {  	s4 =	rddreg [dreg:$0x2];
	s5 =	simm.s32 $0x0;
	s2 =	smul.u32 $0x4E2, s1  }
0x6: {  	[smem:$0x7FF] =	sst s5  }
0x7: {  	s1 =	rddreg [dreg:$0x3];
	s2 =	sadd.s32 s2, s21  }
0x8: {  	_ =	strace $0x80000047;
	s6 =	sadd.s32 $0xB640, s2;
	s2 =	simm.s32 $0x2  }
0x9: {  	[tilespmem:s5], [sflag:$0x2] =	stream.linear.gather [hbm4b:s6+s5], $0x2710, $0x38;
	[tilespmem:$0x5C00] =	vst v63  }
0xa: {  	_ =	swait.ge [sflag:s2], $0x2710  }
0xb: {  	v14 =	vlaneseq.u32;
	[sflag:s2] =	ssyncset.done $0x0  }
0xc: {  	v0 =	vor.u32 $0x27F0, v14;
	[sflag:s2] =	ssyncadd.s32 $0xFFFFD8F0  }
0xd: {  	v1 =	vor.u32 $0x27E0, v14;
	[tilespmem:$0x27F0] =	vst v0  }
0xe: {  	v2 =	vor.u32 $0x27D0, v14;
	[tilespmem:$0x27E0] =	vst v1  }
0xf: {  	v3 =	vor.u32 $0x27C0, v14;
	[tilespmem:$0x27D0] =	vst v2  }
0x10: {  	v4 =	vor.u32 $0x27B0, v14;
	[tilespmem:$0x27C0] =	vst v3  }
0x11: {  	v5 =	vor.u32 $0x27A0, v14;
	[tilespmem:$0x27B0] =	vst v4  }
0x12: {  	v6 =	vor.u32 $0x2790, v14;
	[tilespmem:$0x27A0] =	vst v5  }
0x13: {  	v7 =	vor.u32 $0x2780, v14;
	[tilespmem:$0x2790] =	vst v6  }
0x14: {  	v8 =	vor.u32 $0x2770, v14;
	[tilespmem:$0x2780] =	vst v7  }
0x15: {  	v9 =	vor.u32 $0x2760, v14;
	[tilespmem:$0x2770] =	vst v8  }
0x16: {  	v10 =	vor.u32 $0x2750, v14;
	[tilespmem:$0x2760] =	vst v9  }
0x17: {  	v11 =	vor.u32 $0x2740, v14;
	[tilespmem:$0x2750] =	vst v10  }
0x18: {  	v12 =	vor.u32 $0x2730, v14;
	[tilespmem:$0x2740] =	vst v11  }
0x19: {  	v13 =	vor.u32 $0x2710, v14;
	[tilespmem:$0x2730] =	vst v12  }
0x1a: {  	v14 =	vor.u32 $0x2720, v14;
	[tilespmem:$0x2710] =	vst v13  }
0x1b: {  	s9 =	simm.s32 $0x2800;
	s7 =	smul.u32 $0x1400, s0;
	s30 =	sshll.u32 s0, $0x6;
	[tilespmem:$0x2720] =	vst v14  }
0x1c: {  	[tilespmem:s9], [sflag:$0x2] =	stream.linear.gather [hbm4b:s3+s5], $0x2000, $0x38;
	[tilespmem:$0x5C00] =	vst v63  }
0x1d: {  	s23 =	sshrl.u32 s7, $0x3;
	s11 =	sadd.s32 s7, s4;
	_ =	swait.ge [sflag:s2], $0x2000  }
0x1e: {  	s7 =	sor.u32 $0x1C02, s30;
	s8 =	sadd.s32 s23, s21;
	[sflag:s2] =	ssyncset.done $0x0  }
0x1f: {  	s10 =	sadd.s32 $0x15400, s8;
	s8 =	sshrl.u32 s11, $0x3;
	[sflag:s2] =	ssyncadd.s32 $0xFFFFE000  }
0x20: {  	[spmem:s8], [sflag:s7] =	dma.local [hbm:s10], $0x280  }
0x21: {  	_ =	swait.ge [sflag:s2], $0x280  }
0x22: {  	[sflag:s2] =	ssyncset.done $0x0  }
0x23: {  	[sflag:s2] =	ssyncadd.s32 $0xFFFFFD80  }
0x24: {  	s11 =	simm.s32 $0x400;
	[bflag:$0x0] =	sbarrier.arrive $0xFFFF  }
0x25: {  	[spmem:s4] =	stream.indirect.scatter.add.f32 [tilespmem:s9], [sflag:$0x1], $0x8, s5, s11, $0xb8;
	[tilespmem:$0x5C00] =	vst v63  }
0x26: {  	_ = 	snop  }
0x27: {  	[spmem:s4] =	stream.indirect.scatter.add.f32 [tilespmem:s9], [sflag:$0x1], $0x8, s11, s11, $0xb8;
	[tilespmem:$0x5C00] =	vst v63  }
0x28: {  	s12 =	simm.s32 $0x800  }
0x29: {  	[spmem:s4] =	stream.indirect.scatter.add.f32 [tilespmem:s9], [sflag:$0x1], $0x8, s12, s11, $0xb8;
	[tilespmem:$0x5C00] =	vst v63  }
0x2a: {  	s13 =	simm.s32 $0xC00  }
0x2b: {  	[spmem:s4] =	stream.indirect.scatter.add.f32 [tilespmem:s9], [sflag:$0x1], $0x8, s13, s11, $0xb8;
	[tilespmem:$0x5C00] =	vst v63  }
0x2c: {  	s14 =	simm.s32 $0x1000  }
0x2d: {  	[spmem:s4] =	stream.indirect.scatter.add.f32 [tilespmem:s9], [sflag:$0x1], $0x8, s14, s11, $0xb8;
	[tilespmem:$0x5C00] =	vst v63  }
0x2e: {  	s16 =	simm.s32 $0x1400  }
0x2f: {  	[spmem:s4] =	stream.indirect.scatter.add.f32 [tilespmem:s9], [sflag:$0x1], $0x8, s16, s11, $0xb8;
	[tilespmem:$0x5C00] =	vst v63  }
0x30: {  	s17 =	simm.s32 $0x1800  }
0x31: {  	[spmem:s4] =	stream.indirect.scatter.add.f32 [tilespmem:s9], [sflag:$0x1], $0x8, s17, s11, $0xb8;
	[tilespmem:$0x5C00] =	vst v63  }
0x32: {  	s18 =	simm.s32 $0x1C00  }
0x33: {  	[spmem:s4] =	stream.indirect.scatter.add.f32 [tilespmem:s9], [sflag:$0x1], $0x8, s18, s11, $0xb8;
	[tilespmem:$0x5C00] =	vst v63  }
0x34: {  	s19 =	simm.s32 $0x2000  }
0x35: {  	[spmem:s4] =	stream.indirect.scatter.add.f32 [tilespmem:s9], [sflag:$0x1], $0x8, s19, s11, $0xb8;
	[tilespmem:$0x5C00] =	vst v63  }
0x36: {  	s20 =	simm.s32 $0x2400;
	s15 =	simm.s32 $0x1  }
0x37: {  	[spmem:s4] =	stream.indirect.scatter.add.f32 [tilespmem:s9], [sflag:$0x1], $0x8, s20, s11, $0xb8;
	[tilespmem:$0x5C00] =	vst v63  }
0x38: {  	_ =	swait.ge [sflag:s15], $0x2000  }
0x39: {  	[sflag:s15] =	ssyncset.done $0x0  }
0x3a: {  	[sflag:s15] =	ssyncadd.s32 $0xFFFFE000  }
0x3b: {  	_ =	swait.ge [sflag:s15], $0x2000  }
0x3c: {  	[sflag:s15] =	ssyncset.done $0x0  }
0x3d: {  	[sflag:s15] =	ssyncadd.s32 $0xFFFFE000  }
0x3e: {  	_ =	swait.ge [sflag:s15], $0x2000  }
0x3f: {  	[sflag:s15] =	ssyncset.done $0x0  }
0x40: {  	[sflag:s15] =	ssyncadd.s32 $0xFFFFE000  }
0x41: {  	_ =	swait.ge [sflag:s15], $0x2000  }
0x42: {  	s24 =	ssub.s32 $0x2, s22;
	[sflag:s15] =	ssyncset.done $0x0  }
0x43: {  	s25 =	sshrl.u32 s24, $0x1;
	[sflag:s15] =	ssyncadd.s32 $0xFFFFE000  }
0x44: {  	s24 =	ssub.s32 s24, s25;
	_ =	swait.ge [sflag:s15], $0x2000  }
0x45: {  	s31 =	smax.u32 s24, $0x1;
	[sflag:s15] =	ssyncset.done $0x0  }
0x46: {  	s22 =	smul.u32 $0x2800, s22;
	p0 =	sne.s32 s31, $0x1;
	[sflag:s15] =	ssyncadd.s32 $0xFFFFE000  }
.Ltmp0:
0x47: {  	_ =	swait.ge [sflag:s15], $0x2000;
	(pc) =	sbr.rel @!p0 .LBB2_2-.Ltmp0, $4  }
0x48: {  	[sflag:s15] =	ssyncset.done $0x0  }
0x49: {  	s21 =	sadd.s32 s22, s21;
	[sflag:s15] =	ssyncadd.s32 $0xFFFFE000  }
0x4a: {  	s21 =	sadd.s32 $0x17C00, s21;
	_ =	swait.ge [sflag:s15], $0x2000  }
0x4b: {  	s22 =	sadd.s32 $0xFFFFFFFF, s31;
	s21 =	sadd.s32 s23, s21;
	[sflag:s15] =	ssyncset.done $0x0  }
.LBB2_1:
0x4c: {  	p0 =	sne.s32 s22, $0x1;
	s22 =	sadd.s32 $0xFFFFFFFF, s22;
	[sflag:s15] =	ssyncadd.s32 $0xFFFFE000  }
0x4d: {  	_ =	swait.ge [sflag:s15], $0x2000  }
0x4e: {  	[sflag:s15] =	ssyncset.done $0x0  }
0x4f: {  	[sflag:s15] =	ssyncadd.s32 $0xFFFFE000  }
0x50: {  	_ =	swait.ge [sflag:s15], $0x2000  }
0x51: {  	[sflag:s15] =	ssyncset.done $0x0  }
0x52: {  	[sflag:s15] =	ssyncadd.s32 $0xFFFFE000  }
0x53: {  	_ =	swait.ge [sflag:s15], $0x2000  }
0x54: {  	[sflag:s15] =	ssyncset.done $0x0  }
0x55: {  	[sflag:s15] =	ssyncadd.s32 $0xFFFFE000  }
0x56: {  	[bflag:$0x0] =	sbarrier.arrive $0xFFFF  }
0x57: {  	[hbm:s21], [sflag:s7] =	dma.local [spmem:s8], $0x280  }
0x58: {  	_ =	swait.ge [sflag:s2], $0x280  }
0x59: {  	[sflag:s2] =	ssyncset.done $0x0  }
0x5a: {  	[sflag:s2] =	ssyncadd.s32 $0xFFFFFD80  }
0x5b: {  	[tilespmem:s5], [sflag:$0x2] =	stream.linear.gather [hbm4b:s6+s5], $0x2710, $0x38;
	[tilespmem:$0x5C00] =	vst v63  }
0x5c: {  	_ =	swait.ge [sflag:s2], $0x2710  }
0x5d: {  	[sflag:s2] =	ssyncset.done $0x0  }
0x5e: {  	[sflag:s2] =	ssyncadd.s32 $0xFFFFD8F0  }
0x5f: {  	[tilespmem:$0x27F0] =	vst v0  }
0x60: {  	[tilespmem:$0x27E0] =	vst v1  }
0x61: {  	[tilespmem:$0x27D0] =	vst v2  }
0x62: {  	[tilespmem:$0x27C0] =	vst v3  }
0x63: {  	[tilespmem:$0x27B0] =	vst v4  }
0x64: {  	[tilespmem:$0x27A0] =	vst v5  }
0x65: {  	[tilespmem:$0x2790] =	vst v6  }
0x66: {  	[tilespmem:$0x2780] =	vst v7  }
0x67: {  	[tilespmem:$0x2770] =	vst v8  }
0x68: {  	[tilespmem:$0x2760] =	vst v9  }
0x69: {  	[tilespmem:$0x2750] =	vst v10  }
0x6a: {  	[tilespmem:$0x2740] =	vst v11  }
0x6b: {  	[tilespmem:$0x2730] =	vst v12  }
0x6c: {  	[tilespmem:$0x2710] =	vst v13  }
0x6d: {  	[tilespmem:$0x2720] =	vst v14  }
0x6e: {  	[tilespmem:s9], [sflag:$0x2] =	stream.linear.gather [hbm4b:s3+s5], $0x2000, $0x38;
	[tilespmem:$0x5C00] =	vst v63  }
0x6f: {  	_ =	swait.ge [sflag:s2], $0x2000  }
0x70: {  	[sflag:s2] =	ssyncset.done $0x0  }
0x71: {  	[sflag:s2] =	ssyncadd.s32 $0xFFFFE000  }
0x72: {  	[spmem:s8], [sflag:s7] =	dma.local [hbm:s10], $0x280  }
0x73: {  	_ =	swait.ge [sflag:s2], $0x280  }
0x74: {  	[sflag:s2] =	ssyncset.done $0x0  }
0x75: {  	[sflag:s2] =	ssyncadd.s32 $0xFFFFFD80  }
0x76: {  	[bflag:$0x0] =	sbarrier.arrive $0xFFFF  }
0x77: {  	[spmem:s4] =	stream.indirect.scatter.add.f32 [tilespmem:s9], [sflag:$0x1], $0x8, s5, s11, $0xb8;
	[tilespmem:$0x5C00] =	vst v63  }
0x78: {  	_ = 	snop  }
0x79: {  	[spmem:s4] =	stream.indirect.scatter.add.f32 [tilespmem:s9], [sflag:$0x1], $0x8, s11, s11, $0xb8;
	[tilespmem:$0x5C00] =	vst v63  }
0x7a: {  	_ = 	snop  }
0x7b: {  	[spmem:s4] =	stream.indirect.scatter.add.f32 [tilespmem:s9], [sflag:$0x1], $0x8, s12, s11, $0xb8;
	[tilespmem:$0x5C00] =	vst v63  }
0x7c: {  	_ = 	snop  }
0x7d: {  	[spmem:s4] =	stream.indirect.scatter.add.f32 [tilespmem:s9], [sflag:$0x1], $0x8, s13, s11, $0xb8;
	[tilespmem:$0x5C00] =	vst v63  }
0x7e: {  	_ = 	snop  }
0x7f: {  	[spmem:s4] =	stream.indirect.scatter.add.f32 [tilespmem:s9], [sflag:$0x1], $0x8, s14, s11, $0xb8;
	[tilespmem:$0x5C00] =	vst v63  }
0x80: {  	_ = 	snop  }
0x81: {  	[spmem:s4] =	stream.indirect.scatter.add.f32 [tilespmem:s9], [sflag:$0x1], $0x8, s16, s11, $0xb8;
	[tilespmem:$0x5C00] =	vst v63  }
0x82: {  	_ = 	snop  }
0x83: {  	[spmem:s4] =	stream.indirect.scatter.add.f32 [tilespmem:s9], [sflag:$0x1], $0x8, s17, s11, $0xb8;
	[tilespmem:$0x5C00] =	vst v63  }
0x84: {  	_ = 	snop  }
0x85: {  	[spmem:s4] =	stream.indirect.scatter.add.f32 [tilespmem:s9], [sflag:$0x1], $0x8, s18, s11, $0xb8;
	[tilespmem:$0x5C00] =	vst v63  }
0x86: {  	_ = 	snop  }
0x87: {  	[spmem:s4] =	stream.indirect.scatter.add.f32 [tilespmem:s9], [sflag:$0x1], $0x8, s19, s11, $0xb8;
	[tilespmem:$0x5C00] =	vst v63  }
0x88: {  	_ = 	snop  }
0x89: {  	[spmem:s4] =	stream.indirect.scatter.add.f32 [tilespmem:s9], [sflag:$0x1], $0x8, s20, s11, $0xb8;
	[tilespmem:$0x5C00] =	vst v63  }
0x8a: {  	_ =	swait.ge [sflag:s15], $0x2000  }
0x8b: {  	[sflag:s15] =	ssyncset.done $0x0  }
0x8c: {  	[sflag:s15] =	ssyncadd.s32 $0xFFFFE000  }
0x8d: {  	_ =	swait.ge [sflag:s15], $0x2000  }
0x8e: {  	[sflag:s15] =	ssyncset.done $0x0  }
0x8f: {  	[sflag:s15] =	ssyncadd.s32 $0xFFFFE000  }
0x90: {  	_ =	swait.ge [sflag:s15], $0x2000  }
0x91: {  	[sflag:s15] =	ssyncset.done $0x0  }
0x92: {  	[sflag:s15] =	ssyncadd.s32 $0xFFFFE000  }
0x93: {  	_ =	swait.ge [sflag:s15], $0x2000  }
0x94: {  	[sflag:s15] =	ssyncset.done $0x0  }
0x95: {  	[sflag:s15] =	ssyncadd.s32 $0xFFFFE000  }
0x96: {  	_ =	swait.ge [sflag:s15], $0x2000  }
0x97: {  	[sflag:s15] =	ssyncset.done $0x0  }
0x98: {  	[sflag:s15] =	ssyncadd.s32 $0xFFFFE000  }
.Ltmp1:
0x99: {  	_ =	swait.ge [sflag:s15], $0x2000;
	(pc) =	sbr.rel @p0 .LBB2_1-.Ltmp1, $4  }
0x9a: {  	[sflag:s15] =	ssyncset.done $0x0  }
0x9b: {  	[sflag:s15] =	ssyncadd.s32 $0xFFFFE000  }
0x9c: {  	_ =	swait.ge [sflag:s15], $0x2000  }
0x9d: {  	[sflag:s15] =	ssyncset.done $0x0  }
.LBB2_2:
0x9e: {  	[sflag:s15] =	ssyncadd.s32 $0xFFFFE000  }
0x9f: {  	_ =	swait.ge [sflag:s15], $0x2000  }
0xa0: {  	[sflag:s15] =	ssyncset.done $0x0  }
0xa1: {  	[sflag:s15] =	ssyncadd.s32 $0xFFFFE000  }
0xa2: {  	_ =	swait.ge [sflag:s15], $0x2000  }
0xa3: {  	[sflag:s15] =	ssyncset.done $0x0  }
0xa4: {  	[sflag:s15] =	ssyncadd.s32 $0xFFFFE000  }
0xa5: {  	_ =	swait.ge [sflag:s15], $0x2000  }
0xa6: {  	[sflag:s15] =	ssyncset.done $0x0  }
0xa7: {  	[sflag:s15] =	ssyncadd.s32 $0xFFFFE000  }
0xa8: {  	[bflag:$0x0] =	sbarrier.arrive $0xFFFF  }
0xa9: {  	[hbm:s21], [sflag:s7] =	dma.local [spmem:s8], $0x280  }
0xaa: {  	_ =	swait.ge [sflag:s2], $0x280  }
0xab: {  	[sflag:s2] =	ssyncset.done $0x0  }
0xac: {  	[sflag:s2] =	ssyncadd.s32 $0xFFFFFD80  }
0xad: {  	_ =	sfence.sel $0x180000  }
0xae: {  	[bflag:$0x0] =	sbarrier.arrive $0xFFFF  }
0xaf: {  	p0 =	sne.s32 s0, $0x0;
	_ =	strace $0x90000047  }
0xb0: {  	s0 =	sadd.s32 @!p0 $0x100000, s1;
	[bflag:$0x2] =	sbarrier.arrive $0xFFFF  }
0xb1: {  	[sflag:s0] =	ssyncadd.tile.s32 @!p0 $0x1;
	_ =	shalt  }
.Lfunc_end2:
_tile_overlayer_lowered:
.L_overlay_start_2:
0xb2: {  	(tag) =	ssettag $0x2  }
0xb3: {  	s0 =	rddreg [dreg:$0x0];
	s2 =	stileid.u32  }
0xb4: {  	s1 =	rddreg [dreg:$0x1];
	p0 =	sne.s32 s2, $0x0  }
0xb5: {  	s3 =	rddreg [dreg:$0x2];
	[bflag:$0x3] =	sbarrier.arrive $0xFFFF;
	s2 =	simm.s32 @!p0 $0x1C02  }
0xb6: {  	[timem:s3], [sflag:s2] =	dma.local @!p0 [hbm:s0], s1  }
0xb7: {  	s0 =	simm.s32 @!p0 $0x2  }
0xb8: {  	_ =	swait.ge @!p0 [sflag:s0], s1  }
0xb9: {  	s1 =	ssub.s32 @!p0 $0x0, s1;
	[sflag:s0] =	ssyncset.done @!p0 $0x0  }
0xba: {  	[sflag:s0] =	ssyncadd.s32 @!p0 s1  }
0xbb: {  	[bflag:$0x3] =	sbarrier.arrive $0xFFFF  }
0xbc: {  	_ =	shalt  }

</sc_bundles>
